<compile_context>
chip_gen: v7x
topology: tpu7x:2x2x1
jax: 0.10.2.dev20260603
libtpu: 0.0.44.dev20260713+nightly
codegen_flags: <defaults>
</compile_context>

<pallas_src>
import functools

import jax
import jax.numpy as jnp
from jax import lax
from jax.experimental import pallas as pl
from jax.experimental.pallas import tpu as pltpu
from jax.experimental.pallas import tpu_sc as plsc

N = 10000
NP = 10240
D = 128
E = 320000
NC, NS = 2, 16
NW = NC * NS
CB = 128
EP = 327680
CH = EP // (NW * CB)
NCHUNK = EP // CB
G = 40
CH0 = 160
RPT = NP // NS
BR = 512
GRID = NP // BR

_sc_mesh = plsc.VectorSubcoreMesh(core_axis_name="c", subcore_axis_name="s")


@functools.partial(
    pl.kernel,
    out_type=jax.ShapeDtypeStruct((NC, NP), jnp.float32),
    mesh=_sc_mesh,
    scratch_types=[
        pltpu.VMEM_SHARED((NP,), jnp.float32),
        pltpu.VMEM((CH, 2, CB), jnp.int32),
        pltpu.VMEM((CB,), jnp.float32),
        pltpu.VMEM((RPT,), jnp.float32),
    ],
)
def _sc_hist(sd_hbm, out_hbm, dega, sdb, ones, zb):
    cid = lax.axis_index("c")
    sid = lax.axis_index("s")
    wid = sid * NC + cid
    base = wid * CH
    z16 = jnp.zeros((16,), jnp.float32)
    o16 = jnp.ones((16,), jnp.float32)

    def _zfill(i, _):
        zb[pl.ds(i * 16, 16)] = z16
        return 0

    lax.fori_loop(0, RPT // 16, _zfill, 0)
    for i in range(CB // 16):
        ones[pl.ds(i * 16, 16)] = o16
    rs = pl.ds(sid * RPT, RPT)
    pltpu.sync_copy(zb, dega.at[rs])
    plsc.subcore_barrier()

    pltpu.sync_copy(sd_hbm.at[pl.ds(base, CH)], sdb)

    def _body(j, _):
        pltpu.sync_copy(ones, dega.at[sdb.at[j, 1]], add=True)
        return 0

    lax.fori_loop(0, CH, _body, 0)
    plsc.subcore_barrier()
    pltpu.sync_copy(dega.at[rs], out_hbm.at[cid, rs])


@functools.partial(
    pl.kernel,
    out_type=jax.ShapeDtypeStruct((NP, D), jnp.float32),
    mesh=_sc_mesh,
    scratch_types=[
        pltpu.VMEM_SHARED((NP, D), jnp.float32),
        pltpu.VMEM((G, 2, CB), jnp.int32),
        pltpu.VMEM((CB, D), jnp.float32),
        pltpu.VMEM((CB, D), jnp.float32),
        pltpu.SemaphoreType.DMA,
        pltpu.SemaphoreType.DMA,
    ],
)
def _sc_scatter(tab_hbm, sd_hbm, out_hbm,
                acc, sdb, rows0, rows1, sem0, sem1):
    cid = lax.axis_index("c")
    sid = lax.axis_index("s")
    base_row = sid * RPT

    def _body(i, _):
        j0 = 2 * i
        pltpu.async_copy(tab_hbm.at[sdb.at[j0 + 1, 0]], rows1, sem1)
        pltpu.make_async_copy(tab_hbm.at[sdb.at[j0, 0]], rows0, sem0).wait()
        pltpu.sync_copy(rows0, acc.at[sdb.at[j0, 1]], add=True)

        @pl.when(j0 + 2 < G)
        def _():
            pltpu.async_copy(tab_hbm.at[sdb.at[j0 + 2, 0]], rows0, sem0)

        pltpu.make_async_copy(tab_hbm.at[sdb.at[j0 + 1, 0]], rows1, sem1).wait()
        pltpu.sync_copy(rows1, acc.at[sdb.at[j0 + 1, 1]], add=True)
        return 0

    @pl.when(cid == 0)
    def _():
        rs = pl.ds(base_row, RPT)
        pltpu.sync_copy(tab_hbm.at[rs], acc.at[rs])
        plsc.subcore_barrier()

        for g in range(CH0 // G):
            pltpu.sync_copy(sd_hbm.at[pl.ds(sid * CH0 + g * G, G)], sdb)
            pltpu.async_copy(tab_hbm.at[sdb.at[0, 0]], rows0, sem0)
            lax.fori_loop(0, G // 2, _body, 0)

        plsc.subcore_barrier()
        pltpu.sync_copy(acc.at[rs], out_hbm.at[rs])


def _mm1_body(deg_ref, x_ref, w_ref, hs_ref, d_ref):
    dd = lax.rsqrt(deg_ref[0] + deg_ref[1] + 1.0)
    h = jnp.dot(x_ref[...], w_ref[...], preferred_element_type=jnp.float32)
    hs_ref[...] = h * dd[:, None]
    d_ref[...] = dd


def _mm1(degp, xp, W1):
    return pl.pallas_call(
        _mm1_body,
        grid=(GRID,),
        in_specs=[
            pl.BlockSpec((NC, BR), lambda i: (0, i)),
            pl.BlockSpec((BR, D), lambda i: (i, 0)),
            pl.BlockSpec((D, D), lambda i: (0, 0)),
        ],
        out_specs=[
            pl.BlockSpec((BR, D), lambda i: (i, 0)),
            pl.BlockSpec((BR,), lambda i: (i,)),
        ],
        out_shape=[
            jax.ShapeDtypeStruct((NP, D), jnp.float32),
            jax.ShapeDtypeStruct((NP,), jnp.float32),
        ],
    )(degp, xp, W1)


def _mid_body(acc_ref, d_ref, b_ref, w_ref, hs_ref):
    dd = d_ref[...]
    z = jnp.maximum(acc_ref[...] * dd[:, None] + b_ref[...][None, :], 0.0)
    hs_ref[...] = jnp.dot(z, w_ref[...], preferred_element_type=jnp.float32) * dd[:, None]


def _mid(acc, d, b1, W2):
    return pl.pallas_call(
        _mid_body,
        grid=(GRID,),
        in_specs=[
            pl.BlockSpec((BR, D), lambda i: (i, 0)),
            pl.BlockSpec((BR,), lambda i: (i,)),
            pl.BlockSpec((D,), lambda i: (0,)),
            pl.BlockSpec((D, D), lambda i: (0, 0)),
        ],
        out_specs=pl.BlockSpec((BR, D), lambda i: (i, 0)),
        out_shape=jax.ShapeDtypeStruct((NP, D), jnp.float32),
    )(acc, d, b1, W2)


def _fin_body(acc_ref, d_ref, b_ref, wc_ref, bc_ref, out_ref):
    dd = d_ref[...]
    h = jnp.maximum(acc_ref[...] * dd[:, None] + b_ref[...][None, :], 0.0)
    out_ref[...] = jnp.dot(h, wc_ref[...], preferred_element_type=jnp.float32) + bc_ref[...][None, :]


def _fin(acc, d, b2, Wc, bc):
    ncls = Wc.shape[1]
    return pl.pallas_call(
        _fin_body,
        grid=(GRID,),
        in_specs=[
            pl.BlockSpec((BR, D), lambda i: (i, 0)),
            pl.BlockSpec((BR,), lambda i: (i,)),
            pl.BlockSpec((D,), lambda i: (0,)),
            pl.BlockSpec((D, ncls), lambda i: (0, 0)),
            pl.BlockSpec((ncls,), lambda i: (0,)),
        ],
        out_specs=pl.BlockSpec((BR, ncls), lambda i: (i, 0)),
        out_shape=jax.ShapeDtypeStruct((NP, ncls), jnp.float32),
    )(acc, d, b2, Wc, bc)


def kernel(x, edge_index, W1, b1, W2, b2, Wc, bc):
    ei = edge_index.astype(jnp.int32)
    padv = jnp.full((EP - E,), N, jnp.int32)
    src = jnp.concatenate([ei[0], padv]).reshape(NCHUNK, 1, CB)
    dst = jnp.concatenate([ei[1], padv]).reshape(NCHUNK, 1, CB)
    sd = jnp.concatenate([src, dst], axis=1)
    xp = jnp.pad(x, ((0, NP - N), (0, 0)))

    degp = _sc_hist(sd)
    hs1, d = _mm1(degp, xp, W1)
    acc1 = _sc_scatter(hs1, sd)
    hs2 = _mid(acc1, d, b1, W2)
    acc2 = _sc_scatter(hs2, sd)
    logits = _fin(acc2, d, b2, Wc, bc)
    return logits[:N]

# --- scband reference (transcript-rebuilt; emitter-appended) ---
"""Pipeline reference for scband-ablation-gcn-25005299597830 (READ-ONLY COPY).

The authoritative reference and input builder live on the scoring server;
editing this copy changes nothing except your own understanding.
"""

import jax, jax.numpy as jnp
import numpy as np

N_NODES = 10000
N_EDGES = 320000
D_IN = 128
D_HID = 128
N_CLASSES = 2


def setup_inputs(seed: int = 0) -> dict:
    key = jax.random.key(seed)
    k_x, k_e, k_w1, k_b1, k_w2, k_b2, k_wc, k_bc = jax.random.split(key, 8)
    x = jax.random.normal(k_x, (N_NODES, D_IN), dtype=jnp.float32)
    edge_index = jax.random.randint(k_e, (2, N_EDGES), 0, N_NODES, dtype=jnp.int64)
    # GCNConv weights (glorot-ish init) and biases
    W1 = jax.random.normal(k_w1, (D_IN, D_HID), dtype=jnp.float32) * (1.0 / np.sqrt(D_IN))
    b1 = jnp.zeros((D_HID,), dtype=jnp.float32)
    W2 = jax.random.normal(k_w2, (D_HID, D_HID), dtype=jnp.float32) * (1.0 / np.sqrt(D_HID))
    b2 = jnp.zeros((D_HID,), dtype=jnp.float32)
    Wc = jax.random.normal(k_wc, (D_HID, N_CLASSES), dtype=jnp.float32) * (1.0 / np.sqrt(D_HID))
    bc = jnp.zeros((N_CLASSES,), dtype=jnp.float32)
    return {"x": x, "edge_index": edge_index, "W1": W1, "b1": b1, "W2": W2, "b2": b2, "Wc": Wc, "bc": bc}


def _gcn_conv(x, src, dst, deg_inv_sqrt, W, b):
    # x' = D^{-1/2} (A + I) D^{-1/2} X W + b  (self-loops already appended to src/dst)
    h = x @ W
    norm = deg_inv_sqrt[src] * deg_inv_sqrt[dst]
    msg = h[src] * norm[:, None]
    out = jnp.zeros((x.shape[0], W.shape[1]), dtype=h.dtype).at[dst].add(msg)
    return out + b


def reference(x, edge_index, W1, b1, W2, b2, Wc, bc):
    N = x.shape[0]
    loop = jnp.arange(N, dtype=edge_index.dtype)
    src = jnp.concatenate([edge_index[0], loop])
    dst = jnp.concatenate([edge_index[1], loop])
    # symmetric normalization degrees (with self-loops); deg >= 1 always
    deg = jnp.zeros((N,), dtype=jnp.float32).at[dst].add(1.0)
    deg_inv_sqrt = jax.lax.rsqrt(deg)

    h = jax.nn.relu(_gcn_conv(x, src, dst, deg_inv_sqrt, W1, b1))
    # dropout: eval mode (identity)
    h = jax.nn.relu(_gcn_conv(h, src, dst, deg_inv_sqrt, W2, b2))
    logits = h @ Wc + bc
    return logits

if __name__ == "__main__":
    import jax
    _d = setup_inputs()
    print(jax.jit(kernel)(*tuple(_d.values())))

</pallas_src>

<mosaic_0001>
#map = affine_map<(d0, d1) -> (0, 0, 0)>
#map1 = affine_map<(d0, d1) -> (0, 0)>
module attributes {stable_mosaic.version = 14 : i64} {
  func.func @_sc_hist(%arg0: i32, %arg1: i32, %arg2: memref<2560x2x128xi32, #tpu.memory_space<hbm>>, %arg3: memref<2x10240xf32, #tpu.memory_space<hbm>>, %arg4: memref<10240xf32, #tpu.memory_space<vmem_shared>>, %arg5: memref<80x2x128xi32, #tpu.memory_space<vmem>>, %arg6: memref<128xf32, #tpu.memory_space<vmem>>, %arg7: memref<640xf32, #tpu.memory_space<vmem>>) attributes {dimension_semantics = [#tpu.dimension_semantics<core_parallel>, #tpu.dimension_semantics<subcore_parallel>], iteration_bounds = array<i64: 2, 16>, scalar_prefetch = 0 : i64, scratch_operands = 4 : i64, tpu.core_type = #tpu.core_type<sc_vector_subcore>, window_params = [{transform_indices = #map}, {transform_indices = #map1}]} {
    %mul3A = arith.constant 2 : i32
    %mul3A_0 = arith.muli %arg1, %mul3A : i32
    %add3A = arith.addi %mul3A_0, %arg0 : i32
    %mul3A_1 = arith.constant 80 : i32
    %mul3A_2 = arith.muli %add3A, %mul3A_1 : i32
    %broadcast_in_dim3A = arith.constant 0.000000e+00 : f32
    %broadcast_in_dim3A_3 = vector.broadcast %broadcast_in_dim3A : f32 to vector<16xf32>
    %broadcast_in_dim3A_4 = arith.constant 1.000000e+00 : f32
    %broadcast_in_dim3A_5 = vector.broadcast %broadcast_in_dim3A_4 : f32 to vector<16xf32>
    %scan3A = arith.constant 0 : i32
    %scan3A_6 = arith.constant 0 : i32
    %scan3A_7 = arith.constant 40 : i32
    %scan3A_8 = arith.addi %scan3A_6, %scan3A_7 : i32
    %scan3A_9 = arith.constant 1 : i32
    %scan3A_10 = scf.for %scan3A_53 = %scan3A_6 to %scan3A_8 step %scan3A_9 iter_args(%scan3A_54 = %scan3A) -> (i32)  : i32 {
      %mul3A_55 = arith.constant 16 : i32
      %mul3A_56 = arith.muli %scan3A_53, %mul3A_55 : i32
      %swap3A_57 = arith.index_cast %mul3A_56 : i32 to index
      %swap3A_58 = tpu.vector_load %arg7[%swap3A_57] {strides = array<i32>} : memref<640xf32, #tpu.memory_space<vmem>>, vector<16xf32>,
      %swap3A_59 = vector.shape_cast %swap3A_58 : vector<16xf32> to vector<16xf32>
      %swap3A_60 = vector.shape_cast %broadcast_in_dim3A_3 : vector<16xf32> to vector<16xf32>
      tpu.vector_store %arg7[%swap3A_57], %swap3A_60 {strides = array<i32>} : memref<640xf32, #tpu.memory_space<vmem>>, vector<16xf32>,
      %scan3A_61 = arith.constant 0 : i32
      scf.yield %scan3A_61 : i32
    }
    %scan3A_11 = arith.constant 40 : i32
    %swap3A = arith.constant 0 : index
    %swap3A_12 = tpu.vector_load %arg6[%swap3A] {strides = array<i32>} : memref<128xf32, #tpu.memory_space<vmem>>, vector<16xf32>,
    %swap3A_13 = vector.shape_cast %swap3A_12 : vector<16xf32> to vector<16xf32>
    %swap3A_14 = vector.shape_cast %broadcast_in_dim3A_5 : vector<16xf32> to vector<16xf32>
    tpu.vector_store %arg6[%swap3A], %swap3A_14 {strides = array<i32>} : memref<128xf32, #tpu.memory_space<vmem>>, vector<16xf32>,
    %swap3A_15 = arith.constant 16 : index
    %swap3A_16 = tpu.vector_load %arg6[%swap3A_15] {strides = array<i32>} : memref<128xf32, #tpu.memory_space<vmem>>, vector<16xf32>,
    %swap3A_17 = vector.shape_cast %swap3A_16 : vector<16xf32> to vector<16xf32>
    %swap3A_18 = vector.shape_cast %broadcast_in_dim3A_5 : vector<16xf32> to vector<16xf32>
    tpu.vector_store %arg6[%swap3A_15], %swap3A_18 {strides = array<i32>} : memref<128xf32, #tpu.memory_space<vmem>>, vector<16xf32>,
    %swap3A_19 = arith.constant 32 : index
    %swap3A_20 = tpu.vector_load %arg6[%swap3A_19] {strides = array<i32>} : memref<128xf32, #tpu.memory_space<vmem>>, vector<16xf32>,
    %swap3A_21 = vector.shape_cast %swap3A_20 : vector<16xf32> to vector<16xf32>
    %swap3A_22 = vector.shape_cast %broadcast_in_dim3A_5 : vector<16xf32> to vector<16xf32>
    tpu.vector_store %arg6[%swap3A_19], %swap3A_22 {strides = array<i32>} : memref<128xf32, #tpu.memory_space<vmem>>, vector<16xf32>,
    %swap3A_23 = arith.constant 48 : index
    %swap3A_24 = tpu.vector_load %arg6[%swap3A_23] {strides = array<i32>} : memref<128xf32, #tpu.memory_space<vmem>>, vector<16xf32>,
    %swap3A_25 = vector.shape_cast %swap3A_24 : vector<16xf32> to vector<16xf32>
    %swap3A_26 = vector.shape_cast %broadcast_in_dim3A_5 : vector<16xf32> to vector<16xf32>
    tpu.vector_store %arg6[%swap3A_23], %swap3A_26 {strides = array<i32>} : memref<128xf32, #tpu.memory_space<vmem>>, vector<16xf32>,
    %swap3A_27 = arith.constant 64 : index
    %swap3A_28 = tpu.vector_load %arg6[%swap3A_27] {strides = array<i32>} : memref<128xf32, #tpu.memory_space<vmem>>, vector<16xf32>,
    %swap3A_29 = vector.shape_cast %swap3A_28 : vector<16xf32> to vector<16xf32>
    %swap3A_30 = vector.shape_cast %broadcast_in_dim3A_5 : vector<16xf32> to vector<16xf32>
    tpu.vector_store %arg6[%swap3A_27], %swap3A_30 {strides = array<i32>} : memref<128xf32, #tpu.memory_space<vmem>>, vector<16xf32>,
    %swap3A_31 = arith.constant 80 : index
    %swap3A_32 = tpu.vector_load %arg6[%swap3A_31] {strides = array<i32>} : memref<128xf32, #tpu.memory_space<vmem>>, vector<16xf32>,
    %swap3A_33 = vector.shape_cast %swap3A_32 : vector<16xf32> to vector<16xf32>
    %swap3A_34 = vector.shape_cast %broadcast_in_dim3A_5 : vector<16xf32> to vector<16xf32>
    tpu.vector_store %arg6[%swap3A_31], %swap3A_34 {strides = array<i32>} : memref<128xf32, #tpu.memory_space<vmem>>, vector<16xf32>,
    %swap3A_35 = arith.constant 96 : index
    %swap3A_36 = tpu.vector_load %arg6[%swap3A_35] {strides = array<i32>} : memref<128xf32, #tpu.memory_space<vmem>>, vector<16xf32>,
    %swap3A_37 = vector.shape_cast %swap3A_36 : vector<16xf32> to vector<16xf32>
    %swap3A_38 = vector.shape_cast %broadcast_in_dim3A_5 : vector<16xf32> to vector<16xf32>
    tpu.vector_store %arg6[%swap3A_35], %swap3A_38 {strides = array<i32>} : memref<128xf32, #tpu.memory_space<vmem>>, vector<16xf32>,
    %swap3A_39 = arith.constant 112 : index
    %swap3A_40 = tpu.vector_load %arg6[%swap3A_39] {strides = array<i32>} : memref<128xf32, #tpu.memory_space<vmem>>, vector<16xf32>,
    %swap3A_41 = vector.shape_cast %swap3A_40 : vector<16xf32> to vector<16xf32>
    %swap3A_42 = vector.shape_cast %broadcast_in_dim3A_5 : vector<16xf32> to vector<16xf32>
    tpu.vector_store %arg6[%swap3A_39], %swap3A_42 {strides = array<i32>} : memref<128xf32, #tpu.memory_space<vmem>>, vector<16xf32>,
    %mul3A_43 = arith.constant 640 : i32
    %mul3A_44 = arith.muli %arg1, %mul3A_43 : i32
    "tpu.region"() ({
      %run_scoped3A = tpu.sem_alloc : memref<!tpu.dma_semaphore, #tpu.memory_space<semaphore_mem>>
      %dma_start3A = tpu.memref_slice %arg4[%mul3A_44] : memref<10240xf32, #tpu.memory_space<vmem_shared>> -> memref<640xf32, #tpu.memory_space<vmem_shared>>
      %dma_start3A_53 = tpu.memref_slice %arg4[%mul3A_44] : memref<10240xf32, #tpu.memory_space<vmem_shared>> -> memref<640xf32, #tpu.memory_space<vmem_shared>>
      tpu.enqueue_dma source(%arg7 : memref<640xf32, #tpu.memory_space<vmem>>) target(%dma_start3A_53 : memref<640xf32, #tpu.memory_space<vmem_shared>>) target_semaphore(%run_scoped3A : memref<!tpu.dma_semaphore, #tpu.memory_space<semaphore_mem>>)
      %dma_wait3A = tpu.memref_slice %arg4[%mul3A_44] : memref<10240xf32, #tpu.memory_space<vmem_shared>> -> memref<640xf32, #tpu.memory_space<vmem_shared>>
      %dma_wait3A_54 = tpu.memref_slice %arg4[%mul3A_44] : memref<10240xf32, #tpu.memory_space<vmem_shared>> -> memref<640xf32, #tpu.memory_space<vmem_shared>>
      tpu.wait_dma2 semaphore(%run_scoped3A : memref<!tpu.dma_semaphore, #tpu.memory_space<semaphore_mem>>) src(%arg7 : memref<640xf32, #tpu.memory_space<vmem>>) dst(%dma_wait3A_54 : memref<640xf32, #tpu.memory_space<vmem_shared>>)
      tpu.yield
    }) : () -> ()
    %barrier3A = arith.constant 0 : index
    tpu.barrier barrier_id(%barrier3A)
    "tpu.region"() ({
      %run_scoped3A = tpu.sem_alloc : memref<!tpu.dma_semaphore, #tpu.memory_space<semaphore_mem>>
      %dma_start3A = arith.constant 0 : i32
      %dma_start3A_53 = arith.constant 0 : i32
      %dma_start3A_54 = tpu.memref_slice %arg2[%mul3A_2, %dma_start3A, %dma_start3A_53] : memref<2560x2x128xi32, #tpu.memory_space<hbm>> -> memref<80x2x128xi32, #tpu.memory_space<hbm>>
      %dma_start3A_55 = arith.constant 0 : i32
      %dma_start3A_56 = arith.constant 0 : i32
      %dma_start3A_57 = tpu.memref_slice %arg2[%mul3A_2, %dma_start3A_55, %dma_start3A_56] : memref<2560x2x128xi32, #tpu.memory_space<hbm>> -> memref<80x2x128xi32, #tpu.memory_space<hbm>>
      tpu.enqueue_dma source(%dma_start3A_57 : memref<80x2x128xi32, #tpu.memory_space<hbm>>) target(%arg5 : memref<80x2x128xi32, #tpu.memory_space<vmem>>) target_semaphore(%run_scoped3A : memref<!tpu.dma_semaphore, #tpu.memory_space<semaphore_mem>>)
      %dma_wait3A = arith.constant 0 : i32
      %dma_wait3A_58 = arith.constant 0 : i32
      %dma_wait3A_59 = tpu.memref_slice %arg2[%mul3A_2, %dma_wait3A, %dma_wait3A_58] : memref<2560x2x128xi32, #tpu.memory_space<hbm>> -> memref<80x2x128xi32, #tpu.memory_space<hbm>>
      %dma_wait3A_60 = arith.constant 0 : i32
      %dma_wait3A_61 = arith.constant 0 : i32
      %dma_wait3A_62 = tpu.memref_slice %arg2[%mul3A_2, %dma_wait3A_60, %dma_wait3A_61] : memref<2560x2x128xi32, #tpu.memory_space<hbm>> -> memref<80x2x128xi32, #tpu.memory_space<hbm>>
      tpu.wait_dma2 semaphore(%run_scoped3A : memref<!tpu.dma_semaphore, #tpu.memory_space<semaphore_mem>>) src(%dma_wait3A_62 : memref<80x2x128xi32, #tpu.memory_space<hbm>>) dst(%arg5 : memref<80x2x128xi32, #tpu.memory_space<vmem>>)
      tpu.yield
    }) : () -> ()
    %scan3A_45 = arith.constant 0 : i32
    %scan3A_46 = arith.constant 0 : i32
    %scan3A_47 = arith.constant 80 : i32
    %scan3A_48 = arith.addi %scan3A_46, %scan3A_47 : i32
    %scan3A_49 = arith.constant 1 : i32
    %scan3A_50 = scf.for %scan3A_53 = %scan3A_46 to %scan3A_48 step %scan3A_49 iter_args(%scan3A_54 = %scan3A_45) -> (i32)  : i32 {
      %run_scoped3A = arith.constant 1 : i32
      "tpu.region"() ({
        %run_scoped3A_56 = tpu.sem_alloc : memref<!tpu.dma_semaphore, #tpu.memory_space<semaphore_mem>>
        %dma_start3A = arith.constant 0 : i32
        %dma_start3A_57 = tpu.memref_slice %arg5[%scan3A_53, %run_scoped3A, %dma_start3A] : memref<80x2x128xi32, #tpu.memory_space<vmem>> -> memref<1x1x128xi32, #tpu.memory_space<vmem>>
        %dma_start3A_58 = tpu.memref_squeeze %dma_start3A_57 : memref<1x1x128xi32, #tpu.memory_space<vmem>> -> memref<128xi32, #tpu.memory_space<vmem>>
        %dma_start3A_59 = arith.constant 0 : i32
        %dma_start3A_60 = tpu.memref_slice %arg4[%dma_start3A_59] : memref<10240xf32, #tpu.memory_space<vmem_shared>> -> memref<10240xf32, #tpu.memory_space<vmem_shared>>
        tpu.enqueue_indirect_dma source(%arg6 : memref<128xf32, #tpu.memory_space<vmem>>) target(%dma_start3A_60 : memref<10240xf32, #tpu.memory_space<vmem_shared>>) offsets(%dma_start3A_58 : memref<128xi32, #tpu.memory_space<vmem>>) semaphore(%run_scoped3A_56 : memref<!tpu.dma_semaphore, #tpu.memory_space<semaphore_mem>>) {add = true}
        %dma_wait3A = arith.constant 0 : i32
        %dma_wait3A_61 = tpu.memref_slice %arg5[%scan3A_53, %run_scoped3A, %dma_wait3A] : memref<80x2x128xi32, #tpu.memory_space<vmem>> -> memref<1x1x128xi32, #tpu.memory_space<vmem>>
        %dma_wait3A_62 = tpu.memref_squeeze %dma_wait3A_61 : memref<1x1x128xi32, #tpu.memory_space<vmem>> -> memref<128xi32, #tpu.memory_space<vmem>>
        %dma_wait3A_63 = arith.constant 0 : i32
        %dma_wait3A_64 = tpu.memref_slice %arg4[%dma_wait3A_63] : memref<10240xf32, #tpu.memory_space<vmem_shared>> -> memref<10240xf32, #tpu.memory_space<vmem_shared>>
        tpu.wait_indirect_dma semaphore(%run_scoped3A_56 : memref<!tpu.dma_semaphore, #tpu.memory_space<semaphore_mem>>) src(%arg6 : memref<128xf32, #tpu.memory_space<vmem>>) dst(%dma_wait3A_64 : memref<10240xf32, #tpu.memory_space<vmem_shared>>)
        tpu.yield
      }) : () -> ()
      %scan3A_55 = arith.constant 0 : i32
      scf.yield %scan3A_55 : i32
    }
    %scan3A_51 = arith.constant 80 : i32
    %barrier3A_52 = arith.constant 0 : index
    tpu.barrier barrier_id(%barrier3A_52)
    "tpu.region"() ({
      %run_scoped3A = tpu.sem_alloc : memref<!tpu.dma_semaphore, #tpu.memory_space<semaphore_mem>>
      %dma_start3A = tpu.memref_slice %arg3[%arg0, %mul3A_44] : memref<2x10240xf32, #tpu.memory_space<hbm>> -> memref<1x640xf32, #tpu.memory_space<hbm>>
      %dma_start3A_53 = tpu.memref_squeeze %dma_start3A : memref<1x640xf32, #tpu.memory_space<hbm>> -> memref<640xf32, #tpu.memory_space<hbm>>
      %dma_start3A_54 = tpu.memref_slice %arg4[%mul3A_44] : memref<10240xf32, #tpu.memory_space<vmem_shared>> -> memref<640xf32, #tpu.memory_space<vmem_shared>>
      tpu.enqueue_dma source(%dma_start3A_54 : memref<640xf32, #tpu.memory_space<vmem_shared>>) target(%dma_start3A_53 : memref<640xf32, #tpu.memory_space<hbm>>) target_semaphore(%run_scoped3A : memref<!tpu.dma_semaphore, #tpu.memory_space<semaphore_mem>>)
      %dma_wait3A = tpu.memref_slice %arg3[%arg0, %mul3A_44] : memref<2x10240xf32, #tpu.memory_space<hbm>> -> memref<1x640xf32, #tpu.memory_space<hbm>>
      %dma_wait3A_55 = tpu.memref_squeeze %dma_wait3A : memref<1x640xf32, #tpu.memory_space<hbm>> -> memref<640xf32, #tpu.memory_space<hbm>>
      %dma_wait3A_56 = tpu.memref_slice %arg4[%mul3A_44] : memref<10240xf32, #tpu.memory_space<vmem_shared>> -> memref<640xf32, #tpu.memory_space<vmem_shared>>
      tpu.wait_dma2 semaphore(%run_scoped3A : memref<!tpu.dma_semaphore, #tpu.memory_space<semaphore_mem>>) src(%dma_wait3A_56 : memref<640xf32, #tpu.memory_space<vmem_shared>>) dst(%dma_wait3A_55 : memref<640xf32, #tpu.memory_space<hbm>>)
      tpu.yield
    }) : () -> ()
    return
  }
}

#map = affine_map<(d0, d1) -> (0, 0)>
#map1 = affine_map<(d0, d1) -> (0, 0, 0)>
module attributes {stable_mosaic.version = 14 : i64} {
  func.func @_sc_scatter(%arg0: i32, %arg1: i32, %arg2: memref<10240x128xf32, #tpu.memory_space<hbm>>, %arg3: memref<2560x2x128xi32, #tpu.memory_space<hbm>>, %arg4: memref<10240x128xf32, #tpu.memory_space<hbm>>, %arg5: memref<10240x128xf32, #tpu.memory_space<vmem_shared>>, %arg6: memref<40x2x128xi32, #tpu.memory_space<vmem>>, %arg7: memref<128x128xf32, #tpu.memory_space<vmem>>, %arg8: memref<128x128xf32, #tpu.memory_space<vmem>>, %arg9: memref<!tpu.dma_semaphore, #tpu.memory_space<semaphore_mem>>, %arg10: memref<!tpu.dma_semaphore, #tpu.memory_space<semaphore_mem>>) attributes {dimension_semantics = [#tpu.dimension_semantics<core_parallel>, #tpu.dimension_semantics<subcore_parallel>], iteration_bounds = array<i64: 2, 16>, scalar_prefetch = 0 : i64, scratch_operands = 6 : i64, tpu.core_type = #tpu.core_type<sc_vector_subcore>, window_params = [{transform_indices = #map}, {transform_indices = #map1}, {transform_indices = #map}]} {
    %mul3A = arith.constant 640 : i32
    %mul3A_0 = arith.muli %arg1, %mul3A : i32
    %eq3A = arith.constant 0 : i32
    %eq3A_1 = arith.cmpi eq, %arg0, %eq3A : i32
    %convert_element_type3A = arith.extui %eq3A_1 : i1 to i32
    %cond3A = arith.constant 0 : i32
    %cond3A_2 = arith.cmpi ne, %convert_element_type3A, %cond3A : i32
    scf.if %cond3A_2 {
      "tpu.region"() ({
        %run_scoped3A = tpu.sem_alloc : memref<!tpu.dma_semaphore, #tpu.memory_space<semaphore_mem>>
        %dma_start3A_77 = arith.constant 0 : i32
        %dma_start3A_78 = tpu.memref_slice %arg5[%mul3A_0, %dma_start3A_77] : memref<10240x128xf32, #tpu.memory_space<vmem_shared>> -> memref<640x128xf32, #tpu.memory_space<vmem_shared>>
        %dma_start3A_79 = arith.constant 0 : i32
        %dma_start3A_80 = tpu.memref_slice %arg2[%mul3A_0, %dma_start3A_79] : memref<10240x128xf32, #tpu.memory_space<hbm>> -> memref<640x128xf32, #tpu.memory_space<hbm>>
        tpu.enqueue_dma source(%dma_start3A_80 : memref<640x128xf32, #tpu.memory_space<hbm>>) target(%dma_start3A_78 : memref<640x128xf32, #tpu.memory_space<vmem_shared>>) target_semaphore(%run_scoped3A : memref<!tpu.dma_semaphore, #tpu.memory_space<semaphore_mem>>)
        %dma_wait3A = arith.constant 0 : i32
        %dma_wait3A_81 = tpu.memref_slice %arg5[%mul3A_0, %dma_wait3A] : memref<10240x128xf32, #tpu.memory_space<vmem_shared>> -> memref<640x128xf32, #tpu.memory_space<vmem_shared>>
        %dma_wait3A_82 = arith.constant 0 : i32
        %dma_wait3A_83 = tpu.memref_slice %arg2[%mul3A_0, %dma_wait3A_82] : memref<10240x128xf32, #tpu.memory_space<hbm>> -> memref<640x128xf32, #tpu.memory_space<hbm>>
        tpu.wait_dma2 semaphore(%run_scoped3A : memref<!tpu.dma_semaphore, #tpu.memory_space<semaphore_mem>>) src(%dma_wait3A_83 : memref<640x128xf32, #tpu.memory_space<hbm>>) dst(%dma_wait3A_81 : memref<640x128xf32, #tpu.memory_space<vmem_shared>>)
        tpu.yield
      }) : () -> ()
      %barrier3A = arith.constant 0 : index
      tpu.barrier barrier_id(%barrier3A)
      %mul3A_3 = arith.constant 160 : i32
      %mul3A_4 = arith.muli %arg1, %mul3A_3 : i32
      %add3A = arith.constant 0 : i32
      %add3A_5 = arith.addi %mul3A_4, %add3A : i32
      "tpu.region"() ({
        %run_scoped3A = tpu.sem_alloc : memref<!tpu.dma_semaphore, #tpu.memory_space<semaphore_mem>>
        %dma_start3A_77 = arith.constant 0 : i32
        %dma_start3A_78 = arith.constant 0 : i32
        %dma_start3A_79 = tpu.memref_slice %arg3[%add3A_5, %dma_start3A_77, %dma_start3A_78] : memref<2560x2x128xi32, #tpu.memory_space<hbm>> -> memref<40x2x128xi32, #tpu.memory_space<hbm>>
        %dma_start3A_80 = arith.constant 0 : i32
        %dma_start3A_81 = arith.constant 0 : i32
        %dma_start3A_82 = tpu.memref_slice %arg3[%add3A_5, %dma_start3A_80, %dma_start3A_81] : memref<2560x2x128xi32, #tpu.memory_space<hbm>> -> memref<40x2x128xi32, #tpu.memory_space<hbm>>
        tpu.enqueue_dma source(%dma_start3A_82 : memref<40x2x128xi32, #tpu.memory_space<hbm>>) target(%arg6 : memref<40x2x128xi32, #tpu.memory_space<vmem>>) target_semaphore(%run_scoped3A : memref<!tpu.dma_semaphore, #tpu.memory_space<semaphore_mem>>)
        %dma_wait3A = arith.constant 0 : i32
        %dma_wait3A_83 = arith.constant 0 : i32
        %dma_wait3A_84 = tpu.memref_slice %arg3[%add3A_5, %dma_wait3A, %dma_wait3A_83] : memref<2560x2x128xi32, #tpu.memory_space<hbm>> -> memref<40x2x128xi32, #tpu.memory_space<hbm>>
        %dma_wait3A_85 = arith.constant 0 : i32
        %dma_wait3A_86 = arith.constant 0 : i32
        %dma_wait3A_87 = tpu.memref_slice %arg3[%add3A_5, %dma_wait3A_85, %dma_wait3A_86] : memref<2560x2x128xi32, #tpu.memory_space<hbm>> -> memref<40x2x128xi32, #tpu.memory_space<hbm>>
        tpu.wait_dma2 semaphore(%run_scoped3A : memref<!tpu.dma_semaphore, #tpu.memory_space<semaphore_mem>>) src(%dma_wait3A_87 : memref<40x2x128xi32, #tpu.memory_space<hbm>>) dst(%arg6 : memref<40x2x128xi32, #tpu.memory_space<vmem>>)
        tpu.yield
      }) : () -> ()
      %dma_start3A = arith.constant 0 : i32
      %dma_start3A_6 = arith.constant 0 : i32
      %dma_start3A_7 = arith.constant 0 : i32
      %dma_start3A_8 = tpu.memref_slice %arg6[%dma_start3A, %dma_start3A_6, %dma_start3A_7] : memref<40x2x128xi32, #tpu.memory_space<vmem>> -> memref<1x1x128xi32, #tpu.memory_space<vmem>>
      %dma_start3A_9 = tpu.memref_squeeze %dma_start3A_8 : memref<1x1x128xi32, #tpu.memory_space<vmem>> -> memref<128xi32, #tpu.memory_space<vmem>>
      %dma_start3A_10 = arith.constant 0 : i32
      %dma_start3A_11 = arith.constant 0 : i32
      %dma_start3A_12 = tpu.memref_slice %arg2[%dma_start3A_10, %dma_start3A_11] : memref<10240x128xf32, #tpu.memory_space<hbm>> -> memref<10240x128xf32, #tpu.memory_space<hbm>>
      tpu.enqueue_indirect_dma source(%dma_start3A_12 : memref<10240x128xf32, #tpu.memory_space<hbm>>) target(%arg7 : memref<128x128xf32, #tpu.memory_space<vmem>>) offsets(%dma_start3A_9 : memref<128xi32, #tpu.memory_space<vmem>>) semaphore(%arg9 : memref<!tpu.dma_semaphore, #tpu.memory_space<semaphore_mem>>)
      %scan3A = arith.constant 0 : i32
      %scan3A_13 = arith.constant 0 : i32
      %scan3A_14 = arith.constant 20 : i32
      %scan3A_15 = arith.addi %scan3A_13, %scan3A_14 : i32
      %scan3A_16 = arith.constant 1 : i32
      %scan3A_17 = scf.for %scan3A_77 = %scan3A_13 to %scan3A_15 step %scan3A_16 iter_args(%scan3A_78 = %scan3A) -> (i32)  : i32 {
        %mul3A_79 = arith.constant 2 : i32
        %mul3A_80 = arith.muli %mul3A_79, %scan3A_77 : i32
        %add3A_81 = arith.constant 1 : i32
        %add3A_82 = arith.addi %mul3A_80, %add3A_81 : i32
        %dma_start3A_83 = arith.constant 0 : i32
        %dma_start3A_84 = arith.constant 0 : i32
        %dma_start3A_85 = tpu.memref_slice %arg6[%add3A_82, %dma_start3A_83, %dma_start3A_84] : memref<40x2x128xi32, #tpu.memory_space<vmem>> -> memref<1x1x128xi32, #tpu.memory_space<vmem>>
        %dma_start3A_86 = tpu.memref_squeeze %dma_start3A_85 : memref<1x1x128xi32, #tpu.memory_space<vmem>> -> memref<128xi32, #tpu.memory_space<vmem>>
        %dma_start3A_87 = arith.constant 0 : i32
        %dma_start3A_88 = arith.constant 0 : i32
        %dma_start3A_89 = tpu.memref_slice %arg2[%dma_start3A_87, %dma_start3A_88] : memref<10240x128xf32, #tpu.memory_space<hbm>> -> memref<10240x128xf32, #tpu.memory_space<hbm>>
        tpu.enqueue_indirect_dma source(%dma_start3A_89 : memref<10240x128xf32, #tpu.memory_space<hbm>>) target(%arg8 : memref<128x128xf32, #tpu.memory_space<vmem>>) offsets(%dma_start3A_86 : memref<128xi32, #tpu.memory_space<vmem>>) semaphore(%arg10 : memref<!tpu.dma_semaphore, #tpu.memory_space<semaphore_mem>>)
        %dma_wait3A = arith.constant 0 : i32
        %dma_wait3A_90 = arith.constant 0 : i32
        %dma_wait3A_91 = tpu.memref_slice %arg6[%mul3A_80, %dma_wait3A, %dma_wait3A_90] : memref<40x2x128xi32, #tpu.memory_space<vmem>> -> memref<1x1x128xi32, #tpu.memory_space<vmem>>
        %dma_wait3A_92 = tpu.memref_squeeze %dma_wait3A_91 : memref<1x1x128xi32, #tpu.memory_space<vmem>> -> memref<128xi32, #tpu.memory_space<vmem>>
        %dma_wait3A_93 = arith.constant 0 : i32
        %dma_wait3A_94 = arith.constant 0 : i32
        %dma_wait3A_95 = tpu.memref_slice %arg2[%dma_wait3A_93, %dma_wait3A_94] : memref<10240x128xf32, #tpu.memory_space<hbm>> -> memref<10240x128xf32, #tpu.memory_space<hbm>>
        tpu.wait_indirect_dma semaphore(%arg9 : memref<!tpu.dma_semaphore, #tpu.memory_space<semaphore_mem>>) src(%dma_wait3A_95 : memref<10240x128xf32, #tpu.memory_space<hbm>>) dst(%arg7 : memref<128x128xf32, #tpu.memory_space<vmem>>)
        %run_scoped3A = arith.constant 1 : i32
        "tpu.region"() ({
          %run_scoped3A_115 = tpu.sem_alloc : memref<!tpu.dma_semaphore, #tpu.memory_space<semaphore_mem>>
          %dma_start3A_116 = arith.constant 0 : i32
          %dma_start3A_117 = tpu.memref_slice %arg6[%mul3A_80, %run_scoped3A, %dma_start3A_116] : memref<40x2x128xi32, #tpu.memory_space<vmem>> -> memref<1x1x128xi32, #tpu.memory_space<vmem>>
          %dma_start3A_118 = tpu.memref_squeeze %dma_start3A_117 : memref<1x1x128xi32, #tpu.memory_space<vmem>> -> memref<128xi32, #tpu.memory_space<vmem>>
          %dma_start3A_119 = arith.constant 0 : i32
          %dma_start3A_120 = arith.constant 0 : i32
          %dma_start3A_121 = tpu.memref_slice %arg5[%dma_start3A_119, %dma_start3A_120] : memref<10240x128xf32, #tpu.memory_space<vmem_shared>> -> memref<10240x128xf32, #tpu.memory_space<vmem_shared>>
          tpu.enqueue_indirect_dma source(%arg7 : memref<128x128xf32, #tpu.memory_space<vmem>>) target(%dma_start3A_121 : memref<10240x128xf32, #tpu.memory_space<vmem_shared>>) offsets(%dma_start3A_118 : memref<128xi32, #tpu.memory_space<vmem>>) semaphore(%run_scoped3A_115 : memref<!tpu.dma_semaphore, #tpu.memory_space<semaphore_mem>>) {add = true}
          %dma_wait3A_122 = arith.constant 0 : i32
          %dma_wait3A_123 = tpu.memref_slice %arg6[%mul3A_80, %run_scoped3A, %dma_wait3A_122] : memref<40x2x128xi32, #tpu.memory_space<vmem>> -> memref<1x1x128xi32, #tpu.memory_space<vmem>>
          %dma_wait3A_124 = tpu.memref_squeeze %dma_wait3A_123 : memref<1x1x128xi32, #tpu.memory_space<vmem>> -> memref<128xi32, #tpu.memory_space<vmem>>
          %dma_wait3A_125 = arith.constant 0 : i32
          %dma_wait3A_126 = arith.constant 0 : i32
          %dma_wait3A_127 = tpu.memref_slice %arg5[%dma_wait3A_125, %dma_wait3A_126] : memref<10240x128xf32, #tpu.memory_space<vmem_shared>> -> memref<10240x128xf32, #tpu.memory_space<vmem_shared>>
          tpu.wait_indirect_dma semaphore(%run_scoped3A_115 : memref<!tpu.dma_semaphore, #tpu.memory_space<semaphore_mem>>) src(%arg7 : memref<128x128xf32, #tpu.memory_space<vmem>>) dst(%dma_wait3A_127 : memref<10240x128xf32, #tpu.memory_space<vmem_shared>>)
          tpu.yield
        }) : () -> ()
        %add3A_96 = arith.constant 2 : i32
        %add3A_97 = arith.addi %mul3A_80, %add3A_96 : i32
        %lt3A = arith.constant 40 : i32
        %lt3A_98 = arith.cmpi slt, %add3A_97, %lt3A : i32
        %convert_element_type3A_99 = arith.extui %lt3A_98 : i1 to i32
        %cond3A_100 = arith.constant 0 : i32
        %cond3A_101 = arith.cmpi ne, %convert_element_type3A_99, %cond3A_100 : i32
        scf.if %cond3A_101 {
          %add3A_115 = arith.constant 2 : i32
          %add3A_116 = arith.addi %mul3A_80, %add3A_115 : i32
          %dma_start3A_117 = arith.constant 0 : i32
          %dma_start3A_118 = arith.constant 0 : i32
          %dma_start3A_119 = tpu.memref_slice %arg6[%add3A_116, %dma_start3A_117, %dma_start3A_118] : memref<40x2x128xi32, #tpu.memory_space<vmem>> -> memref<1x1x128xi32, #tpu.memory_space<vmem>>
          %dma_start3A_120 = tpu.memref_squeeze %dma_start3A_119 : memref<1x1x128xi32, #tpu.memory_space<vmem>> -> memref<128xi32, #tpu.memory_space<vmem>>
          %dma_start3A_121 = arith.constant 0 : i32
          %dma_start3A_122 = arith.constant 0 : i32
          %dma_start3A_123 = tpu.memref_slice %arg2[%dma_start3A_121, %dma_start3A_122] : memref<10240x128xf32, #tpu.memory_space<hbm>> -> memref<10240x128xf32, #tpu.memory_space<hbm>>
          tpu.enqueue_indirect_dma source(%dma_start3A_123 : memref<10240x128xf32, #tpu.memory_space<hbm>>) target(%arg7 : memref<128x128xf32, #tpu.memory_space<vmem>>) offsets(%dma_start3A_120 : memref<128xi32, #tpu.memory_space<vmem>>) semaphore(%arg9 : memref<!tpu.dma_semaphore, #tpu.memory_space<semaphore_mem>>)
        } else {
        }
        %add3A_102 = arith.constant 1 : i32
        %add3A_103 = arith.addi %mul3A_80, %add3A_102 : i32
        %dma_wait3A_104 = arith.constant 0 : i32
        %dma_wait3A_105 = arith.constant 0 : i32
        %dma_wait3A_106 = tpu.memref_slice %arg6[%add3A_103, %dma_wait3A_104, %dma_wait3A_105] : memref<40x2x128xi32, #tpu.memory_space<vmem>> -> memref<1x1x128xi32, #tpu.memory_space<vmem>>
        %dma_wait3A_107 = tpu.memref_squeeze %dma_wait3A_106 : memref<1x1x128xi32, #tpu.memory_space<vmem>> -> memref<128xi32, #tpu.memory_space<vmem>>
        %dma_wait3A_108 = arith.constant 0 : i32
        %dma_wait3A_109 = arith.constant 0 : i32
        %dma_wait3A_110 = tpu.memref_slice %arg2[%dma_wait3A_108, %dma_wait3A_109] : memref<10240x128xf32, #tpu.memory_space<hbm>> -> memref<10240x128xf32, #tpu.memory_space<hbm>>
        tpu.wait_indirect_dma semaphore(%arg10 : memref<!tpu.dma_semaphore, #tpu.memory_space<semaphore_mem>>) src(%dma_wait3A_110 : memref<10240x128xf32, #tpu.memory_space<hbm>>) dst(%arg8 : memref<128x128xf32, #tpu.memory_space<vmem>>)
        %add3A_111 = arith.constant 1 : i32
        %add3A_112 = arith.addi %mul3A_80, %add3A_111 : i32
        %run_scoped3A_113 = arith.constant 1 : i32
        "tpu.region"() ({
          %run_scoped3A_115 = tpu.sem_alloc : memref<!tpu.dma_semaphore, #tpu.memory_space<semaphore_mem>>
          %dma_start3A_116 = arith.constant 0 : i32
          %dma_start3A_117 = tpu.memref_slice %arg6[%add3A_112, %run_scoped3A_113, %dma_start3A_116] : memref<40x2x128xi32, #tpu.memory_space<vmem>> -> memref<1x1x128xi32, #tpu.memory_space<vmem>>
          %dma_start3A_118 = tpu.memref_squeeze %dma_start3A_117 : memref<1x1x128xi32, #tpu.memory_space<vmem>> -> memref<128xi32, #tpu.memory_space<vmem>>
          %dma_start3A_119 = arith.constant 0 : i32
          %dma_start3A_120 = arith.constant 0 : i32
          %dma_start3A_121 = tpu.memref_slice %arg5[%dma_start3A_119, %dma_start3A_120] : memref<10240x128xf32, #tpu.memory_space<vmem_shared>> -> memref<10240x128xf32, #tpu.memory_space<vmem_shared>>
          tpu.enqueue_indirect_dma source(%arg8 : memref<128x128xf32, #tpu.memory_space<vmem>>) target(%dma_start3A_121 : memref<10240x128xf32, #tpu.memory_space<vmem_shared>>) offsets(%dma_start3A_118 : memref<128xi32, #tpu.memory_space<vmem>>) semaphore(%run_scoped3A_115 : memref<!tpu.dma_semaphore, #tpu.memory_space<semaphore_mem>>) {add = true}
          %dma_wait3A_122 = arith.constant 0 : i32
          %dma_wait3A_123 = tpu.memref_slice %arg6[%add3A_112, %run_scoped3A_113, %dma_wait3A_122] : memref<40x2x128xi32, #tpu.memory_space<vmem>> -> memref<1x1x128xi32, #tpu.memory_space<vmem>>
          %dma_wait3A_124 = tpu.memref_squeeze %dma_wait3A_123 : memref<1x1x128xi32, #tpu.memory_space<vmem>> -> memref<128xi32, #tpu.memory_space<vmem>>
          %dma_wait3A_125 = arith.constant 0 : i32
          %dma_wait3A_126 = arith.constant 0 : i32
          %dma_wait3A_127 = tpu.memref_slice %arg5[%dma_wait3A_125, %dma_wait3A_126] : memref<10240x128xf32, #tpu.memory_space<vmem_shared>> -> memref<10240x128xf32, #tpu.memory_space<vmem_shared>>
          tpu.wait_indirect_dma semaphore(%run_scoped3A_115 : memref<!tpu.dma_semaphore, #tpu.memory_space<semaphore_mem>>) src(%arg8 : memref<128x128xf32, #tpu.memory_space<vmem>>) dst(%dma_wait3A_127 : memref<10240x128xf32, #tpu.memory_space<vmem_shared>>)
          tpu.yield
        }) : () -> ()
        %scan3A_114 = arith.constant 0 : i32
        scf.yield %scan3A_114 : i32
      }
      %scan3A_18 = arith.constant 20 : i32
      %mul3A_19 = arith.constant 160 : i32
      %mul3A_20 = arith.muli %arg1, %mul3A_19 : i32
      %add3A_21 = arith.constant 40 : i32
      %add3A_22 = arith.addi %mul3A_20, %add3A_21 : i32
      "tpu.region"() ({
        %run_scoped3A = tpu.sem_alloc : memref<!tpu.dma_semaphore, #tpu.memory_space<semaphore_mem>>
        %dma_start3A_77 = arith.constant 0 : i32
        %dma_start3A_78 = arith.constant 0 : i32
        %dma_start3A_79 = tpu.memref_slice %arg3[%add3A_22, %dma_start3A_77, %dma_start3A_78] : memref<2560x2x128xi32, #tpu.memory_space<hbm>> -> memref<40x2x128xi32, #tpu.memory_space<hbm>>
        %dma_start3A_80 = arith.constant 0 : i32
        %dma_start3A_81 = arith.constant 0 : i32
        %dma_start3A_82 = tpu.memref_slice %arg3[%add3A_22, %dma_start3A_80, %dma_start3A_81] : memref<2560x2x128xi32, #tpu.memory_space<hbm>> -> memref<40x2x128xi32, #tpu.memory_space<hbm>>
        tpu.enqueue_dma source(%dma_start3A_82 : memref<40x2x128xi32, #tpu.memory_space<hbm>>) target(%arg6 : memref<40x2x128xi32, #tpu.memory_space<vmem>>) target_semaphore(%run_scoped3A : memref<!tpu.dma_semaphore, #tpu.memory_space<semaphore_mem>>)
        %dma_wait3A = arith.constant 0 : i32
        %dma_wait3A_83 = arith.constant 0 : i32
        %dma_wait3A_84 = tpu.memref_slice %arg3[%add3A_22, %dma_wait3A, %dma_wait3A_83] : memref<2560x2x128xi32, #tpu.memory_space<hbm>> -> memref<40x2x128xi32, #tpu.memory_space<hbm>>
        %dma_wait3A_85 = arith.constant 0 : i32
        %dma_wait3A_86 = arith.constant 0 : i32
        %dma_wait3A_87 = tpu.memref_slice %arg3[%add3A_22, %dma_wait3A_85, %dma_wait3A_86] : memref<2560x2x128xi32, #tpu.memory_space<hbm>> -> memref<40x2x128xi32, #tpu.memory_space<hbm>>
        tpu.wait_dma2 semaphore(%run_scoped3A : memref<!tpu.dma_semaphore, #tpu.memory_space<semaphore_mem>>) src(%dma_wait3A_87 : memref<40x2x128xi32, #tpu.memory_space<hbm>>) dst(%arg6 : memref<40x2x128xi32, #tpu.memory_space<vmem>>)
        tpu.yield
      }) : () -> ()
      %dma_start3A_23 = arith.constant 0 : i32
      %dma_start3A_24 = arith.constant 0 : i32
      %dma_start3A_25 = arith.constant 0 : i32
      %dma_start3A_26 = tpu.memref_slice %arg6[%dma_start3A_23, %dma_start3A_24, %dma_start3A_25] : memref<40x2x128xi32, #tpu.memory_space<vmem>> -> memref<1x1x128xi32, #tpu.memory_space<vmem>>
      %dma_start3A_27 = tpu.memref_squeeze %dma_start3A_26 : memref<1x1x128xi32, #tpu.memory_space<vmem>> -> memref<128xi32, #tpu.memory_space<vmem>>
      %dma_start3A_28 = arith.constant 0 : i32
      %dma_start3A_29 = arith.constant 0 : i32
      %dma_start3A_30 = tpu.memref_slice %arg2[%dma_start3A_28, %dma_start3A_29] : memref<10240x128xf32, #tpu.memory_space<hbm>> -> memref<10240x128xf32, #tpu.memory_space<hbm>>
      tpu.enqueue_indirect_dma source(%dma_start3A_30 : memref<10240x128xf32, #tpu.memory_space<hbm>>) target(%arg7 : memref<128x128xf32, #tpu.memory_space<vmem>>) offsets(%dma_start3A_27 : memref<128xi32, #tpu.memory_space<vmem>>) semaphore(%arg9 : memref<!tpu.dma_semaphore, #tpu.memory_space<semaphore_mem>>)
      %scan3A_31 = arith.constant 0 : i32
      %scan3A_32 = arith.constant 0 : i32
      %scan3A_33 = arith.constant 20 : i32
      %scan3A_34 = arith.addi %scan3A_32, %scan3A_33 : i32
      %scan3A_35 = arith.constant 1 : i32
      %scan3A_36 = scf.for %scan3A_77 = %scan3A_32 to %scan3A_34 step %scan3A_35 iter_args(%scan3A_78 = %scan3A_31) -> (i32)  : i32 {
        %mul3A_79 = arith.constant 2 : i32
        %mul3A_80 = arith.muli %mul3A_79, %scan3A_77 : i32
        %add3A_81 = arith.constant 1 : i32
        %add3A_82 = arith.addi %mul3A_80, %add3A_81 : i32
        %dma_start3A_83 = arith.constant 0 : i32
        %dma_start3A_84 = arith.constant 0 : i32
        %dma_start3A_85 = tpu.memref_slice %arg6[%add3A_82, %dma_start3A_83, %dma_start3A_84] : memref<40x2x128xi32, #tpu.memory_space<vmem>> -> memref<1x1x128xi32, #tpu.memory_space<vmem>>
        %dma_start3A_86 = tpu.memref_squeeze %dma_start3A_85 : memref<1x1x128xi32, #tpu.memory_space<vmem>> -> memref<128xi32, #tpu.memory_space<vmem>>
        %dma_start3A_87 = arith.constant 0 : i32
        %dma_start3A_88 = arith.constant 0 : i32
        %dma_start3A_89 = tpu.memref_slice %arg2[%dma_start3A_87, %dma_start3A_88] : memref<10240x128xf32, #tpu.memory_space<hbm>> -> memref<10240x128xf32, #tpu.memory_space<hbm>>
        tpu.enqueue_indirect_dma source(%dma_start3A_89 : memref<10240x128xf32, #tpu.memory_space<hbm>>) target(%arg8 : memref<128x128xf32, #tpu.memory_space<vmem>>) offsets(%dma_start3A_86 : memref<128xi32, #tpu.memory_space<vmem>>) semaphore(%arg10 : memref<!tpu.dma_semaphore, #tpu.memory_space<semaphore_mem>>)
        %dma_wait3A = arith.constant 0 : i32
        %dma_wait3A_90 = arith.constant 0 : i32
        %dma_wait3A_91 = tpu.memref_slice %arg6[%mul3A_80, %dma_wait3A, %dma_wait3A_90] : memref<40x2x128xi32, #tpu.memory_space<vmem>> -> memref<1x1x128xi32, #tpu.memory_space<vmem>>
        %dma_wait3A_92 = tpu.memref_squeeze %dma_wait3A_91 : memref<1x1x128xi32, #tpu.memory_space<vmem>> -> memref<128xi32, #tpu.memory_space<vmem>>
        %dma_wait3A_93 = arith.constant 0 : i32
        %dma_wait3A_94 = arith.constant 0 : i32
        %dma_wait3A_95 = tpu.memref_slice %arg2[%dma_wait3A_93, %dma_wait3A_94] : memref<10240x128xf32, #tpu.memory_space<hbm>> -> memref<10240x128xf32, #tpu.memory_space<hbm>>
        tpu.wait_indirect_dma semaphore(%arg9 : memref<!tpu.dma_semaphore, #tpu.memory_space<semaphore_mem>>) src(%dma_wait3A_95 : memref<10240x128xf32, #tpu.memory_space<hbm>>) dst(%arg7 : memref<128x128xf32, #tpu.memory_space<vmem>>)
        %run_scoped3A = arith.constant 1 : i32
        "tpu.region"() ({
          %run_scoped3A_115 = tpu.sem_alloc : memref<!tpu.dma_semaphore, #tpu.memory_space<semaphore_mem>>
          %dma_start3A_116 = arith.constant 0 : i32
          %dma_start3A_117 = tpu.memref_slice %arg6[%mul3A_80, %run_scoped3A, %dma_start3A_116] : memref<40x2x128xi32, #tpu.memory_space<vmem>> -> memref<1x1x128xi32, #tpu.memory_space<vmem>>
          %dma_start3A_118 = tpu.memref_squeeze %dma_start3A_117 : memref<1x1x128xi32, #tpu.memory_space<vmem>> -> memref<128xi32, #tpu.memory_space<vmem>>
          %dma_start3A_119 = arith.constant 0 : i32
          %dma_start3A_120 = arith.constant 0 : i32
          %dma_start3A_121 = tpu.memref_slice %arg5[%dma_start3A_119, %dma_start3A_120] : memref<10240x128xf32, #tpu.memory_space<vmem_shared>> -> memref<10240x128xf32, #tpu.memory_space<vmem_shared>>
          tpu.enqueue_indirect_dma source(%arg7 : memref<128x128xf32, #tpu.memory_space<vmem>>) target(%dma_start3A_121 : memref<10240x128xf32, #tpu.memory_space<vmem_shared>>) offsets(%dma_start3A_118 : memref<128xi32, #tpu.memory_space<vmem>>) semaphore(%run_scoped3A_115 : memref<!tpu.dma_semaphore, #tpu.memory_space<semaphore_mem>>) {add = true}
          %dma_wait3A_122 = arith.constant 0 : i32
          %dma_wait3A_123 = tpu.memref_slice %arg6[%mul3A_80, %run_scoped3A, %dma_wait3A_122] : memref<40x2x128xi32, #tpu.memory_space<vmem>> -> memref<1x1x128xi32, #tpu.memory_space<vmem>>
          %dma_wait3A_124 = tpu.memref_squeeze %dma_wait3A_123 : memref<1x1x128xi32, #tpu.memory_space<vmem>> -> memref<128xi32, #tpu.memory_space<vmem>>
          %dma_wait3A_125 = arith.constant 0 : i32
          %dma_wait3A_126 = arith.constant 0 : i32
          %dma_wait3A_127 = tpu.memref_slice %arg5[%dma_wait3A_125, %dma_wait3A_126] : memref<10240x128xf32, #tpu.memory_space<vmem_shared>> -> memref<10240x128xf32, #tpu.memory_space<vmem_shared>>
          tpu.wait_indirect_dma semaphore(%run_scoped3A_115 : memref<!tpu.dma_semaphore, #tpu.memory_space<semaphore_mem>>) src(%arg7 : memref<128x128xf32, #tpu.memory_space<vmem>>) dst(%dma_wait3A_127 : memref<10240x128xf32, #tpu.memory_space<vmem_shared>>)
          tpu.yield
        }) : () -> ()
        %add3A_96 = arith.constant 2 : i32
        %add3A_97 = arith.addi %mul3A_80, %add3A_96 : i32
        %lt3A = arith.constant 40 : i32
        %lt3A_98 = arith.cmpi slt, %add3A_97, %lt3A : i32
        %convert_element_type3A_99 = arith.extui %lt3A_98 : i1 to i32
        %cond3A_100 = arith.constant 0 : i32
        %cond3A_101 = arith.cmpi ne, %convert_element_type3A_99, %cond3A_100 : i32
        scf.if %cond3A_101 {
          %add3A_115 = arith.constant 2 : i32
          %add3A_116 = arith.addi %mul3A_80, %add3A_115 : i32
          %dma_start3A_117 = arith.constant 0 : i32
          %dma_start3A_118 = arith.constant 0 : i32
          %dma_start3A_119 = tpu.memref_slice %arg6[%add3A_116, %dma_start3A_117, %dma_start3A_118] : memref<40x2x128xi32, #tpu.memory_space<vmem>> -> memref<1x1x128xi32, #tpu.memory_space<vmem>>
          %dma_start3A_120 = tpu.memref_squeeze %dma_start3A_119 : memref<1x1x128xi32, #tpu.memory_space<vmem>> -> memref<128xi32, #tpu.memory_space<vmem>>
          %dma_start3A_121 = arith.constant 0 : i32
          %dma_start3A_122 = arith.constant 0 : i32
          %dma_start3A_123 = tpu.memref_slice %arg2[%dma_start3A_121, %dma_start3A_122] : memref<10240x128xf32, #tpu.memory_space<hbm>> -> memref<10240x128xf32, #tpu.memory_space<hbm>>
          tpu.enqueue_indirect_dma source(%dma_start3A_123 : memref<10240x128xf32, #tpu.memory_space<hbm>>) target(%arg7 : memref<128x128xf32, #tpu.memory_space<vmem>>) offsets(%dma_start3A_120 : memref<128xi32, #tpu.memory_space<vmem>>) semaphore(%arg9 : memref<!tpu.dma_semaphore, #tpu.memory_space<semaphore_mem>>)
        } else {
        }
        %add3A_102 = arith.constant 1 : i32
        %add3A_103 = arith.addi %mul3A_80, %add3A_102 : i32
        %dma_wait3A_104 = arith.constant 0 : i32
        %dma_wait3A_105 = arith.constant 0 : i32
        %dma_wait3A_106 = tpu.memref_slice %arg6[%add3A_103, %dma_wait3A_104, %dma_wait3A_105] : memref<40x2x128xi32, #tpu.memory_space<vmem>> -> memref<1x1x128xi32, #tpu.memory_space<vmem>>
        %dma_wait3A_107 = tpu.memref_squeeze %dma_wait3A_106 : memref<1x1x128xi32, #tpu.memory_space<vmem>> -> memref<128xi32, #tpu.memory_space<vmem>>
        %dma_wait3A_108 = arith.constant 0 : i32
        %dma_wait3A_109 = arith.constant 0 : i32
        %dma_wait3A_110 = tpu.memref_slice %arg2[%dma_wait3A_108, %dma_wait3A_109] : memref<10240x128xf32, #tpu.memory_space<hbm>> -> memref<10240x128xf32, #tpu.memory_space<hbm>>
        tpu.wait_indirect_dma semaphore(%arg10 : memref<!tpu.dma_semaphore, #tpu.memory_space<semaphore_mem>>) src(%dma_wait3A_110 : memref<10240x128xf32, #tpu.memory_space<hbm>>) dst(%arg8 : memref<128x128xf32, #tpu.memory_space<vmem>>)
        %add3A_111 = arith.constant 1 : i32
        %add3A_112 = arith.addi %mul3A_80, %add3A_111 : i32
        %run_scoped3A_113 = arith.constant 1 : i32
        "tpu.region"() ({
          %run_scoped3A_115 = tpu.sem_alloc : memref<!tpu.dma_semaphore, #tpu.memory_space<semaphore_mem>>
          %dma_start3A_116 = arith.constant 0 : i32
          %dma_start3A_117 = tpu.memref_slice %arg6[%add3A_112, %run_scoped3A_113, %dma_start3A_116] : memref<40x2x128xi32, #tpu.memory_space<vmem>> -> memref<1x1x128xi32, #tpu.memory_space<vmem>>
          %dma_start3A_118 = tpu.memref_squeeze %dma_start3A_117 : memref<1x1x128xi32, #tpu.memory_space<vmem>> -> memref<128xi32, #tpu.memory_space<vmem>>
          %dma_start3A_119 = arith.constant 0 : i32
          %dma_start3A_120 = arith.constant 0 : i32
          %dma_start3A_121 = tpu.memref_slice %arg5[%dma_start3A_119, %dma_start3A_120] : memref<10240x128xf32, #tpu.memory_space<vmem_shared>> -> memref<10240x128xf32, #tpu.memory_space<vmem_shared>>
          tpu.enqueue_indirect_dma source(%arg8 : memref<128x128xf32, #tpu.memory_space<vmem>>) target(%dma_start3A_121 : memref<10240x128xf32, #tpu.memory_space<vmem_shared>>) offsets(%dma_start3A_118 : memref<128xi32, #tpu.memory_space<vmem>>) semaphore(%run_scoped3A_115 : memref<!tpu.dma_semaphore, #tpu.memory_space<semaphore_mem>>) {add = true}
          %dma_wait3A_122 = arith.constant 0 : i32
          %dma_wait3A_123 = tpu.memref_slice %arg6[%add3A_112, %run_scoped3A_113, %dma_wait3A_122] : memref<40x2x128xi32, #tpu.memory_space<vmem>> -> memref<1x1x128xi32, #tpu.memory_space<vmem>>
          %dma_wait3A_124 = tpu.memref_squeeze %dma_wait3A_123 : memref<1x1x128xi32, #tpu.memory_space<vmem>> -> memref<128xi32, #tpu.memory_space<vmem>>
          %dma_wait3A_125 = arith.constant 0 : i32
          %dma_wait3A_126 = arith.constant 0 : i32
          %dma_wait3A_127 = tpu.memref_slice %arg5[%dma_wait3A_125, %dma_wait3A_126] : memref<10240x128xf32, #tpu.memory_space<vmem_shared>> -> memref<10240x128xf32, #tpu.memory_space<vmem_shared>>
          tpu.wait_indirect_dma semaphore(%run_scoped3A_115 : memref<!tpu.dma_semaphore, #tpu.memory_space<semaphore_mem>>) src(%arg8 : memref<128x128xf32, #tpu.memory_space<vmem>>) dst(%dma_wait3A_127 : memref<10240x128xf32, #tpu.memory_space<vmem_shared>>)
          tpu.yield
        }) : () -> ()
        %scan3A_114 = arith.constant 0 : i32
        scf.yield %scan3A_114 : i32
      }
      %scan3A_37 = arith.constant 20 : i32
      %mul3A_38 = arith.constant 160 : i32
      %mul3A_39 = arith.muli %arg1, %mul3A_38 : i32
      %add3A_40 = arith.constant 80 : i32
      %add3A_41 = arith.addi %mul3A_39, %add3A_40 : i32
      "tpu.region"() ({
        %run_scoped3A = tpu.sem_alloc : memref<!tpu.dma_semaphore, #tpu.memory_space<semaphore_mem>>
        %dma_start3A_77 = arith.constant 0 : i32
        %dma_start3A_78 = arith.constant 0 : i32
        %dma_start3A_79 = tpu.memref_slice %arg3[%add3A_41, %dma_start3A_77, %dma_start3A_78] : memref<2560x2x128xi32, #tpu.memory_space<hbm>> -> memref<40x2x128xi32, #tpu.memory_space<hbm>>
        %dma_start3A_80 = arith.constant 0 : i32
        %dma_start3A_81 = arith.constant 0 : i32
        %dma_start3A_82 = tpu.memref_slice %arg3[%add3A_41, %dma_start3A_80, %dma_start3A_81] : memref<2560x2x128xi32, #tpu.memory_space<hbm>> -> memref<40x2x128xi32, #tpu.memory_space<hbm>>
        tpu.enqueue_dma source(%dma_start3A_82 : memref<40x2x128xi32, #tpu.memory_space<hbm>>) target(%arg6 : memref<40x2x128xi32, #tpu.memory_space<vmem>>) target_semaphore(%run_scoped3A : memref<!tpu.dma_semaphore, #tpu.memory_space<semaphore_mem>>)
        %dma_wait3A = arith.constant 0 : i32
        %dma_wait3A_83 = arith.constant 0 : i32
        %dma_wait3A_84 = tpu.memref_slice %arg3[%add3A_41, %dma_wait3A, %dma_wait3A_83] : memref<2560x2x128xi32, #tpu.memory_space<hbm>> -> memref<40x2x128xi32, #tpu.memory_space<hbm>>
        %dma_wait3A_85 = arith.constant 0 : i32
        %dma_wait3A_86 = arith.constant 0 : i32
        %dma_wait3A_87 = tpu.memref_slice %arg3[%add3A_41, %dma_wait3A_85, %dma_wait3A_86] : memref<2560x2x128xi32, #tpu.memory_space<hbm>> -> memref<40x2x128xi32, #tpu.memory_space<hbm>>
        tpu.wait_dma2 semaphore(%run_scoped3A : memref<!tpu.dma_semaphore, #tpu.memory_space<semaphore_mem>>) src(%dma_wait3A_87 : memref<40x2x128xi32, #tpu.memory_space<hbm>>) dst(%arg6 : memref<40x2x128xi32, #tpu.memory_space<vmem>>)
        tpu.yield
      }) : () -> ()
      %dma_start3A_42 = arith.constant 0 : i32
      %dma_start3A_43 = arith.constant 0 : i32
      %dma_start3A_44 = arith.constant 0 : i32
      %dma_start3A_45 = tpu.memref_slice %arg6[%dma_start3A_42, %dma_start3A_43, %dma_start3A_44] : memref<40x2x128xi32, #tpu.memory_space<vmem>> -> memref<1x1x128xi32, #tpu.memory_space<vmem>>
      %dma_start3A_46 = tpu.memref_squeeze %dma_start3A_45 : memref<1x1x128xi32, #tpu.memory_space<vmem>> -> memref<128xi32, #tpu.memory_space<vmem>>
      %dma_start3A_47 = arith.constant 0 : i32
      %dma_start3A_48 = arith.constant 0 : i32
      %dma_start3A_49 = tpu.memref_slice %arg2[%dma_start3A_47, %dma_start3A_48] : memref<10240x128xf32, #tpu.memory_space<hbm>> -> memref<10240x128xf32, #tpu.memory_space<hbm>>
      tpu.enqueue_indirect_dma source(%dma_start3A_49 : memref<10240x128xf32, #tpu.memory_space<hbm>>) target(%arg7 : memref<128x128xf32, #tpu.memory_space<vmem>>) offsets(%dma_start3A_46 : memref<128xi32, #tpu.memory_space<vmem>>) semaphore(%arg9 : memref<!tpu.dma_semaphore, #tpu.memory_space<semaphore_mem>>)
      %scan3A_50 = arith.constant 0 : i32
      %scan3A_51 = arith.constant 0 : i32
      %scan3A_52 = arith.constant 20 : i32
      %scan3A_53 = arith.addi %scan3A_51, %scan3A_52 : i32
      %scan3A_54 = arith.constant 1 : i32
      %scan3A_55 = scf.for %scan3A_77 = %scan3A_51 to %scan3A_53 step %scan3A_54 iter_args(%scan3A_78 = %scan3A_50) -> (i32)  : i32 {
        %mul3A_79 = arith.constant 2 : i32
        %mul3A_80 = arith.muli %mul3A_79, %scan3A_77 : i32
        %add3A_81 = arith.constant 1 : i32
        %add3A_82 = arith.addi %mul3A_80, %add3A_81 : i32
        %dma_start3A_83 = arith.constant 0 : i32
        %dma_start3A_84 = arith.constant 0 : i32
        %dma_start3A_85 = tpu.memref_slice %arg6[%add3A_82, %dma_start3A_83, %dma_start3A_84] : memref<40x2x128xi32, #tpu.memory_space<vmem>> -> memref<1x1x128xi32, #tpu.memory_space<vmem>>
        %dma_start3A_86 = tpu.memref_squeeze %dma_start3A_85 : memref<1x1x128xi32, #tpu.memory_space<vmem>> -> memref<128xi32, #tpu.memory_space<vmem>>
        %dma_start3A_87 = arith.constant 0 : i32
        %dma_start3A_88 = arith.constant 0 : i32
        %dma_start3A_89 = tpu.memref_slice %arg2[%dma_start3A_87, %dma_start3A_88] : memref<10240x128xf32, #tpu.memory_space<hbm>> -> memref<10240x128xf32, #tpu.memory_space<hbm>>
        tpu.enqueue_indirect_dma source(%dma_start3A_89 : memref<10240x128xf32, #tpu.memory_space<hbm>>) target(%arg8 : memref<128x128xf32, #tpu.memory_space<vmem>>) offsets(%dma_start3A_86 : memref<128xi32, #tpu.memory_space<vmem>>) semaphore(%arg10 : memref<!tpu.dma_semaphore, #tpu.memory_space<semaphore_mem>>)
        %dma_wait3A = arith.constant 0 : i32
        %dma_wait3A_90 = arith.constant 0 : i32
        %dma_wait3A_91 = tpu.memref_slice %arg6[%mul3A_80, %dma_wait3A, %dma_wait3A_90] : memref<40x2x128xi32, #tpu.memory_space<vmem>> -> memref<1x1x128xi32, #tpu.memory_space<vmem>>
        %dma_wait3A_92 = tpu.memref_squeeze %dma_wait3A_91 : memref<1x1x128xi32, #tpu.memory_space<vmem>> -> memref<128xi32, #tpu.memory_space<vmem>>
        %dma_wait3A_93 = arith.constant 0 : i32
        %dma_wait3A_94 = arith.constant 0 : i32
        %dma_wait3A_95 = tpu.memref_slice %arg2[%dma_wait3A_93, %dma_wait3A_94] : memref<10240x128xf32, #tpu.memory_space<hbm>> -> memref<10240x128xf32, #tpu.memory_space<hbm>>
        tpu.wait_indirect_dma semaphore(%arg9 : memref<!tpu.dma_semaphore, #tpu.memory_space<semaphore_mem>>) src(%dma_wait3A_95 : memref<10240x128xf32, #tpu.memory_space<hbm>>) dst(%arg7 : memref<128x128xf32, #tpu.memory_space<vmem>>)
        %run_scoped3A = arith.constant 1 : i32
        "tpu.region"() ({
          %run_scoped3A_115 = tpu.sem_alloc : memref<!tpu.dma_semaphore, #tpu.memory_space<semaphore_mem>>
          %dma_start3A_116 = arith.constant 0 : i32
          %dma_start3A_117 = tpu.memref_slice %arg6[%mul3A_80, %run_scoped3A, %dma_start3A_116] : memref<40x2x128xi32, #tpu.memory_space<vmem>> -> memref<1x1x128xi32, #tpu.memory_space<vmem>>
          %dma_start3A_118 = tpu.memref_squeeze %dma_start3A_117 : memref<1x1x128xi32, #tpu.memory_space<vmem>> -> memref<128xi32, #tpu.memory_space<vmem>>
          %dma_start3A_119 = arith.constant 0 : i32
          %dma_start3A_120 = arith.constant 0 : i32
          %dma_start3A_121 = tpu.memref_slice %arg5[%dma_start3A_119, %dma_start3A_120] : memref<10240x128xf32, #tpu.memory_space<vmem_shared>> -> memref<10240x128xf32, #tpu.memory_space<vmem_shared>>
          tpu.enqueue_indirect_dma source(%arg7 : memref<128x128xf32, #tpu.memory_space<vmem>>) target(%dma_start3A_121 : memref<10240x128xf32, #tpu.memory_space<vmem_shared>>) offsets(%dma_start3A_118 : memref<128xi32, #tpu.memory_space<vmem>>) semaphore(%run_scoped3A_115 : memref<!tpu.dma_semaphore, #tpu.memory_space<semaphore_mem>>) {add = true}
          %dma_wait3A_122 = arith.constant 0 : i32
          %dma_wait3A_123 = tpu.memref_slice %arg6[%mul3A_80, %run_scoped3A, %dma_wait3A_122] : memref<40x2x128xi32, #tpu.memory_space<vmem>> -> memref<1x1x128xi32, #tpu.memory_space<vmem>>
          %dma_wait3A_124 = tpu.memref_squeeze %dma_wait3A_123 : memref<1x1x128xi32, #tpu.memory_space<vmem>> -> memref<128xi32, #tpu.memory_space<vmem>>
          %dma_wait3A_125 = arith.constant 0 : i32
          %dma_wait3A_126 = arith.constant 0 : i32
          %dma_wait3A_127 = tpu.memref_slice %arg5[%dma_wait3A_125, %dma_wait3A_126] : memref<10240x128xf32, #tpu.memory_space<vmem_shared>> -> memref<10240x128xf32, #tpu.memory_space<vmem_shared>>
          tpu.wait_indirect_dma semaphore(%run_scoped3A_115 : memref<!tpu.dma_semaphore, #tpu.memory_space<semaphore_mem>>) src(%arg7 : memref<128x128xf32, #tpu.memory_space<vmem>>) dst(%dma_wait3A_127 : memref<10240x128xf32, #tpu.memory_space<vmem_shared>>)
          tpu.yield
        }) : () -> ()
        %add3A_96 = arith.constant 2 : i32
        %add3A_97 = arith.addi %mul3A_80, %add3A_96 : i32
        %lt3A = arith.constant 40 : i32
        %lt3A_98 = arith.cmpi slt, %add3A_97, %lt3A : i32
        %convert_element_type3A_99 = arith.extui %lt3A_98 : i1 to i32
        %cond3A_100 = arith.constant 0 : i32
        %cond3A_101 = arith.cmpi ne, %convert_element_type3A_99, %cond3A_100 : i32
        scf.if %cond3A_101 {
          %add3A_115 = arith.constant 2 : i32
          %add3A_116 = arith.addi %mul3A_80, %add3A_115 : i32
          %dma_start3A_117 = arith.constant 0 : i32
          %dma_start3A_118 = arith.constant 0 : i32
          %dma_start3A_119 = tpu.memref_slice %arg6[%add3A_116, %dma_start3A_117, %dma_start3A_118] : memref<40x2x128xi32, #tpu.memory_space<vmem>> -> memref<1x1x128xi32, #tpu.memory_space<vmem>>
          %dma_start3A_120 = tpu.memref_squeeze %dma_start3A_119 : memref<1x1x128xi32, #tpu.memory_space<vmem>> -> memref<128xi32, #tpu.memory_space<vmem>>
          %dma_start3A_121 = arith.constant 0 : i32
          %dma_start3A_122 = arith.constant 0 : i32
          %dma_start3A_123 = tpu.memref_slice %arg2[%dma_start3A_121, %dma_start3A_122] : memref<10240x128xf32, #tpu.memory_space<hbm>> -> memref<10240x128xf32, #tpu.memory_space<hbm>>
          tpu.enqueue_indirect_dma source(%dma_start3A_123 : memref<10240x128xf32, #tpu.memory_space<hbm>>) target(%arg7 : memref<128x128xf32, #tpu.memory_space<vmem>>) offsets(%dma_start3A_120 : memref<128xi32, #tpu.memory_space<vmem>>) semaphore(%arg9 : memref<!tpu.dma_semaphore, #tpu.memory_space<semaphore_mem>>)
        } else {
        }
        %add3A_102 = arith.constant 1 : i32
        %add3A_103 = arith.addi %mul3A_80, %add3A_102 : i32
        %dma_wait3A_104 = arith.constant 0 : i32
        %dma_wait3A_105 = arith.constant 0 : i32
        %dma_wait3A_106 = tpu.memref_slice %arg6[%add3A_103, %dma_wait3A_104, %dma_wait3A_105] : memref<40x2x128xi32, #tpu.memory_space<vmem>> -> memref<1x1x128xi32, #tpu.memory_space<vmem>>
        %dma_wait3A_107 = tpu.memref_squeeze %dma_wait3A_106 : memref<1x1x128xi32, #tpu.memory_space<vmem>> -> memref<128xi32, #tpu.memory_space<vmem>>
        %dma_wait3A_108 = arith.constant 0 : i32
        %dma_wait3A_109 = arith.constant 0 : i32
        %dma_wait3A_110 = tpu.memref_slice %arg2[%dma_wait3A_108, %dma_wait3A_109] : memref<10240x128xf32, #tpu.memory_space<hbm>> -> memref<10240x128xf32, #tpu.memory_space<hbm>>
        tpu.wait_indirect_dma semaphore(%arg10 : memref<!tpu.dma_semaphore, #tpu.memory_space<semaphore_mem>>) src(%dma_wait3A_110 : memref<10240x128xf32, #tpu.memory_space<hbm>>) dst(%arg8 : memref<128x128xf32, #tpu.memory_space<vmem>>)
        %add3A_111 = arith.constant 1 : i32
        %add3A_112 = arith.addi %mul3A_80, %add3A_111 : i32
        %run_scoped3A_113 = arith.constant 1 : i32
        "tpu.region"() ({
          %run_scoped3A_115 = tpu.sem_alloc : memref<!tpu.dma_semaphore, #tpu.memory_space<semaphore_mem>>
          %dma_start3A_116 = arith.constant 0 : i32
          %dma_start3A_117 = tpu.memref_slice %arg6[%add3A_112, %run_scoped3A_113, %dma_start3A_116] : memref<40x2x128xi32, #tpu.memory_space<vmem>> -> memref<1x1x128xi32, #tpu.memory_space<vmem>>
          %dma_start3A_118 = tpu.memref_squeeze %dma_start3A_117 : memref<1x1x128xi32, #tpu.memory_space<vmem>> -> memref<128xi32, #tpu.memory_space<vmem>>
          %dma_start3A_119 = arith.constant 0 : i32
          %dma_start3A_120 = arith.constant 0 : i32
          %dma_start3A_121 = tpu.memref_slice %arg5[%dma_start3A_119, %dma_start3A_120] : memref<10240x128xf32, #tpu.memory_space<vmem_shared>> -> memref<10240x128xf32, #tpu.memory_space<vmem_shared>>
          tpu.enqueue_indirect_dma source(%arg8 : memref<128x128xf32, #tpu.memory_space<vmem>>) target(%dma_start3A_121 : memref<10240x128xf32, #tpu.memory_space<vmem_shared>>) offsets(%dma_start3A_118 : memref<128xi32, #tpu.memory_space<vmem>>) semaphore(%run_scoped3A_115 : memref<!tpu.dma_semaphore, #tpu.memory_space<semaphore_mem>>) {add = true}
          %dma_wait3A_122 = arith.constant 0 : i32
          %dma_wait3A_123 = tpu.memref_slice %arg6[%add3A_112, %run_scoped3A_113, %dma_wait3A_122] : memref<40x2x128xi32, #tpu.memory_space<vmem>> -> memref<1x1x128xi32, #tpu.memory_space<vmem>>
          %dma_wait3A_124 = tpu.memref_squeeze %dma_wait3A_123 : memref<1x1x128xi32, #tpu.memory_space<vmem>> -> memref<128xi32, #tpu.memory_space<vmem>>
          %dma_wait3A_125 = arith.constant 0 : i32
          %dma_wait3A_126 = arith.constant 0 : i32
          %dma_wait3A_127 = tpu.memref_slice %arg5[%dma_wait3A_125, %dma_wait3A_126] : memref<10240x128xf32, #tpu.memory_space<vmem_shared>> -> memref<10240x128xf32, #tpu.memory_space<vmem_shared>>
          tpu.wait_indirect_dma semaphore(%run_scoped3A_115 : memref<!tpu.dma_semaphore, #tpu.memory_space<semaphore_mem>>) src(%arg8 : memref<128x128xf32, #tpu.memory_space<vmem>>) dst(%dma_wait3A_127 : memref<10240x128xf32, #tpu.memory_space<vmem_shared>>)
          tpu.yield
        }) : () -> ()
        %scan3A_114 = arith.constant 0 : i32
        scf.yield %scan3A_114 : i32
      }
      %scan3A_56 = arith.constant 20 : i32
      %mul3A_57 = arith.constant 160 : i32
      %mul3A_58 = arith.muli %arg1, %mul3A_57 : i32
      %add3A_59 = arith.constant 120 : i32
      %add3A_60 = arith.addi %mul3A_58, %add3A_59 : i32
      "tpu.region"() ({
        %run_scoped3A = tpu.sem_alloc : memref<!tpu.dma_semaphore, #tpu.memory_space<semaphore_mem>>
        %dma_start3A_77 = arith.constant 0 : i32
        %dma_start3A_78 = arith.constant 0 : i32
        %dma_start3A_79 = tpu.memref_slice %arg3[%add3A_60, %dma_start3A_77, %dma_start3A_78] : memref<2560x2x128xi32, #tpu.memory_space<hbm>> -> memref<40x2x128xi32, #tpu.memory_space<hbm>>
        %dma_start3A_80 = arith.constant 0 : i32
        %dma_start3A_81 = arith.constant 0 : i32
        %dma_start3A_82 = tpu.memref_slice %arg3[%add3A_60, %dma_start3A_80, %dma_start3A_81] : memref<2560x2x128xi32, #tpu.memory_space<hbm>> -> memref<40x2x128xi32, #tpu.memory_space<hbm>>
        tpu.enqueue_dma source(%dma_start3A_82 : memref<40x2x128xi32, #tpu.memory_space<hbm>>) target(%arg6 : memref<40x2x128xi32, #tpu.memory_space<vmem>>) target_semaphore(%run_scoped3A : memref<!tpu.dma_semaphore, #tpu.memory_space<semaphore_mem>>)
        %dma_wait3A = arith.constant 0 : i32
        %dma_wait3A_83 = arith.constant 0 : i32
        %dma_wait3A_84 = tpu.memref_slice %arg3[%add3A_60, %dma_wait3A, %dma_wait3A_83] : memref<2560x2x128xi32, #tpu.memory_space<hbm>> -> memref<40x2x128xi32, #tpu.memory_space<hbm>>
        %dma_wait3A_85 = arith.constant 0 : i32
        %dma_wait3A_86 = arith.constant 0 : i32
        %dma_wait3A_87 = tpu.memref_slice %arg3[%add3A_60, %dma_wait3A_85, %dma_wait3A_86] : memref<2560x2x128xi32, #tpu.memory_space<hbm>> -> memref<40x2x128xi32, #tpu.memory_space<hbm>>
        tpu.wait_dma2 semaphore(%run_scoped3A : memref<!tpu.dma_semaphore, #tpu.memory_space<semaphore_mem>>) src(%dma_wait3A_87 : memref<40x2x128xi32, #tpu.memory_space<hbm>>) dst(%arg6 : memref<40x2x128xi32, #tpu.memory_space<vmem>>)
        tpu.yield
      }) : () -> ()
      %dma_start3A_61 = arith.constant 0 : i32
      %dma_start3A_62 = arith.constant 0 : i32
      %dma_start3A_63 = arith.constant 0 : i32
      %dma_start3A_64 = tpu.memref_slice %arg6[%dma_start3A_61, %dma_start3A_62, %dma_start3A_63] : memref<40x2x128xi32, #tpu.memory_space<vmem>> -> memref<1x1x128xi32, #tpu.memory_space<vmem>>
      %dma_start3A_65 = tpu.memref_squeeze %dma_start3A_64 : memref<1x1x128xi32, #tpu.memory_space<vmem>> -> memref<128xi32, #tpu.memory_space<vmem>>
      %dma_start3A_66 = arith.constant 0 : i32
      %dma_start3A_67 = arith.constant 0 : i32
      %dma_start3A_68 = tpu.memref_slice %arg2[%dma_start3A_66, %dma_start3A_67] : memref<10240x128xf32, #tpu.memory_space<hbm>> -> memref<10240x128xf32, #tpu.memory_space<hbm>>
      tpu.enqueue_indirect_dma source(%dma_start3A_68 : memref<10240x128xf32, #tpu.memory_space<hbm>>) target(%arg7 : memref<128x128xf32, #tpu.memory_space<vmem>>) offsets(%dma_start3A_65 : memref<128xi32, #tpu.memory_space<vmem>>) semaphore(%arg9 : memref<!tpu.dma_semaphore, #tpu.memory_space<semaphore_mem>>)
      %scan3A_69 = arith.constant 0 : i32
      %scan3A_70 = arith.constant 0 : i32
      %scan3A_71 = arith.constant 20 : i32
      %scan3A_72 = arith.addi %scan3A_70, %scan3A_71 : i32
      %scan3A_73 = arith.constant 1 : i32
      %scan3A_74 = scf.for %scan3A_77 = %scan3A_70 to %scan3A_72 step %scan3A_73 iter_args(%scan3A_78 = %scan3A_69) -> (i32)  : i32 {
        %mul3A_79 = arith.constant 2 : i32
        %mul3A_80 = arith.muli %mul3A_79, %scan3A_77 : i32
        %add3A_81 = arith.constant 1 : i32
        %add3A_82 = arith.addi %mul3A_80, %add3A_81 : i32
        %dma_start3A_83 = arith.constant 0 : i32
        %dma_start3A_84 = arith.constant 0 : i32
        %dma_start3A_85 = tpu.memref_slice %arg6[%add3A_82, %dma_start3A_83, %dma_start3A_84] : memref<40x2x128xi32, #tpu.memory_space<vmem>> -> memref<1x1x128xi32, #tpu.memory_space<vmem>>
        %dma_start3A_86 = tpu.memref_squeeze %dma_start3A_85 : memref<1x1x128xi32, #tpu.memory_space<vmem>> -> memref<128xi32, #tpu.memory_space<vmem>>
        %dma_start3A_87 = arith.constant 0 : i32
        %dma_start3A_88 = arith.constant 0 : i32
        %dma_start3A_89 = tpu.memref_slice %arg2[%dma_start3A_87, %dma_start3A_88] : memref<10240x128xf32, #tpu.memory_space<hbm>> -> memref<10240x128xf32, #tpu.memory_space<hbm>>
        tpu.enqueue_indirect_dma source(%dma_start3A_89 : memref<10240x128xf32, #tpu.memory_space<hbm>>) target(%arg8 : memref<128x128xf32, #tpu.memory_space<vmem>>) offsets(%dma_start3A_86 : memref<128xi32, #tpu.memory_space<vmem>>) semaphore(%arg10 : memref<!tpu.dma_semaphore, #tpu.memory_space<semaphore_mem>>)
        %dma_wait3A = arith.constant 0 : i32
        %dma_wait3A_90 = arith.constant 0 : i32
        %dma_wait3A_91 = tpu.memref_slice %arg6[%mul3A_80, %dma_wait3A, %dma_wait3A_90] : memref<40x2x128xi32, #tpu.memory_space<vmem>> -> memref<1x1x128xi32, #tpu.memory_space<vmem>>
        %dma_wait3A_92 = tpu.memref_squeeze %dma_wait3A_91 : memref<1x1x128xi32, #tpu.memory_space<vmem>> -> memref<128xi32, #tpu.memory_space<vmem>>
        %dma_wait3A_93 = arith.constant 0 : i32
        %dma_wait3A_94 = arith.constant 0 : i32
        %dma_wait3A_95 = tpu.memref_slice %arg2[%dma_wait3A_93, %dma_wait3A_94] : memref<10240x128xf32, #tpu.memory_space<hbm>> -> memref<10240x128xf32, #tpu.memory_space<hbm>>
        tpu.wait_indirect_dma semaphore(%arg9 : memref<!tpu.dma_semaphore, #tpu.memory_space<semaphore_mem>>) src(%dma_wait3A_95 : memref<10240x128xf32, #tpu.memory_space<hbm>>) dst(%arg7 : memref<128x128xf32, #tpu.memory_space<vmem>>)
        %run_scoped3A = arith.constant 1 : i32
        "tpu.region"() ({
          %run_scoped3A_115 = tpu.sem_alloc : memref<!tpu.dma_semaphore, #tpu.memory_space<semaphore_mem>>
          %dma_start3A_116 = arith.constant 0 : i32
          %dma_start3A_117 = tpu.memref_slice %arg6[%mul3A_80, %run_scoped3A, %dma_start3A_116] : memref<40x2x128xi32, #tpu.memory_space<vmem>> -> memref<1x1x128xi32, #tpu.memory_space<vmem>>
          %dma_start3A_118 = tpu.memref_squeeze %dma_start3A_117 : memref<1x1x128xi32, #tpu.memory_space<vmem>> -> memref<128xi32, #tpu.memory_space<vmem>>
          %dma_start3A_119 = arith.constant 0 : i32
          %dma_start3A_120 = arith.constant 0 : i32
          %dma_start3A_121 = tpu.memref_slice %arg5[%dma_start3A_119, %dma_start3A_120] : memref<10240x128xf32, #tpu.memory_space<vmem_shared>> -> memref<10240x128xf32, #tpu.memory_space<vmem_shared>>
          tpu.enqueue_indirect_dma source(%arg7 : memref<128x128xf32, #tpu.memory_space<vmem>>) target(%dma_start3A_121 : memref<10240x128xf32, #tpu.memory_space<vmem_shared>>) offsets(%dma_start3A_118 : memref<128xi32, #tpu.memory_space<vmem>>) semaphore(%run_scoped3A_115 : memref<!tpu.dma_semaphore, #tpu.memory_space<semaphore_mem>>) {add = true}
          %dma_wait3A_122 = arith.constant 0 : i32
          %dma_wait3A_123 = tpu.memref_slice %arg6[%mul3A_80, %run_scoped3A, %dma_wait3A_122] : memref<40x2x128xi32, #tpu.memory_space<vmem>> -> memref<1x1x128xi32, #tpu.memory_space<vmem>>
          %dma_wait3A_124 = tpu.memref_squeeze %dma_wait3A_123 : memref<1x1x128xi32, #tpu.memory_space<vmem>> -> memref<128xi32, #tpu.memory_space<vmem>>
          %dma_wait3A_125 = arith.constant 0 : i32
          %dma_wait3A_126 = arith.constant 0 : i32
          %dma_wait3A_127 = tpu.memref_slice %arg5[%dma_wait3A_125, %dma_wait3A_126] : memref<10240x128xf32, #tpu.memory_space<vmem_shared>> -> memref<10240x128xf32, #tpu.memory_space<vmem_shared>>
          tpu.wait_indirect_dma semaphore(%run_scoped3A_115 : memref<!tpu.dma_semaphore, #tpu.memory_space<semaphore_mem>>) src(%arg7 : memref<128x128xf32, #tpu.memory_space<vmem>>) dst(%dma_wait3A_127 : memref<10240x128xf32, #tpu.memory_space<vmem_shared>>)
          tpu.yield
        }) : () -> ()
        %add3A_96 = arith.constant 2 : i32
        %add3A_97 = arith.addi %mul3A_80, %add3A_96 : i32
        %lt3A = arith.constant 40 : i32
        %lt3A_98 = arith.cmpi slt, %add3A_97, %lt3A : i32
        %convert_element_type3A_99 = arith.extui %lt3A_98 : i1 to i32
        %cond3A_100 = arith.constant 0 : i32
        %cond3A_101 = arith.cmpi ne, %convert_element_type3A_99, %cond3A_100 : i32
        scf.if %cond3A_101 {
          %add3A_115 = arith.constant 2 : i32
          %add3A_116 = arith.addi %mul3A_80, %add3A_115 : i32
          %dma_start3A_117 = arith.constant 0 : i32
          %dma_start3A_118 = arith.constant 0 : i32
          %dma_start3A_119 = tpu.memref_slice %arg6[%add3A_116, %dma_start3A_117, %dma_start3A_118] : memref<40x2x128xi32, #tpu.memory_space<vmem>> -> memref<1x1x128xi32, #tpu.memory_space<vmem>>
          %dma_start3A_120 = tpu.memref_squeeze %dma_start3A_119 : memref<1x1x128xi32, #tpu.memory_space<vmem>> -> memref<128xi32, #tpu.memory_space<vmem>>
          %dma_start3A_121 = arith.constant 0 : i32
          %dma_start3A_122 = arith.constant 0 : i32
          %dma_start3A_123 = tpu.memref_slice %arg2[%dma_start3A_121, %dma_start3A_122] : memref<10240x128xf32, #tpu.memory_space<hbm>> -> memref<10240x128xf32, #tpu.memory_space<hbm>>
          tpu.enqueue_indirect_dma source(%dma_start3A_123 : memref<10240x128xf32, #tpu.memory_space<hbm>>) target(%arg7 : memref<128x128xf32, #tpu.memory_space<vmem>>) offsets(%dma_start3A_120 : memref<128xi32, #tpu.memory_space<vmem>>) semaphore(%arg9 : memref<!tpu.dma_semaphore, #tpu.memory_space<semaphore_mem>>)
        } else {
        }
        %add3A_102 = arith.constant 1 : i32
        %add3A_103 = arith.addi %mul3A_80, %add3A_102 : i32
        %dma_wait3A_104 = arith.constant 0 : i32
        %dma_wait3A_105 = arith.constant 0 : i32
        %dma_wait3A_106 = tpu.memref_slice %arg6[%add3A_103, %dma_wait3A_104, %dma_wait3A_105] : memref<40x2x128xi32, #tpu.memory_space<vmem>> -> memref<1x1x128xi32, #tpu.memory_space<vmem>>
        %dma_wait3A_107 = tpu.memref_squeeze %dma_wait3A_106 : memref<1x1x128xi32, #tpu.memory_space<vmem>> -> memref<128xi32, #tpu.memory_space<vmem>>
        %dma_wait3A_108 = arith.constant 0 : i32
        %dma_wait3A_109 = arith.constant 0 : i32
        %dma_wait3A_110 = tpu.memref_slice %arg2[%dma_wait3A_108, %dma_wait3A_109] : memref<10240x128xf32, #tpu.memory_space<hbm>> -> memref<10240x128xf32, #tpu.memory_space<hbm>>
        tpu.wait_indirect_dma semaphore(%arg10 : memref<!tpu.dma_semaphore, #tpu.memory_space<semaphore_mem>>) src(%dma_wait3A_110 : memref<10240x128xf32, #tpu.memory_space<hbm>>) dst(%arg8 : memref<128x128xf32, #tpu.memory_space<vmem>>)
        %add3A_111 = arith.constant 1 : i32
        %add3A_112 = arith.addi %mul3A_80, %add3A_111 : i32
        %run_scoped3A_113 = arith.constant 1 : i32
        "tpu.region"() ({
          %run_scoped3A_115 = tpu.sem_alloc : memref<!tpu.dma_semaphore, #tpu.memory_space<semaphore_mem>>
          %dma_start3A_116 = arith.constant 0 : i32
          %dma_start3A_117 = tpu.memref_slice %arg6[%add3A_112, %run_scoped3A_113, %dma_start3A_116] : memref<40x2x128xi32, #tpu.memory_space<vmem>> -> memref<1x1x128xi32, #tpu.memory_space<vmem>>
          %dma_start3A_118 = tpu.memref_squeeze %dma_start3A_117 : memref<1x1x128xi32, #tpu.memory_space<vmem>> -> memref<128xi32, #tpu.memory_space<vmem>>
          %dma_start3A_119 = arith.constant 0 : i32
          %dma_start3A_120 = arith.constant 0 : i32
          %dma_start3A_121 = tpu.memref_slice %arg5[%dma_start3A_119, %dma_start3A_120] : memref<10240x128xf32, #tpu.memory_space<vmem_shared>> -> memref<10240x128xf32, #tpu.memory_space<vmem_shared>>
          tpu.enqueue_indirect_dma source(%arg8 : memref<128x128xf32, #tpu.memory_space<vmem>>) target(%dma_start3A_121 : memref<10240x128xf32, #tpu.memory_space<vmem_shared>>) offsets(%dma_start3A_118 : memref<128xi32, #tpu.memory_space<vmem>>) semaphore(%run_scoped3A_115 : memref<!tpu.dma_semaphore, #tpu.memory_space<semaphore_mem>>) {add = true}
          %dma_wait3A_122 = arith.constant 0 : i32
          %dma_wait3A_123 = tpu.memref_slice %arg6[%add3A_112, %run_scoped3A_113, %dma_wait3A_122] : memref<40x2x128xi32, #tpu.memory_space<vmem>> -> memref<1x1x128xi32, #tpu.memory_space<vmem>>
          %dma_wait3A_124 = tpu.memref_squeeze %dma_wait3A_123 : memref<1x1x128xi32, #tpu.memory_space<vmem>> -> memref<128xi32, #tpu.memory_space<vmem>>
          %dma_wait3A_125 = arith.constant 0 : i32
          %dma_wait3A_126 = arith.constant 0 : i32
          %dma_wait3A_127 = tpu.memref_slice %arg5[%dma_wait3A_125, %dma_wait3A_126] : memref<10240x128xf32, #tpu.memory_space<vmem_shared>> -> memref<10240x128xf32, #tpu.memory_space<vmem_shared>>
          tpu.wait_indirect_dma semaphore(%run_scoped3A_115 : memref<!tpu.dma_semaphore, #tpu.memory_space<semaphore_mem>>) src(%arg8 : memref<128x128xf32, #tpu.memory_space<vmem>>) dst(%dma_wait3A_127 : memref<10240x128xf32, #tpu.memory_space<vmem_shared>>)
          tpu.yield
        }) : () -> ()
        %scan3A_114 = arith.constant 0 : i32
        scf.yield %scan3A_114 : i32
      }
      %scan3A_75 = arith.constant 20 : i32
      %barrier3A_76 = arith.constant 0 : index
      tpu.barrier barrier_id(%barrier3A_76)
      "tpu.region"() ({
        %run_scoped3A = tpu.sem_alloc : memref<!tpu.dma_semaphore, #tpu.memory_space<semaphore_mem>>
        %dma_start3A_77 = arith.constant 0 : i32
        %dma_start3A_78 = tpu.memref_slice %arg4[%mul3A_0, %dma_start3A_77] : memref<10240x128xf32, #tpu.memory_space<hbm>> -> memref<640x128xf32, #tpu.memory_space<hbm>>
        %dma_start3A_79 = arith.constant 0 : i32
        %dma_start3A_80 = tpu.memref_slice %arg5[%mul3A_0, %dma_start3A_79] : memref<10240x128xf32, #tpu.memory_space<vmem_shared>> -> memref<640x128xf32, #tpu.memory_space<vmem_shared>>
        tpu.enqueue_dma source(%dma_start3A_80 : memref<640x128xf32, #tpu.memory_space<vmem_shared>>) target(%dma_start3A_78 : memref<640x128xf32, #tpu.memory_space<hbm>>) target_semaphore(%run_scoped3A : memref<!tpu.dma_semaphore, #tpu.memory_space<semaphore_mem>>)
        %dma_wait3A = arith.constant 0 : i32
        %dma_wait3A_81 = tpu.memref_slice %arg4[%mul3A_0, %dma_wait3A] : memref<10240x128xf32, #tpu.memory_space<hbm>> -> memref<640x128xf32, #tpu.memory_space<hbm>>
        %dma_wait3A_82 = arith.constant 0 : i32
        %dma_wait3A_83 = tpu.memref_slice %arg5[%mul3A_0, %dma_wait3A_82] : memref<10240x128xf32, #tpu.memory_space<vmem_shared>> -> memref<640x128xf32, #tpu.memory_space<vmem_shared>>
        tpu.wait_dma2 semaphore(%run_scoped3A : memref<!tpu.dma_semaphore, #tpu.memory_space<semaphore_mem>>) src(%dma_wait3A_83 : memref<640x128xf32, #tpu.memory_space<vmem_shared>>) dst(%dma_wait3A_81 : memref<640x128xf32, #tpu.memory_space<hbm>>)
        tpu.yield
      }) : () -> ()
    } else {
    }
    return
  }
}

#map = affine_map<(d0, d1) -> (0, 0)>
#map1 = affine_map<(d0, d1) -> (0, 0, 0)>
module attributes {stable_mosaic.version = 14 : i64} {
  func.func @_sc_scatter(%arg0: i32, %arg1: i32, %arg2: memref<10240x128xf32, #tpu.memory_space<hbm>>, %arg3: memref<2560x2x128xi32, #tpu.memory_space<hbm>>, %arg4: memref<10240x128xf32, #tpu.memory_space<hbm>>, %arg5: memref<10240x128xf32, #tpu.memory_space<vmem_shared>>, %arg6: memref<40x2x128xi32, #tpu.memory_space<vmem>>, %arg7: memref<128x128xf32, #tpu.memory_space<vmem>>, %arg8: memref<128x128xf32, #tpu.memory_space<vmem>>, %arg9: memref<!tpu.dma_semaphore, #tpu.memory_space<semaphore_mem>>, %arg10: memref<!tpu.dma_semaphore, #tpu.memory_space<semaphore_mem>>) attributes {dimension_semantics = [#tpu.dimension_semantics<core_parallel>, #tpu.dimension_semantics<subcore_parallel>], iteration_bounds = array<i64: 2, 16>, scalar_prefetch = 0 : i64, scratch_operands = 6 : i64, tpu.core_type = #tpu.core_type<sc_vector_subcore>, window_params = [{transform_indices = #map}, {transform_indices = #map1}, {transform_indices = #map}]} {
    %mul3A = arith.constant 640 : i32
    %mul3A_0 = arith.muli %arg1, %mul3A : i32
    %eq3A = arith.constant 0 : i32
    %eq3A_1 = arith.cmpi eq, %arg0, %eq3A : i32
    %convert_element_type3A = arith.extui %eq3A_1 : i1 to i32
    %cond3A = arith.constant 0 : i32
    %cond3A_2 = arith.cmpi ne, %convert_element_type3A, %cond3A : i32
    scf.if %cond3A_2 {
      "tpu.region"() ({
        %run_scoped3A = tpu.sem_alloc : memref<!tpu.dma_semaphore, #tpu.memory_space<semaphore_mem>>
        %dma_start3A_77 = arith.constant 0 : i32
        %dma_start3A_78 = tpu.memref_slice %arg5[%mul3A_0, %dma_start3A_77] : memref<10240x128xf32, #tpu.memory_space<vmem_shared>> -> memref<640x128xf32, #tpu.memory_space<vmem_shared>>
        %dma_start3A_79 = arith.constant 0 : i32
        %dma_start3A_80 = tpu.memref_slice %arg2[%mul3A_0, %dma_start3A_79] : memref<10240x128xf32, #tpu.memory_space<hbm>> -> memref<640x128xf32, #tpu.memory_space<hbm>>
        tpu.enqueue_dma source(%dma_start3A_80 : memref<640x128xf32, #tpu.memory_space<hbm>>) target(%dma_start3A_78 : memref<640x128xf32, #tpu.memory_space<vmem_shared>>) target_semaphore(%run_scoped3A : memref<!tpu.dma_semaphore, #tpu.memory_space<semaphore_mem>>)
        %dma_wait3A = arith.constant 0 : i32
        %dma_wait3A_81 = tpu.memref_slice %arg5[%mul3A_0, %dma_wait3A] : memref<10240x128xf32, #tpu.memory_space<vmem_shared>> -> memref<640x128xf32, #tpu.memory_space<vmem_shared>>
        %dma_wait3A_82 = arith.constant 0 : i32
        %dma_wait3A_83 = tpu.memref_slice %arg2[%mul3A_0, %dma_wait3A_82] : memref<10240x128xf32, #tpu.memory_space<hbm>> -> memref<640x128xf32, #tpu.memory_space<hbm>>
        tpu.wait_dma2 semaphore(%run_scoped3A : memref<!tpu.dma_semaphore, #tpu.memory_space<semaphore_mem>>) src(%dma_wait3A_83 : memref<640x128xf32, #tpu.memory_space<hbm>>) dst(%dma_wait3A_81 : memref<640x128xf32, #tpu.memory_space<vmem_shared>>)
        tpu.yield
      }) : () -> ()
      %barrier3A = arith.constant 0 : index
      tpu.barrier barrier_id(%barrier3A)
      %mul3A_3 = arith.constant 160 : i32
      %mul3A_4 = arith.muli %arg1, %mul3A_3 : i32
      %add3A = arith.constant 0 : i32
      %add3A_5 = arith.addi %mul3A_4, %add3A : i32
      "tpu.region"() ({
        %run_scoped3A = tpu.sem_alloc : memref<!tpu.dma_semaphore, #tpu.memory_space<semaphore_mem>>
        %dma_start3A_77 = arith.constant 0 : i32
        %dma_start3A_78 = arith.constant 0 : i32
        %dma_start3A_79 = tpu.memref_slice %arg3[%add3A_5, %dma_start3A_77, %dma_start3A_78] : memref<2560x2x128xi32, #tpu.memory_space<hbm>> -> memref<40x2x128xi32, #tpu.memory_space<hbm>>
        %dma_start3A_80 = arith.constant 0 : i32
        %dma_start3A_81 = arith.constant 0 : i32
        %dma_start3A_82 = tpu.memref_slice %arg3[%add3A_5, %dma_start3A_80, %dma_start3A_81] : memref<2560x2x128xi32, #tpu.memory_space<hbm>> -> memref<40x2x128xi32, #tpu.memory_space<hbm>>
        tpu.enqueue_dma source(%dma_start3A_82 : memref<40x2x128xi32, #tpu.memory_space<hbm>>) target(%arg6 : memref<40x2x128xi32, #tpu.memory_space<vmem>>) target_semaphore(%run_scoped3A : memref<!tpu.dma_semaphore, #tpu.memory_space<semaphore_mem>>)
        %dma_wait3A = arith.constant 0 : i32
        %dma_wait3A_83 = arith.constant 0 : i32
        %dma_wait3A_84 = tpu.memref_slice %arg3[%add3A_5, %dma_wait3A, %dma_wait3A_83] : memref<2560x2x128xi32, #tpu.memory_space<hbm>> -> memref<40x2x128xi32, #tpu.memory_space<hbm>>
        %dma_wait3A_85 = arith.constant 0 : i32
        %dma_wait3A_86 = arith.constant 0 : i32
        %dma_wait3A_87 = tpu.memref_slice %arg3[%add3A_5, %dma_wait3A_85, %dma_wait3A_86] : memref<2560x2x128xi32, #tpu.memory_space<hbm>> -> memref<40x2x128xi32, #tpu.memory_space<hbm>>
        tpu.wait_dma2 semaphore(%run_scoped3A : memref<!tpu.dma_semaphore, #tpu.memory_space<semaphore_mem>>) src(%dma_wait3A_87 : memref<40x2x128xi32, #tpu.memory_space<hbm>>) dst(%arg6 : memref<40x2x128xi32, #tpu.memory_space<vmem>>)
        tpu.yield
      }) : () -> ()
      %dma_start3A = arith.constant 0 : i32
      %dma_start3A_6 = arith.constant 0 : i32
      %dma_start3A_7 = arith.constant 0 : i32
      %dma_start3A_8 = tpu.memref_slice %arg6[%dma_start3A, %dma_start3A_6, %dma_start3A_7] : memref<40x2x128xi32, #tpu.memory_space<vmem>> -> memref<1x1x128xi32, #tpu.memory_space<vmem>>
      %dma_start3A_9 = tpu.memref_squeeze %dma_start3A_8 : memref<1x1x128xi32, #tpu.memory_space<vmem>> -> memref<128xi32, #tpu.memory_space<vmem>>
      %dma_start3A_10 = arith.constant 0 : i32
      %dma_start3A_11 = arith.constant 0 : i32
      %dma_start3A_12 = tpu.memref_slice %arg2[%dma_start3A_10, %dma_start3A_11] : memref<10240x128xf32, #tpu.memory_space<hbm>> -> memref<10240x128xf32, #tpu.memory_space<hbm>>
      tpu.enqueue_indirect_dma source(%dma_start3A_12 : memref<10240x128xf32, #tpu.memory_space<hbm>>) target(%arg7 : memref<128x128xf32, #tpu.memory_space<vmem>>) offsets(%dma_start3A_9 : memref<128xi32, #tpu.memory_space<vmem>>) semaphore(%arg9 : memref<!tpu.dma_semaphore, #tpu.memory_space<semaphore_mem>>)
      %scan3A = arith.constant 0 : i32
      %scan3A_13 = arith.constant 0 : i32
      %scan3A_14 = arith.constant 20 : i32
      %scan3A_15 = arith.addi %scan3A_13, %scan3A_14 : i32
      %scan3A_16 = arith.constant 1 : i32
      %scan3A_17 = scf.for %scan3A_77 = %scan3A_13 to %scan3A_15 step %scan3A_16 iter_args(%scan3A_78 = %scan3A) -> (i32)  : i32 {
        %mul3A_79 = arith.constant 2 : i32
        %mul3A_80 = arith.muli %mul3A_79, %scan3A_77 : i32
        %add3A_81 = arith.constant 1 : i32
        %add3A_82 = arith.addi %mul3A_80, %add3A_81 : i32
        %dma_start3A_83 = arith.constant 0 : i32
        %dma_start3A_84 = arith.constant 0 : i32
        %dma_start3A_85 = tpu.memref_slice %arg6[%add3A_82, %dma_start3A_83, %dma_start3A_84] : memref<40x2x128xi32, #tpu.memory_space<vmem>> -> memref<1x1x128xi32, #tpu.memory_space<vmem>>
        %dma_start3A_86 = tpu.memref_squeeze %dma_start3A_85 : memref<1x1x128xi32, #tpu.memory_space<vmem>> -> memref<128xi32, #tpu.memory_space<vmem>>
        %dma_start3A_87 = arith.constant 0 : i32
        %dma_start3A_88 = arith.constant 0 : i32
        %dma_start3A_89 = tpu.memref_slice %arg2[%dma_start3A_87, %dma_start3A_88] : memref<10240x128xf32, #tpu.memory_space<hbm>> -> memref<10240x128xf32, #tpu.memory_space<hbm>>
        tpu.enqueue_indirect_dma source(%dma_start3A_89 : memref<10240x128xf32, #tpu.memory_space<hbm>>) target(%arg8 : memref<128x128xf32, #tpu.memory_space<vmem>>) offsets(%dma_start3A_86 : memref<128xi32, #tpu.memory_space<vmem>>) semaphore(%arg10 : memref<!tpu.dma_semaphore, #tpu.memory_space<semaphore_mem>>)
        %dma_wait3A = arith.constant 0 : i32
        %dma_wait3A_90 = arith.constant 0 : i32
        %dma_wait3A_91 = tpu.memref_slice %arg6[%mul3A_80, %dma_wait3A, %dma_wait3A_90] : memref<40x2x128xi32, #tpu.memory_space<vmem>> -> memref<1x1x128xi32, #tpu.memory_space<vmem>>
        %dma_wait3A_92 = tpu.memref_squeeze %dma_wait3A_91 : memref<1x1x128xi32, #tpu.memory_space<vmem>> -> memref<128xi32, #tpu.memory_space<vmem>>
        %dma_wait3A_93 = arith.constant 0 : i32
        %dma_wait3A_94 = arith.constant 0 : i32
        %dma_wait3A_95 = tpu.memref_slice %arg2[%dma_wait3A_93, %dma_wait3A_94] : memref<10240x128xf32, #tpu.memory_space<hbm>> -> memref<10240x128xf32, #tpu.memory_space<hbm>>
        tpu.wait_indirect_dma semaphore(%arg9 : memref<!tpu.dma_semaphore, #tpu.memory_space<semaphore_mem>>) src(%dma_wait3A_95 : memref<10240x128xf32, #tpu.memory_space<hbm>>) dst(%arg7 : memref<128x128xf32, #tpu.memory_space<vmem>>)
        %run_scoped3A = arith.constant 1 : i32
        "tpu.region"() ({
          %run_scoped3A_115 = tpu.sem_alloc : memref<!tpu.dma_semaphore, #tpu.memory_space<semaphore_mem>>
          %dma_start3A_116 = arith.constant 0 : i32
          %dma_start3A_117 = tpu.memref_slice %arg6[%mul3A_80, %run_scoped3A, %dma_start3A_116] : memref<40x2x128xi32, #tpu.memory_space<vmem>> -> memref<1x1x128xi32, #tpu.memory_space<vmem>>
          %dma_start3A_118 = tpu.memref_squeeze %dma_start3A_117 : memref<1x1x128xi32, #tpu.memory_space<vmem>> -> memref<128xi32, #tpu.memory_space<vmem>>
          %dma_start3A_119 = arith.constant 0 : i32
          %dma_start3A_120 = arith.constant 0 : i32
          %dma_start3A_121 = tpu.memref_slice %arg5[%dma_start3A_119, %dma_start3A_120] : memref<10240x128xf32, #tpu.memory_space<vmem_shared>> -> memref<10240x128xf32, #tpu.memory_space<vmem_shared>>
          tpu.enqueue_indirect_dma source(%arg7 : memref<128x128xf32, #tpu.memory_space<vmem>>) target(%dma_start3A_121 : memref<10240x128xf32, #tpu.memory_space<vmem_shared>>) offsets(%dma_start3A_118 : memref<128xi32, #tpu.memory_space<vmem>>) semaphore(%run_scoped3A_115 : memref<!tpu.dma_semaphore, #tpu.memory_space<semaphore_mem>>) {add = true}
          %dma_wait3A_122 = arith.constant 0 : i32
          %dma_wait3A_123 = tpu.memref_slice %arg6[%mul3A_80, %run_scoped3A, %dma_wait3A_122] : memref<40x2x128xi32, #tpu.memory_space<vmem>> -> memref<1x1x128xi32, #tpu.memory_space<vmem>>
          %dma_wait3A_124 = tpu.memref_squeeze %dma_wait3A_123 : memref<1x1x128xi32, #tpu.memory_space<vmem>> -> memref<128xi32, #tpu.memory_space<vmem>>
          %dma_wait3A_125 = arith.constant 0 : i32
          %dma_wait3A_126 = arith.constant 0 : i32
          %dma_wait3A_127 = tpu.memref_slice %arg5[%dma_wait3A_125, %dma_wait3A_126] : memref<10240x128xf32, #tpu.memory_space<vmem_shared>> -> memref<10240x128xf32, #tpu.memory_space<vmem_shared>>
          tpu.wait_indirect_dma semaphore(%run_scoped3A_115 : memref<!tpu.dma_semaphore, #tpu.memory_space<semaphore_mem>>) src(%arg7 : memref<128x128xf32, #tpu.memory_space<vmem>>) dst(%dma_wait3A_127 : memref<10240x128xf32, #tpu.memory_space<vmem_shared>>)
          tpu.yield
        }) : () -> ()
        %add3A_96 = arith.constant 2 : i32
        %add3A_97 = arith.addi %mul3A_80, %add3A_96 : i32
        %lt3A = arith.constant 40 : i32
        %lt3A_98 = arith.cmpi slt, %add3A_97, %lt3A : i32
        %convert_element_type3A_99 = arith.extui %lt3A_98 : i1 to i32
        %cond3A_100 = arith.constant 0 : i32
        %cond3A_101 = arith.cmpi ne, %convert_element_type3A_99, %cond3A_100 : i32
        scf.if %cond3A_101 {
          %add3A_115 = arith.constant 2 : i32
          %add3A_116 = arith.addi %mul3A_80, %add3A_115 : i32
          %dma_start3A_117 = arith.constant 0 : i32
          %dma_start3A_118 = arith.constant 0 : i32
          %dma_start3A_119 = tpu.memref_slice %arg6[%add3A_116, %dma_start3A_117, %dma_start3A_118] : memref<40x2x128xi32, #tpu.memory_space<vmem>> -> memref<1x1x128xi32, #tpu.memory_space<vmem>>
          %dma_start3A_120 = tpu.memref_squeeze %dma_start3A_119 : memref<1x1x128xi32, #tpu.memory_space<vmem>> -> memref<128xi32, #tpu.memory_space<vmem>>
          %dma_start3A_121 = arith.constant 0 : i32
          %dma_start3A_122 = arith.constant 0 : i32
          %dma_start3A_123 = tpu.memref_slice %arg2[%dma_start3A_121, %dma_start3A_122] : memref<10240x128xf32, #tpu.memory_space<hbm>> -> memref<10240x128xf32, #tpu.memory_space<hbm>>
          tpu.enqueue_indirect_dma source(%dma_start3A_123 : memref<10240x128xf32, #tpu.memory_space<hbm>>) target(%arg7 : memref<128x128xf32, #tpu.memory_space<vmem>>) offsets(%dma_start3A_120 : memref<128xi32, #tpu.memory_space<vmem>>) semaphore(%arg9 : memref<!tpu.dma_semaphore, #tpu.memory_space<semaphore_mem>>)
        } else {
        }
        %add3A_102 = arith.constant 1 : i32
        %add3A_103 = arith.addi %mul3A_80, %add3A_102 : i32
        %dma_wait3A_104 = arith.constant 0 : i32
        %dma_wait3A_105 = arith.constant 0 : i32
        %dma_wait3A_106 = tpu.memref_slice %arg6[%add3A_103, %dma_wait3A_104, %dma_wait3A_105] : memref<40x2x128xi32, #tpu.memory_space<vmem>> -> memref<1x1x128xi32, #tpu.memory_space<vmem>>
        %dma_wait3A_107 = tpu.memref_squeeze %dma_wait3A_106 : memref<1x1x128xi32, #tpu.memory_space<vmem>> -> memref<128xi32, #tpu.memory_space<vmem>>
        %dma_wait3A_108 = arith.constant 0 : i32
        %dma_wait3A_109 = arith.constant 0 : i32
        %dma_wait3A_110 = tpu.memref_slice %arg2[%dma_wait3A_108, %dma_wait3A_109] : memref<10240x128xf32, #tpu.memory_space<hbm>> -> memref<10240x128xf32, #tpu.memory_space<hbm>>
        tpu.wait_indirect_dma semaphore(%arg10 : memref<!tpu.dma_semaphore, #tpu.memory_space<semaphore_mem>>) src(%dma_wait3A_110 : memref<10240x128xf32, #tpu.memory_space<hbm>>) dst(%arg8 : memref<128x128xf32, #tpu.memory_space<vmem>>)
        %add3A_111 = arith.constant 1 : i32
        %add3A_112 = arith.addi %mul3A_80, %add3A_111 : i32
        %run_scoped3A_113 = arith.constant 1 : i32
        "tpu.region"() ({
          %run_scoped3A_115 = tpu.sem_alloc : memref<!tpu.dma_semaphore, #tpu.memory_space<semaphore_mem>>
          %dma_start3A_116 = arith.constant 0 : i32
          %dma_start3A_117 = tpu.memref_slice %arg6[%add3A_112, %run_scoped3A_113, %dma_start3A_116] : memref<40x2x128xi32, #tpu.memory_space<vmem>> -> memref<1x1x128xi32, #tpu.memory_space<vmem>>
          %dma_start3A_118 = tpu.memref_squeeze %dma_start3A_117 : memref<1x1x128xi32, #tpu.memory_space<vmem>> -> memref<128xi32, #tpu.memory_space<vmem>>
          %dma_start3A_119 = arith.constant 0 : i32
          %dma_start3A_120 = arith.constant 0 : i32
          %dma_start3A_121 = tpu.memref_slice %arg5[%dma_start3A_119, %dma_start3A_120] : memref<10240x128xf32, #tpu.memory_space<vmem_shared>> -> memref<10240x128xf32, #tpu.memory_space<vmem_shared>>
          tpu.enqueue_indirect_dma source(%arg8 : memref<128x128xf32, #tpu.memory_space<vmem>>) target(%dma_start3A_121 : memref<10240x128xf32, #tpu.memory_space<vmem_shared>>) offsets(%dma_start3A_118 : memref<128xi32, #tpu.memory_space<vmem>>) semaphore(%run_scoped3A_115 : memref<!tpu.dma_semaphore, #tpu.memory_space<semaphore_mem>>) {add = true}
          %dma_wait3A_122 = arith.constant 0 : i32
          %dma_wait3A_123 = tpu.memref_slice %arg6[%add3A_112, %run_scoped3A_113, %dma_wait3A_122] : memref<40x2x128xi32, #tpu.memory_space<vmem>> -> memref<1x1x128xi32, #tpu.memory_space<vmem>>
          %dma_wait3A_124 = tpu.memref_squeeze %dma_wait3A_123 : memref<1x1x128xi32, #tpu.memory_space<vmem>> -> memref<128xi32, #tpu.memory_space<vmem>>
          %dma_wait3A_125 = arith.constant 0 : i32
          %dma_wait3A_126 = arith.constant 0 : i32
          %dma_wait3A_127 = tpu.memref_slice %arg5[%dma_wait3A_125, %dma_wait3A_126] : memref<10240x128xf32, #tpu.memory_space<vmem_shared>> -> memref<10240x128xf32, #tpu.memory_space<vmem_shared>>
          tpu.wait_indirect_dma semaphore(%run_scoped3A_115 : memref<!tpu.dma_semaphore, #tpu.memory_space<semaphore_mem>>) src(%arg8 : memref<128x128xf32, #tpu.memory_space<vmem>>) dst(%dma_wait3A_127 : memref<10240x128xf32, #tpu.memory_space<vmem_shared>>)
          tpu.yield
        }) : () -> ()
        %scan3A_114 = arith.constant 0 : i32
        scf.yield %scan3A_114 : i32
      }
      %scan3A_18 = arith.constant 20 : i32
      %mul3A_19 = arith.constant 160 : i32
      %mul3A_20 = arith.muli %arg1, %mul3A_19 : i32
      %add3A_21 = arith.constant 40 : i32
      %add3A_22 = arith.addi %mul3A_20, %add3A_21 : i32
      "tpu.region"() ({
        %run_scoped3A = tpu.sem_alloc : memref<!tpu.dma_semaphore, #tpu.memory_space<semaphore_mem>>
        %dma_start3A_77 = arith.constant 0 : i32
        %dma_start3A_78 = arith.constant 0 : i32
        %dma_start3A_79 = tpu.memref_slice %arg3[%add3A_22, %dma_start3A_77, %dma_start3A_78] : memref<2560x2x128xi32, #tpu.memory_space<hbm>> -> memref<40x2x128xi32, #tpu.memory_space<hbm>>
        %dma_start3A_80 = arith.constant 0 : i32
        %dma_start3A_81 = arith.constant 0 : i32
        %dma_start3A_82 = tpu.memref_slice %arg3[%add3A_22, %dma_start3A_80, %dma_start3A_81] : memref<2560x2x128xi32, #tpu.memory_space<hbm>> -> memref<40x2x128xi32, #tpu.memory_space<hbm>>
        tpu.enqueue_dma source(%dma_start3A_82 : memref<40x2x128xi32, #tpu.memory_space<hbm>>) target(%arg6 : memref<40x2x128xi32, #tpu.memory_space<vmem>>) target_semaphore(%run_scoped3A : memref<!tpu.dma_semaphore, #tpu.memory_space<semaphore_mem>>)
        %dma_wait3A = arith.constant 0 : i32
        %dma_wait3A_83 = arith.constant 0 : i32
        %dma_wait3A_84 = tpu.memref_slice %arg3[%add3A_22, %dma_wait3A, %dma_wait3A_83] : memref<2560x2x128xi32, #tpu.memory_space<hbm>> -> memref<40x2x128xi32, #tpu.memory_space<hbm>>
        %dma_wait3A_85 = arith.constant 0 : i32
        %dma_wait3A_86 = arith.constant 0 : i32
        %dma_wait3A_87 = tpu.memref_slice %arg3[%add3A_22, %dma_wait3A_85, %dma_wait3A_86] : memref<2560x2x128xi32, #tpu.memory_space<hbm>> -> memref<40x2x128xi32, #tpu.memory_space<hbm>>
        tpu.wait_dma2 semaphore(%run_scoped3A : memref<!tpu.dma_semaphore, #tpu.memory_space<semaphore_mem>>) src(%dma_wait3A_87 : memref<40x2x128xi32, #tpu.memory_space<hbm>>) dst(%arg6 : memref<40x2x128xi32, #tpu.memory_space<vmem>>)
        tpu.yield
      }) : () -> ()
      %dma_start3A_23 = arith.constant 0 : i32
      %dma_start3A_24 = arith.constant 0 : i32
      %dma_start3A_25 = arith.constant 0 : i32
      %dma_start3A_26 = tpu.memref_slice %arg6[%dma_start3A_23, %dma_start3A_24, %dma_start3A_25] : memref<40x2x128xi32, #tpu.memory_space<vmem>> -> memref<1x1x128xi32, #tpu.memory_space<vmem>>
      %dma_start3A_27 = tpu.memref_squeeze %dma_start3A_26 : memref<1x1x128xi32, #tpu.memory_space<vmem>> -> memref<128xi32, #tpu.memory_space<vmem>>
      %dma_start3A_28 = arith.constant 0 : i32
      %dma_start3A_29 = arith.constant 0 : i32
      %dma_start3A_30 = tpu.memref_slice %arg2[%dma_start3A_28, %dma_start3A_29] : memref<10240x128xf32, #tpu.memory_space<hbm>> -> memref<10240x128xf32, #tpu.memory_space<hbm>>
      tpu.enqueue_indirect_dma source(%dma_start3A_30 : memref<10240x128xf32, #tpu.memory_space<hbm>>) target(%arg7 : memref<128x128xf32, #tpu.memory_space<vmem>>) offsets(%dma_start3A_27 : memref<128xi32, #tpu.memory_space<vmem>>) semaphore(%arg9 : memref<!tpu.dma_semaphore, #tpu.memory_space<semaphore_mem>>)
      %scan3A_31 = arith.constant 0 : i32
      %scan3A_32 = arith.constant 0 : i32
      %scan3A_33 = arith.constant 20 : i32
      %scan3A_34 = arith.addi %scan3A_32, %scan3A_33 : i32
      %scan3A_35 = arith.constant 1 : i32
      %scan3A_36 = scf.for %scan3A_77 = %scan3A_32 to %scan3A_34 step %scan3A_35 iter_args(%scan3A_78 = %scan3A_31) -> (i32)  : i32 {
        %mul3A_79 = arith.constant 2 : i32
        %mul3A_80 = arith.muli %mul3A_79, %scan3A_77 : i32
        %add3A_81 = arith.constant 1 : i32
        %add3A_82 = arith.addi %mul3A_80, %add3A_81 : i32
        %dma_start3A_83 = arith.constant 0 : i32
        %dma_start3A_84 = arith.constant 0 : i32
        %dma_start3A_85 = tpu.memref_slice %arg6[%add3A_82, %dma_start3A_83, %dma_start3A_84] : memref<40x2x128xi32, #tpu.memory_space<vmem>> -> memref<1x1x128xi32, #tpu.memory_space<vmem>>
        %dma_start3A_86 = tpu.memref_squeeze %dma_start3A_85 : memref<1x1x128xi32, #tpu.memory_space<vmem>> -> memref<128xi32, #tpu.memory_space<vmem>>
        %dma_start3A_87 = arith.constant 0 : i32
        %dma_start3A_88 = arith.constant 0 : i32
        %dma_start3A_89 = tpu.memref_slice %arg2[%dma_start3A_87, %dma_start3A_88] : memref<10240x128xf32, #tpu.memory_space<hbm>> -> memref<10240x128xf32, #tpu.memory_space<hbm>>
        tpu.enqueue_indirect_dma source(%dma_start3A_89 : memref<10240x128xf32, #tpu.memory_space<hbm>>) target(%arg8 : memref<128x128xf32, #tpu.memory_space<vmem>>) offsets(%dma_start3A_86 : memref<128xi32, #tpu.memory_space<vmem>>) semaphore(%arg10 : memref<!tpu.dma_semaphore, #tpu.memory_space<semaphore_mem>>)
        %dma_wait3A = arith.constant 0 : i32
        %dma_wait3A_90 = arith.constant 0 : i32
        %dma_wait3A_91 = tpu.memref_slice %arg6[%mul3A_80, %dma_wait3A, %dma_wait3A_90] : memref<40x2x128xi32, #tpu.memory_space<vmem>> -> memref<1x1x128xi32, #tpu.memory_space<vmem>>
        %dma_wait3A_92 = tpu.memref_squeeze %dma_wait3A_91 : memref<1x1x128xi32, #tpu.memory_space<vmem>> -> memref<128xi32, #tpu.memory_space<vmem>>
        %dma_wait3A_93 = arith.constant 0 : i32
        %dma_wait3A_94 = arith.constant 0 : i32
        %dma_wait3A_95 = tpu.memref_slice %arg2[%dma_wait3A_93, %dma_wait3A_94] : memref<10240x128xf32, #tpu.memory_space<hbm>> -> memref<10240x128xf32, #tpu.memory_space<hbm>>
        tpu.wait_indirect_dma semaphore(%arg9 : memref<!tpu.dma_semaphore, #tpu.memory_space<semaphore_mem>>) src(%dma_wait3A_95 : memref<10240x128xf32, #tpu.memory_space<hbm>>) dst(%arg7 : memref<128x128xf32, #tpu.memory_space<vmem>>)
        %run_scoped3A = arith.constant 1 : i32
        "tpu.region"() ({
          %run_scoped3A_115 = tpu.sem_alloc : memref<!tpu.dma_semaphore, #tpu.memory_space<semaphore_mem>>
          %dma_start3A_116 = arith.constant 0 : i32
          %dma_start3A_117 = tpu.memref_slice %arg6[%mul3A_80, %run_scoped3A, %dma_start3A_116] : memref<40x2x128xi32, #tpu.memory_space<vmem>> -> memref<1x1x128xi32, #tpu.memory_space<vmem>>
          %dma_start3A_118 = tpu.memref_squeeze %dma_start3A_117 : memref<1x1x128xi32, #tpu.memory_space<vmem>> -> memref<128xi32, #tpu.memory_space<vmem>>
          %dma_start3A_119 = arith.constant 0 : i32
          %dma_start3A_120 = arith.constant 0 : i32
          %dma_start3A_121 = tpu.memref_slice %arg5[%dma_start3A_119, %dma_start3A_120] : memref<10240x128xf32, #tpu.memory_space<vmem_shared>> -> memref<10240x128xf32, #tpu.memory_space<vmem_shared>>
          tpu.enqueue_indirect_dma source(%arg7 : memref<128x128xf32, #tpu.memory_space<vmem>>) target(%dma_start3A_121 : memref<10240x128xf32, #tpu.memory_space<vmem_shared>>) offsets(%dma_start3A_118 : memref<128xi32, #tpu.memory_space<vmem>>) semaphore(%run_scoped3A_115 : memref<!tpu.dma_semaphore, #tpu.memory_space<semaphore_mem>>) {add = true}
          %dma_wait3A_122 = arith.constant 0 : i32
          %dma_wait3A_123 = tpu.memref_slice %arg6[%mul3A_80, %run_scoped3A, %dma_wait3A_122] : memref<40x2x128xi32, #tpu.memory_space<vmem>> -> memref<1x1x128xi32, #tpu.memory_space<vmem>>
          %dma_wait3A_124 = tpu.memref_squeeze %dma_wait3A_123 : memref<1x1x128xi32, #tpu.memory_space<vmem>> -> memref<128xi32, #tpu.memory_space<vmem>>
          %dma_wait3A_125 = arith.constant 0 : i32
          %dma_wait3A_126 = arith.constant 0 : i32
          %dma_wait3A_127 = tpu.memref_slice %arg5[%dma_wait3A_125, %dma_wait3A_126] : memref<10240x128xf32, #tpu.memory_space<vmem_shared>> -> memref<10240x128xf32, #tpu.memory_space<vmem_shared>>
          tpu.wait_indirect_dma semaphore(%run_scoped3A_115 : memref<!tpu.dma_semaphore, #tpu.memory_space<semaphore_mem>>) src(%arg7 : memref<128x128xf32, #tpu.memory_space<vmem>>) dst(%dma_wait3A_127 : memref<10240x128xf32, #tpu.memory_space<vmem_shared>>)
          tpu.yield
        }) : () -> ()
        %add3A_96 = arith.constant 2 : i32
        %add3A_97 = arith.addi %mul3A_80, %add3A_96 : i32
        %lt3A = arith.constant 40 : i32
        %lt3A_98 = arith.cmpi slt, %add3A_97, %lt3A : i32
        %convert_element_type3A_99 = arith.extui %lt3A_98 : i1 to i32
        %cond3A_100 = arith.constant 0 : i32
        %cond3A_101 = arith.cmpi ne, %convert_element_type3A_99, %cond3A_100 : i32
        scf.if %cond3A_101 {
          %add3A_115 = arith.constant 2 : i32
          %add3A_116 = arith.addi %mul3A_80, %add3A_115 : i32
          %dma_start3A_117 = arith.constant 0 : i32
          %dma_start3A_118 = arith.constant 0 : i32
          %dma_start3A_119 = tpu.memref_slice %arg6[%add3A_116, %dma_start3A_117, %dma_start3A_118] : memref<40x2x128xi32, #tpu.memory_space<vmem>> -> memref<1x1x128xi32, #tpu.memory_space<vmem>>
          %dma_start3A_120 = tpu.memref_squeeze %dma_start3A_119 : memref<1x1x128xi32, #tpu.memory_space<vmem>> -> memref<128xi32, #tpu.memory_space<vmem>>
          %dma_start3A_121 = arith.constant 0 : i32
          %dma_start3A_122 = arith.constant 0 : i32
          %dma_start3A_123 = tpu.memref_slice %arg2[%dma_start3A_121, %dma_start3A_122] : memref<10240x128xf32, #tpu.memory_space<hbm>> -> memref<10240x128xf32, #tpu.memory_space<hbm>>
          tpu.enqueue_indirect_dma source(%dma_start3A_123 : memref<10240x128xf32, #tpu.memory_space<hbm>>) target(%arg7 : memref<128x128xf32, #tpu.memory_space<vmem>>) offsets(%dma_start3A_120 : memref<128xi32, #tpu.memory_space<vmem>>) semaphore(%arg9 : memref<!tpu.dma_semaphore, #tpu.memory_space<semaphore_mem>>)
        } else {
        }
        %add3A_102 = arith.constant 1 : i32
        %add3A_103 = arith.addi %mul3A_80, %add3A_102 : i32
        %dma_wait3A_104 = arith.constant 0 : i32
        %dma_wait3A_105 = arith.constant 0 : i32
        %dma_wait3A_106 = tpu.memref_slice %arg6[%add3A_103, %dma_wait3A_104, %dma_wait3A_105] : memref<40x2x128xi32, #tpu.memory_space<vmem>> -> memref<1x1x128xi32, #tpu.memory_space<vmem>>
        %dma_wait3A_107 = tpu.memref_squeeze %dma_wait3A_106 : memref<1x1x128xi32, #tpu.memory_space<vmem>> -> memref<128xi32, #tpu.memory_space<vmem>>
        %dma_wait3A_108 = arith.constant 0 : i32
        %dma_wait3A_109 = arith.constant 0 : i32
        %dma_wait3A_110 = tpu.memref_slice %arg2[%dma_wait3A_108, %dma_wait3A_109] : memref<10240x128xf32, #tpu.memory_space<hbm>> -> memref<10240x128xf32, #tpu.memory_space<hbm>>
        tpu.wait_indirect_dma semaphore(%arg10 : memref<!tpu.dma_semaphore, #tpu.memory_space<semaphore_mem>>) src(%dma_wait3A_110 : memref<10240x128xf32, #tpu.memory_space<hbm>>) dst(%arg8 : memref<128x128xf32, #tpu.memory_space<vmem>>)
        %add3A_111 = arith.constant 1 : i32
        %add3A_112 = arith.addi %mul3A_80, %add3A_111 : i32
        %run_scoped3A_113 = arith.constant 1 : i32
        "tpu.region"() ({
          %run_scoped3A_115 = tpu.sem_alloc : memref<!tpu.dma_semaphore, #tpu.memory_space<semaphore_mem>>
          %dma_start3A_116 = arith.constant 0 : i32
          %dma_start3A_117 = tpu.memref_slice %arg6[%add3A_112, %run_scoped3A_113, %dma_start3A_116] : memref<40x2x128xi32, #tpu.memory_space<vmem>> -> memref<1x1x128xi32, #tpu.memory_space<vmem>>
          %dma_start3A_118 = tpu.memref_squeeze %dma_start3A_117 : memref<1x1x128xi32, #tpu.memory_space<vmem>> -> memref<128xi32, #tpu.memory_space<vmem>>
          %dma_start3A_119 = arith.constant 0 : i32
          %dma_start3A_120 = arith.constant 0 : i32
          %dma_start3A_121 = tpu.memref_slice %arg5[%dma_start3A_119, %dma_start3A_120] : memref<10240x128xf32, #tpu.memory_space<vmem_shared>> -> memref<10240x128xf32, #tpu.memory_space<vmem_shared>>
          tpu.enqueue_indirect_dma source(%arg8 : memref<128x128xf32, #tpu.memory_space<vmem>>) target(%dma_start3A_121 : memref<10240x128xf32, #tpu.memory_space<vmem_shared>>) offsets(%dma_start3A_118 : memref<128xi32, #tpu.memory_space<vmem>>) semaphore(%run_scoped3A_115 : memref<!tpu.dma_semaphore, #tpu.memory_space<semaphore_mem>>) {add = true}
          %dma_wait3A_122 = arith.constant 0 : i32
          %dma_wait3A_123 = tpu.memref_slice %arg6[%add3A_112, %run_scoped3A_113, %dma_wait3A_122] : memref<40x2x128xi32, #tpu.memory_space<vmem>> -> memref<1x1x128xi32, #tpu.memory_space<vmem>>
          %dma_wait3A_124 = tpu.memref_squeeze %dma_wait3A_123 : memref<1x1x128xi32, #tpu.memory_space<vmem>> -> memref<128xi32, #tpu.memory_space<vmem>>
          %dma_wait3A_125 = arith.constant 0 : i32
          %dma_wait3A_126 = arith.constant 0 : i32
          %dma_wait3A_127 = tpu.memref_slice %arg5[%dma_wait3A_125, %dma_wait3A_126] : memref<10240x128xf32, #tpu.memory_space<vmem_shared>> -> memref<10240x128xf32, #tpu.memory_space<vmem_shared>>
          tpu.wait_indirect_dma semaphore(%run_scoped3A_115 : memref<!tpu.dma_semaphore, #tpu.memory_space<semaphore_mem>>) src(%arg8 : memref<128x128xf32, #tpu.memory_space<vmem>>) dst(%dma_wait3A_127 : memref<10240x128xf32, #tpu.memory_space<vmem_shared>>)
          tpu.yield
        }) : () -> ()
        %scan3A_114 = arith.constant 0 : i32
        scf.yield %scan3A_114 : i32
      }
      %scan3A_37 = arith.constant 20 : i32
      %mul3A_38 = arith.constant 160 : i32
      %mul3A_39 = arith.muli %arg1, %mul3A_38 : i32
      %add3A_40 = arith.constant 80 : i32
      %add3A_41 = arith.addi %mul3A_39, %add3A_40 : i32
      "tpu.region"() ({
        %run_scoped3A = tpu.sem_alloc : memref<!tpu.dma_semaphore, #tpu.memory_space<semaphore_mem>>
        %dma_start3A_77 = arith.constant 0 : i32
        %dma_start3A_78 = arith.constant 0 : i32
        %dma_start3A_79 = tpu.memref_slice %arg3[%add3A_41, %dma_start3A_77, %dma_start3A_78] : memref<2560x2x128xi32, #tpu.memory_space<hbm>> -> memref<40x2x128xi32, #tpu.memory_space<hbm>>
        %dma_start3A_80 = arith.constant 0 : i32
        %dma_start3A_81 = arith.constant 0 : i32
        %dma_start3A_82 = tpu.memref_slice %arg3[%add3A_41, %dma_start3A_80, %dma_start3A_81] : memref<2560x2x128xi32, #tpu.memory_space<hbm>> -> memref<40x2x128xi32, #tpu.memory_space<hbm>>
        tpu.enqueue_dma source(%dma_start3A_82 : memref<40x2x128xi32, #tpu.memory_space<hbm>>) target(%arg6 : memref<40x2x128xi32, #tpu.memory_space<vmem>>) target_semaphore(%run_scoped3A : memref<!tpu.dma_semaphore, #tpu.memory_space<semaphore_mem>>)
        %dma_wait3A = arith.constant 0 : i32
        %dma_wait3A_83 = arith.constant 0 : i32
        %dma_wait3A_84 = tpu.memref_slice %arg3[%add3A_41, %dma_wait3A, %dma_wait3A_83] : memref<2560x2x128xi32, #tpu.memory_space<hbm>> -> memref<40x2x128xi32, #tpu.memory_space<hbm>>
        %dma_wait3A_85 = arith.constant 0 : i32
        %dma_wait3A_86 = arith.constant 0 : i32
        %dma_wait3A_87 = tpu.memref_slice %arg3[%add3A_41, %dma_wait3A_85, %dma_wait3A_86] : memref<2560x2x128xi32, #tpu.memory_space<hbm>> -> memref<40x2x128xi32, #tpu.memory_space<hbm>>
        tpu.wait_dma2 semaphore(%run_scoped3A : memref<!tpu.dma_semaphore, #tpu.memory_space<semaphore_mem>>) src(%dma_wait3A_87 : memref<40x2x128xi32, #tpu.memory_space<hbm>>) dst(%arg6 : memref<40x2x128xi32, #tpu.memory_space<vmem>>)
        tpu.yield
      }) : () -> ()
      %dma_start3A_42 = arith.constant 0 : i32
      %dma_start3A_43 = arith.constant 0 : i32
      %dma_start3A_44 = arith.constant 0 : i32
      %dma_start3A_45 = tpu.memref_slice %arg6[%dma_start3A_42, %dma_start3A_43, %dma_start3A_44] : memref<40x2x128xi32, #tpu.memory_space<vmem>> -> memref<1x1x128xi32, #tpu.memory_space<vmem>>
      %dma_start3A_46 = tpu.memref_squeeze %dma_start3A_45 : memref<1x1x128xi32, #tpu.memory_space<vmem>> -> memref<128xi32, #tpu.memory_space<vmem>>
      %dma_start3A_47 = arith.constant 0 : i32
      %dma_start3A_48 = arith.constant 0 : i32
      %dma_start3A_49 = tpu.memref_slice %arg2[%dma_start3A_47, %dma_start3A_48] : memref<10240x128xf32, #tpu.memory_space<hbm>> -> memref<10240x128xf32, #tpu.memory_space<hbm>>
      tpu.enqueue_indirect_dma source(%dma_start3A_49 : memref<10240x128xf32, #tpu.memory_space<hbm>>) target(%arg7 : memref<128x128xf32, #tpu.memory_space<vmem>>) offsets(%dma_start3A_46 : memref<128xi32, #tpu.memory_space<vmem>>) semaphore(%arg9 : memref<!tpu.dma_semaphore, #tpu.memory_space<semaphore_mem>>)
      %scan3A_50 = arith.constant 0 : i32
      %scan3A_51 = arith.constant 0 : i32
      %scan3A_52 = arith.constant 20 : i32
      %scan3A_53 = arith.addi %scan3A_51, %scan3A_52 : i32
      %scan3A_54 = arith.constant 1 : i32
      %scan3A_55 = scf.for %scan3A_77 = %scan3A_51 to %scan3A_53 step %scan3A_54 iter_args(%scan3A_78 = %scan3A_50) -> (i32)  : i32 {
        %mul3A_79 = arith.constant 2 : i32
        %mul3A_80 = arith.muli %mul3A_79, %scan3A_77 : i32
        %add3A_81 = arith.constant 1 : i32
        %add3A_82 = arith.addi %mul3A_80, %add3A_81 : i32
        %dma_start3A_83 = arith.constant 0 : i32
        %dma_start3A_84 = arith.constant 0 : i32
        %dma_start3A_85 = tpu.memref_slice %arg6[%add3A_82, %dma_start3A_83, %dma_start3A_84] : memref<40x2x128xi32, #tpu.memory_space<vmem>> -> memref<1x1x128xi32, #tpu.memory_space<vmem>>
        %dma_start3A_86 = tpu.memref_squeeze %dma_start3A_85 : memref<1x1x128xi32, #tpu.memory_space<vmem>> -> memref<128xi32, #tpu.memory_space<vmem>>
        %dma_start3A_87 = arith.constant 0 : i32
        %dma_start3A_88 = arith.constant 0 : i32
        %dma_start3A_89 = tpu.memref_slice %arg2[%dma_start3A_87, %dma_start3A_88] : memref<10240x128xf32, #tpu.memory_space<hbm>> -> memref<10240x128xf32, #tpu.memory_space<hbm>>
        tpu.enqueue_indirect_dma source(%dma_start3A_89 : memref<10240x128xf32, #tpu.memory_space<hbm>>) target(%arg8 : memref<128x128xf32, #tpu.memory_space<vmem>>) offsets(%dma_start3A_86 : memref<128xi32, #tpu.memory_space<vmem>>) semaphore(%arg10 : memref<!tpu.dma_semaphore, #tpu.memory_space<semaphore_mem>>)
        %dma_wait3A = arith.constant 0 : i32
        %dma_wait3A_90 = arith.constant 0 : i32
        %dma_wait3A_91 = tpu.memref_slice %arg6[%mul3A_80, %dma_wait3A, %dma_wait3A_90] : memref<40x2x128xi32, #tpu.memory_space<vmem>> -> memref<1x1x128xi32, #tpu.memory_space<vmem>>
        %dma_wait3A_92 = tpu.memref_squeeze %dma_wait3A_91 : memref<1x1x128xi32, #tpu.memory_space<vmem>> -> memref<128xi32, #tpu.memory_space<vmem>>
        %dma_wait3A_93 = arith.constant 0 : i32
        %dma_wait3A_94 = arith.constant 0 : i32
        %dma_wait3A_95 = tpu.memref_slice %arg2[%dma_wait3A_93, %dma_wait3A_94] : memref<10240x128xf32, #tpu.memory_space<hbm>> -> memref<10240x128xf32, #tpu.memory_space<hbm>>
        tpu.wait_indirect_dma semaphore(%arg9 : memref<!tpu.dma_semaphore, #tpu.memory_space<semaphore_mem>>) src(%dma_wait3A_95 : memref<10240x128xf32, #tpu.memory_space<hbm>>) dst(%arg7 : memref<128x128xf32, #tpu.memory_space<vmem>>)
        %run_scoped3A = arith.constant 1 : i32
        "tpu.region"() ({
          %run_scoped3A_115 = tpu.sem_alloc : memref<!tpu.dma_semaphore, #tpu.memory_space<semaphore_mem>>
          %dma_start3A_116 = arith.constant 0 : i32
          %dma_start3A_117 = tpu.memref_slice %arg6[%mul3A_80, %run_scoped3A, %dma_start3A_116] : memref<40x2x128xi32, #tpu.memory_space<vmem>> -> memref<1x1x128xi32, #tpu.memory_space<vmem>>
          %dma_start3A_118 = tpu.memref_squeeze %dma_start3A_117 : memref<1x1x128xi32, #tpu.memory_space<vmem>> -> memref<128xi32, #tpu.memory_space<vmem>>
          %dma_start3A_119 = arith.constant 0 : i32
          %dma_start3A_120 = arith.constant 0 : i32
          %dma_start3A_121 = tpu.memref_slice %arg5[%dma_start3A_119, %dma_start3A_120] : memref<10240x128xf32, #tpu.memory_space<vmem_shared>> -> memref<10240x128xf32, #tpu.memory_space<vmem_shared>>
          tpu.enqueue_indirect_dma source(%arg7 : memref<128x128xf32, #tpu.memory_space<vmem>>) target(%dma_start3A_121 : memref<10240x128xf32, #tpu.memory_space<vmem_shared>>) offsets(%dma_start3A_118 : memref<128xi32, #tpu.memory_space<vmem>>) semaphore(%run_scoped3A_115 : memref<!tpu.dma_semaphore, #tpu.memory_space<semaphore_mem>>) {add = true}
          %dma_wait3A_122 = arith.constant 0 : i32
          %dma_wait3A_123 = tpu.memref_slice %arg6[%mul3A_80, %run_scoped3A, %dma_wait3A_122] : memref<40x2x128xi32, #tpu.memory_space<vmem>> -> memref<1x1x128xi32, #tpu.memory_space<vmem>>
          %dma_wait3A_124 = tpu.memref_squeeze %dma_wait3A_123 : memref<1x1x128xi32, #tpu.memory_space<vmem>> -> memref<128xi32, #tpu.memory_space<vmem>>
          %dma_wait3A_125 = arith.constant 0 : i32
          %dma_wait3A_126 = arith.constant 0 : i32
          %dma_wait3A_127 = tpu.memref_slice %arg5[%dma_wait3A_125, %dma_wait3A_126] : memref<10240x128xf32, #tpu.memory_space<vmem_shared>> -> memref<10240x128xf32, #tpu.memory_space<vmem_shared>>
          tpu.wait_indirect_dma semaphore(%run_scoped3A_115 : memref<!tpu.dma_semaphore, #tpu.memory_space<semaphore_mem>>) src(%arg7 : memref<128x128xf32, #tpu.memory_space<vmem>>) dst(%dma_wait3A_127 : memref<10240x128xf32, #tpu.memory_space<vmem_shared>>)
          tpu.yield
        }) : () -> ()
        %add3A_96 = arith.constant 2 : i32
        %add3A_97 = arith.addi %mul3A_80, %add3A_96 : i32
        %lt3A = arith.constant 40 : i32
        %lt3A_98 = arith.cmpi slt, %add3A_97, %lt3A : i32
        %convert_element_type3A_99 = arith.extui %lt3A_98 : i1 to i32
        %cond3A_100 = arith.constant 0 : i32
        %cond3A_101 = arith.cmpi ne, %convert_element_type3A_99, %cond3A_100 : i32
        scf.if %cond3A_101 {
          %add3A_115 = arith.constant 2 : i32
          %add3A_116 = arith.addi %mul3A_80, %add3A_115 : i32
          %dma_start3A_117 = arith.constant 0 : i32
          %dma_start3A_118 = arith.constant 0 : i32
          %dma_start3A_119 = tpu.memref_slice %arg6[%add3A_116, %dma_start3A_117, %dma_start3A_118] : memref<40x2x128xi32, #tpu.memory_space<vmem>> -> memref<1x1x128xi32, #tpu.memory_space<vmem>>
          %dma_start3A_120 = tpu.memref_squeeze %dma_start3A_119 : memref<1x1x128xi32, #tpu.memory_space<vmem>> -> memref<128xi32, #tpu.memory_space<vmem>>
          %dma_start3A_121 = arith.constant 0 : i32
          %dma_start3A_122 = arith.constant 0 : i32
          %dma_start3A_123 = tpu.memref_slice %arg2[%dma_start3A_121, %dma_start3A_122] : memref<10240x128xf32, #tpu.memory_space<hbm>> -> memref<10240x128xf32, #tpu.memory_space<hbm>>
          tpu.enqueue_indirect_dma source(%dma_start3A_123 : memref<10240x128xf32, #tpu.memory_space<hbm>>) target(%arg7 : memref<128x128xf32, #tpu.memory_space<vmem>>) offsets(%dma_start3A_120 : memref<128xi32, #tpu.memory_space<vmem>>) semaphore(%arg9 : memref<!tpu.dma_semaphore, #tpu.memory_space<semaphore_mem>>)
        } else {
        }
        %add3A_102 = arith.constant 1 : i32
        %add3A_103 = arith.addi %mul3A_80, %add3A_102 : i32
        %dma_wait3A_104 = arith.constant 0 : i32
        %dma_wait3A_105 = arith.constant 0 : i32
        %dma_wait3A_106 = tpu.memref_slice %arg6[%add3A_103, %dma_wait3A_104, %dma_wait3A_105] : memref<40x2x128xi32, #tpu.memory_space<vmem>> -> memref<1x1x128xi32, #tpu.memory_space<vmem>>
        %dma_wait3A_107 = tpu.memref_squeeze %dma_wait3A_106 : memref<1x1x128xi32, #tpu.memory_space<vmem>> -> memref<128xi32, #tpu.memory_space<vmem>>
        %dma_wait3A_108 = arith.constant 0 : i32
        %dma_wait3A_109 = arith.constant 0 : i32
        %dma_wait3A_110 = tpu.memref_slice %arg2[%dma_wait3A_108, %dma_wait3A_109] : memref<10240x128xf32, #tpu.memory_space<hbm>> -> memref<10240x128xf32, #tpu.memory_space<hbm>>
        tpu.wait_indirect_dma semaphore(%arg10 : memref<!tpu.dma_semaphore, #tpu.memory_space<semaphore_mem>>) src(%dma_wait3A_110 : memref<10240x128xf32, #tpu.memory_space<hbm>>) dst(%arg8 : memref<128x128xf32, #tpu.memory_space<vmem>>)
        %add3A_111 = arith.constant 1 : i32
        %add3A_112 = arith.addi %mul3A_80, %add3A_111 : i32
        %run_scoped3A_113 = arith.constant 1 : i32
        "tpu.region"() ({
          %run_scoped3A_115 = tpu.sem_alloc : memref<!tpu.dma_semaphore, #tpu.memory_space<semaphore_mem>>
          %dma_start3A_116 = arith.constant 0 : i32
          %dma_start3A_117 = tpu.memref_slice %arg6[%add3A_112, %run_scoped3A_113, %dma_start3A_116] : memref<40x2x128xi32, #tpu.memory_space<vmem>> -> memref<1x1x128xi32, #tpu.memory_space<vmem>>
          %dma_start3A_118 = tpu.memref_squeeze %dma_start3A_117 : memref<1x1x128xi32, #tpu.memory_space<vmem>> -> memref<128xi32, #tpu.memory_space<vmem>>
          %dma_start3A_119 = arith.constant 0 : i32
          %dma_start3A_120 = arith.constant 0 : i32
          %dma_start3A_121 = tpu.memref_slice %arg5[%dma_start3A_119, %dma_start3A_120] : memref<10240x128xf32, #tpu.memory_space<vmem_shared>> -> memref<10240x128xf32, #tpu.memory_space<vmem_shared>>
          tpu.enqueue_indirect_dma source(%arg8 : memref<128x128xf32, #tpu.memory_space<vmem>>) target(%dma_start3A_121 : memref<10240x128xf32, #tpu.memory_space<vmem_shared>>) offsets(%dma_start3A_118 : memref<128xi32, #tpu.memory_space<vmem>>) semaphore(%run_scoped3A_115 : memref<!tpu.dma_semaphore, #tpu.memory_space<semaphore_mem>>) {add = true}
          %dma_wait3A_122 = arith.constant 0 : i32
          %dma_wait3A_123 = tpu.memref_slice %arg6[%add3A_112, %run_scoped3A_113, %dma_wait3A_122] : memref<40x2x128xi32, #tpu.memory_space<vmem>> -> memref<1x1x128xi32, #tpu.memory_space<vmem>>
          %dma_wait3A_124 = tpu.memref_squeeze %dma_wait3A_123 : memref<1x1x128xi32, #tpu.memory_space<vmem>> -> memref<128xi32, #tpu.memory_space<vmem>>
          %dma_wait3A_125 = arith.constant 0 : i32
          %dma_wait3A_126 = arith.constant 0 : i32
          %dma_wait3A_127 = tpu.memref_slice %arg5[%dma_wait3A_125, %dma_wait3A_126] : memref<10240x128xf32, #tpu.memory_space<vmem_shared>> -> memref<10240x128xf32, #tpu.memory_space<vmem_shared>>
          tpu.wait_indirect_dma semaphore(%run_scoped3A_115 : memref<!tpu.dma_semaphore, #tpu.memory_space<semaphore_mem>>) src(%arg8 : memref<128x128xf32, #tpu.memory_space<vmem>>) dst(%dma_wait3A_127 : memref<10240x128xf32, #tpu.memory_space<vmem_shared>>)
          tpu.yield
        }) : () -> ()
        %scan3A_114 = arith.constant 0 : i32
        scf.yield %scan3A_114 : i32
      }
      %scan3A_56 = arith.constant 20 : i32
      %mul3A_57 = arith.constant 160 : i32
      %mul3A_58 = arith.muli %arg1, %mul3A_57 : i32
      %add3A_59 = arith.constant 120 : i32
      %add3A_60 = arith.addi %mul3A_58, %add3A_59 : i32
      "tpu.region"() ({
        %run_scoped3A = tpu.sem_alloc : memref<!tpu.dma_semaphore, #tpu.memory_space<semaphore_mem>>
        %dma_start3A_77 = arith.constant 0 : i32
        %dma_start3A_78 = arith.constant 0 : i32
        %dma_start3A_79 = tpu.memref_slice %arg3[%add3A_60, %dma_start3A_77, %dma_start3A_78] : memref<2560x2x128xi32, #tpu.memory_space<hbm>> -> memref<40x2x128xi32, #tpu.memory_space<hbm>>
        %dma_start3A_80 = arith.constant 0 : i32
        %dma_start3A_81 = arith.constant 0 : i32
        %dma_start3A_82 = tpu.memref_slice %arg3[%add3A_60, %dma_start3A_80, %dma_start3A_81] : memref<2560x2x128xi32, #tpu.memory_space<hbm>> -> memref<40x2x128xi32, #tpu.memory_space<hbm>>
        tpu.enqueue_dma source(%dma_start3A_82 : memref<40x2x128xi32, #tpu.memory_space<hbm>>) target(%arg6 : memref<40x2x128xi32, #tpu.memory_space<vmem>>) target_semaphore(%run_scoped3A : memref<!tpu.dma_semaphore, #tpu.memory_space<semaphore_mem>>)
        %dma_wait3A = arith.constant 0 : i32
        %dma_wait3A_83 = arith.constant 0 : i32
        %dma_wait3A_84 = tpu.memref_slice %arg3[%add3A_60, %dma_wait3A, %dma_wait3A_83] : memref<2560x2x128xi32, #tpu.memory_space<hbm>> -> memref<40x2x128xi32, #tpu.memory_space<hbm>>
        %dma_wait3A_85 = arith.constant 0 : i32
        %dma_wait3A_86 = arith.constant 0 : i32
        %dma_wait3A_87 = tpu.memref_slice %arg3[%add3A_60, %dma_wait3A_85, %dma_wait3A_86] : memref<2560x2x128xi32, #tpu.memory_space<hbm>> -> memref<40x2x128xi32, #tpu.memory_space<hbm>>
        tpu.wait_dma2 semaphore(%run_scoped3A : memref<!tpu.dma_semaphore, #tpu.memory_space<semaphore_mem>>) src(%dma_wait3A_87 : memref<40x2x128xi32, #tpu.memory_space<hbm>>) dst(%arg6 : memref<40x2x128xi32, #tpu.memory_space<vmem>>)
        tpu.yield
      }) : () -> ()
      %dma_start3A_61 = arith.constant 0 : i32
      %dma_start3A_62 = arith.constant 0 : i32
      %dma_start3A_63 = arith.constant 0 : i32
      %dma_start3A_64 = tpu.memref_slice %arg6[%dma_start3A_61, %dma_start3A_62, %dma_start3A_63] : memref<40x2x128xi32, #tpu.memory_space<vmem>> -> memref<1x1x128xi32, #tpu.memory_space<vmem>>
      %dma_start3A_65 = tpu.memref_squeeze %dma_start3A_64 : memref<1x1x128xi32, #tpu.memory_space<vmem>> -> memref<128xi32, #tpu.memory_space<vmem>>
      %dma_start3A_66 = arith.constant 0 : i32
      %dma_start3A_67 = arith.constant 0 : i32
      %dma_start3A_68 = tpu.memref_slice %arg2[%dma_start3A_66, %dma_start3A_67] : memref<10240x128xf32, #tpu.memory_space<hbm>> -> memref<10240x128xf32, #tpu.memory_space<hbm>>
      tpu.enqueue_indirect_dma source(%dma_start3A_68 : memref<10240x128xf32, #tpu.memory_space<hbm>>) target(%arg7 : memref<128x128xf32, #tpu.memory_space<vmem>>) offsets(%dma_start3A_65 : memref<128xi32, #tpu.memory_space<vmem>>) semaphore(%arg9 : memref<!tpu.dma_semaphore, #tpu.memory_space<semaphore_mem>>)
      %scan3A_69 = arith.constant 0 : i32
      %scan3A_70 = arith.constant 0 : i32
      %scan3A_71 = arith.constant 20 : i32
      %scan3A_72 = arith.addi %scan3A_70, %scan3A_71 : i32
      %scan3A_73 = arith.constant 1 : i32
      %scan3A_74 = scf.for %scan3A_77 = %scan3A_70 to %scan3A_72 step %scan3A_73 iter_args(%scan3A_78 = %scan3A_69) -> (i32)  : i32 {
        %mul3A_79 = arith.constant 2 : i32
        %mul3A_80 = arith.muli %mul3A_79, %scan3A_77 : i32
        %add3A_81 = arith.constant 1 : i32
        %add3A_82 = arith.addi %mul3A_80, %add3A_81 : i32
        %dma_start3A_83 = arith.constant 0 : i32
        %dma_start3A_84 = arith.constant 0 : i32
        %dma_start3A_85 = tpu.memref_slice %arg6[%add3A_82, %dma_start3A_83, %dma_start3A_84] : memref<40x2x128xi32, #tpu.memory_space<vmem>> -> memref<1x1x128xi32, #tpu.memory_space<vmem>>
        %dma_start3A_86 = tpu.memref_squeeze %dma_start3A_85 : memref<1x1x128xi32, #tpu.memory_space<vmem>> -> memref<128xi32, #tpu.memory_space<vmem>>
        %dma_start3A_87 = arith.constant 0 : i32
        %dma_start3A_88 = arith.constant 0 : i32
        %dma_start3A_89 = tpu.memref_slice %arg2[%dma_start3A_87, %dma_start3A_88] : memref<10240x128xf32, #tpu.memory_space<hbm>> -> memref<10240x128xf32, #tpu.memory_space<hbm>>
        tpu.enqueue_indirect_dma source(%dma_start3A_89 : memref<10240x128xf32, #tpu.memory_space<hbm>>) target(%arg8 : memref<128x128xf32, #tpu.memory_space<vmem>>) offsets(%dma_start3A_86 : memref<128xi32, #tpu.memory_space<vmem>>) semaphore(%arg10 : memref<!tpu.dma_semaphore, #tpu.memory_space<semaphore_mem>>)
        %dma_wait3A = arith.constant 0 : i32
        %dma_wait3A_90 = arith.constant 0 : i32
        %dma_wait3A_91 = tpu.memref_slice %arg6[%mul3A_80, %dma_wait3A, %dma_wait3A_90] : memref<40x2x128xi32, #tpu.memory_space<vmem>> -> memref<1x1x128xi32, #tpu.memory_space<vmem>>
        %dma_wait3A_92 = tpu.memref_squeeze %dma_wait3A_91 : memref<1x1x128xi32, #tpu.memory_space<vmem>> -> memref<128xi32, #tpu.memory_space<vmem>>
        %dma_wait3A_93 = arith.constant 0 : i32
        %dma_wait3A_94 = arith.constant 0 : i32
        %dma_wait3A_95 = tpu.memref_slice %arg2[%dma_wait3A_93, %dma_wait3A_94] : memref<10240x128xf32, #tpu.memory_space<hbm>> -> memref<10240x128xf32, #tpu.memory_space<hbm>>
        tpu.wait_indirect_dma semaphore(%arg9 : memref<!tpu.dma_semaphore, #tpu.memory_space<semaphore_mem>>) src(%dma_wait3A_95 : memref<10240x128xf32, #tpu.memory_space<hbm>>) dst(%arg7 : memref<128x128xf32, #tpu.memory_space<vmem>>)
        %run_scoped3A = arith.constant 1 : i32
        "tpu.region"() ({
          %run_scoped3A_115 = tpu.sem_alloc : memref<!tpu.dma_semaphore, #tpu.memory_space<semaphore_mem>>
          %dma_start3A_116 = arith.constant 0 : i32
          %dma_start3A_117 = tpu.memref_slice %arg6[%mul3A_80, %run_scoped3A, %dma_start3A_116] : memref<40x2x128xi32, #tpu.memory_space<vmem>> -> memref<1x1x128xi32, #tpu.memory_space<vmem>>
          %dma_start3A_118 = tpu.memref_squeeze %dma_start3A_117 : memref<1x1x128xi32, #tpu.memory_space<vmem>> -> memref<128xi32, #tpu.memory_space<vmem>>
          %dma_start3A_119 = arith.constant 0 : i32
          %dma_start3A_120 = arith.constant 0 : i32
          %dma_start3A_121 = tpu.memref_slice %arg5[%dma_start3A_119, %dma_start3A_120] : memref<10240x128xf32, #tpu.memory_space<vmem_shared>> -> memref<10240x128xf32, #tpu.memory_space<vmem_shared>>
          tpu.enqueue_indirect_dma source(%arg7 : memref<128x128xf32, #tpu.memory_space<vmem>>) target(%dma_start3A_121 : memref<10240x128xf32, #tpu.memory_space<vmem_shared>>) offsets(%dma_start3A_118 : memref<128xi32, #tpu.memory_space<vmem>>) semaphore(%run_scoped3A_115 : memref<!tpu.dma_semaphore, #tpu.memory_space<semaphore_mem>>) {add = true}
          %dma_wait3A_122 = arith.constant 0 : i32
          %dma_wait3A_123 = tpu.memref_slice %arg6[%mul3A_80, %run_scoped3A, %dma_wait3A_122] : memref<40x2x128xi32, #tpu.memory_space<vmem>> -> memref<1x1x128xi32, #tpu.memory_space<vmem>>
          %dma_wait3A_124 = tpu.memref_squeeze %dma_wait3A_123 : memref<1x1x128xi32, #tpu.memory_space<vmem>> -> memref<128xi32, #tpu.memory_space<vmem>>
          %dma_wait3A_125 = arith.constant 0 : i32
          %dma_wait3A_126 = arith.constant 0 : i32
          %dma_wait3A_127 = tpu.memref_slice %arg5[%dma_wait3A_125, %dma_wait3A_126] : memref<10240x128xf32, #tpu.memory_space<vmem_shared>> -> memref<10240x128xf32, #tpu.memory_space<vmem_shared>>
          tpu.wait_indirect_dma semaphore(%run_scoped3A_115 : memref<!tpu.dma_semaphore, #tpu.memory_space<semaphore_mem>>) src(%arg7 : memref<128x128xf32, #tpu.memory_space<vmem>>) dst(%dma_wait3A_127 : memref<10240x128xf32, #tpu.memory_space<vmem_shared>>)
          tpu.yield
        }) : () -> ()
        %add3A_96 = arith.constant 2 : i32
        %add3A_97 = arith.addi %mul3A_80, %add3A_96 : i32
        %lt3A = arith.constant 40 : i32
        %lt3A_98 = arith.cmpi slt, %add3A_97, %lt3A : i32
        %convert_element_type3A_99 = arith.extui %lt3A_98 : i1 to i32
        %cond3A_100 = arith.constant 0 : i32
        %cond3A_101 = arith.cmpi ne, %convert_element_type3A_99, %cond3A_100 : i32
        scf.if %cond3A_101 {
          %add3A_115 = arith.constant 2 : i32
          %add3A_116 = arith.addi %mul3A_80, %add3A_115 : i32
          %dma_start3A_117 = arith.constant 0 : i32
          %dma_start3A_118 = arith.constant 0 : i32
          %dma_start3A_119 = tpu.memref_slice %arg6[%add3A_116, %dma_start3A_117, %dma_start3A_118] : memref<40x2x128xi32, #tpu.memory_space<vmem>> -> memref<1x1x128xi32, #tpu.memory_space<vmem>>
          %dma_start3A_120 = tpu.memref_squeeze %dma_start3A_119 : memref<1x1x128xi32, #tpu.memory_space<vmem>> -> memref<128xi32, #tpu.memory_space<vmem>>
          %dma_start3A_121 = arith.constant 0 : i32
          %dma_start3A_122 = arith.constant 0 : i32
          %dma_start3A_123 = tpu.memref_slice %arg2[%dma_start3A_121, %dma_start3A_122] : memref<10240x128xf32, #tpu.memory_space<hbm>> -> memref<10240x128xf32, #tpu.memory_space<hbm>>
          tpu.enqueue_indirect_dma source(%dma_start3A_123 : memref<10240x128xf32, #tpu.memory_space<hbm>>) target(%arg7 : memref<128x128xf32, #tpu.memory_space<vmem>>) offsets(%dma_start3A_120 : memref<128xi32, #tpu.memory_space<vmem>>) semaphore(%arg9 : memref<!tpu.dma_semaphore, #tpu.memory_space<semaphore_mem>>)
        } else {
        }
        %add3A_102 = arith.constant 1 : i32
        %add3A_103 = arith.addi %mul3A_80, %add3A_102 : i32
        %dma_wait3A_104 = arith.constant 0 : i32
        %dma_wait3A_105 = arith.constant 0 : i32
        %dma_wait3A_106 = tpu.memref_slice %arg6[%add3A_103, %dma_wait3A_104, %dma_wait3A_105] : memref<40x2x128xi32, #tpu.memory_space<vmem>> -> memref<1x1x128xi32, #tpu.memory_space<vmem>>
        %dma_wait3A_107 = tpu.memref_squeeze %dma_wait3A_106 : memref<1x1x128xi32, #tpu.memory_space<vmem>> -> memref<128xi32, #tpu.memory_space<vmem>>
        %dma_wait3A_108 = arith.constant 0 : i32
        %dma_wait3A_109 = arith.constant 0 : i32
        %dma_wait3A_110 = tpu.memref_slice %arg2[%dma_wait3A_108, %dma_wait3A_109] : memref<10240x128xf32, #tpu.memory_space<hbm>> -> memref<10240x128xf32, #tpu.memory_space<hbm>>
        tpu.wait_indirect_dma semaphore(%arg10 : memref<!tpu.dma_semaphore, #tpu.memory_space<semaphore_mem>>) src(%dma_wait3A_110 : memref<10240x128xf32, #tpu.memory_space<hbm>>) dst(%arg8 : memref<128x128xf32, #tpu.memory_space<vmem>>)
        %add3A_111 = arith.constant 1 : i32
        %add3A_112 = arith.addi %mul3A_80, %add3A_111 : i32
        %run_scoped3A_113 = arith.constant 1 : i32
        "tpu.region"() ({
          %run_scoped3A_115 = tpu.sem_alloc : memref<!tpu.dma_semaphore, #tpu.memory_space<semaphore_mem>>
          %dma_start3A_116 = arith.constant 0 : i32
          %dma_start3A_117 = tpu.memref_slice %arg6[%add3A_112, %run_scoped3A_113, %dma_start3A_116] : memref<40x2x128xi32, #tpu.memory_space<vmem>> -> memref<1x1x128xi32, #tpu.memory_space<vmem>>
          %dma_start3A_118 = tpu.memref_squeeze %dma_start3A_117 : memref<1x1x128xi32, #tpu.memory_space<vmem>> -> memref<128xi32, #tpu.memory_space<vmem>>
          %dma_start3A_119 = arith.constant 0 : i32
          %dma_start3A_120 = arith.constant 0 : i32
          %dma_start3A_121 = tpu.memref_slice %arg5[%dma_start3A_119, %dma_start3A_120] : memref<10240x128xf32, #tpu.memory_space<vmem_shared>> -> memref<10240x128xf32, #tpu.memory_space<vmem_shared>>
          tpu.enqueue_indirect_dma source(%arg8 : memref<128x128xf32, #tpu.memory_space<vmem>>) target(%dma_start3A_121 : memref<10240x128xf32, #tpu.memory_space<vmem_shared>>) offsets(%dma_start3A_118 : memref<128xi32, #tpu.memory_space<vmem>>) semaphore(%run_scoped3A_115 : memref<!tpu.dma_semaphore, #tpu.memory_space<semaphore_mem>>) {add = true}
          %dma_wait3A_122 = arith.constant 0 : i32
          %dma_wait3A_123 = tpu.memref_slice %arg6[%add3A_112, %run_scoped3A_113, %dma_wait3A_122] : memref<40x2x128xi32, #tpu.memory_space<vmem>> -> memref<1x1x128xi32, #tpu.memory_space<vmem>>
          %dma_wait3A_124 = tpu.memref_squeeze %dma_wait3A_123 : memref<1x1x128xi32, #tpu.memory_space<vmem>> -> memref<128xi32, #tpu.memory_space<vmem>>
          %dma_wait3A_125 = arith.constant 0 : i32
          %dma_wait3A_126 = arith.constant 0 : i32
          %dma_wait3A_127 = tpu.memref_slice %arg5[%dma_wait3A_125, %dma_wait3A_126] : memref<10240x128xf32, #tpu.memory_space<vmem_shared>> -> memref<10240x128xf32, #tpu.memory_space<vmem_shared>>
          tpu.wait_indirect_dma semaphore(%run_scoped3A_115 : memref<!tpu.dma_semaphore, #tpu.memory_space<semaphore_mem>>) src(%arg8 : memref<128x128xf32, #tpu.memory_space<vmem>>) dst(%dma_wait3A_127 : memref<10240x128xf32, #tpu.memory_space<vmem_shared>>)
          tpu.yield
        }) : () -> ()
        %scan3A_114 = arith.constant 0 : i32
        scf.yield %scan3A_114 : i32
      }
      %scan3A_75 = arith.constant 20 : i32
      %barrier3A_76 = arith.constant 0 : index
      tpu.barrier barrier_id(%barrier3A_76)
      "tpu.region"() ({
        %run_scoped3A = tpu.sem_alloc : memref<!tpu.dma_semaphore, #tpu.memory_space<semaphore_mem>>
        %dma_start3A_77 = arith.constant 0 : i32
        %dma_start3A_78 = tpu.memref_slice %arg4[%mul3A_0, %dma_start3A_77] : memref<10240x128xf32, #tpu.memory_space<hbm>> -> memref<640x128xf32, #tpu.memory_space<hbm>>
        %dma_start3A_79 = arith.constant 0 : i32
        %dma_start3A_80 = tpu.memref_slice %arg5[%mul3A_0, %dma_start3A_79] : memref<10240x128xf32, #tpu.memory_space<vmem_shared>> -> memref<640x128xf32, #tpu.memory_space<vmem_shared>>
        tpu.enqueue_dma source(%dma_start3A_80 : memref<640x128xf32, #tpu.memory_space<vmem_shared>>) target(%dma_start3A_78 : memref<640x128xf32, #tpu.memory_space<hbm>>) target_semaphore(%run_scoped3A : memref<!tpu.dma_semaphore, #tpu.memory_space<semaphore_mem>>)
        %dma_wait3A = arith.constant 0 : i32
        %dma_wait3A_81 = tpu.memref_slice %arg4[%mul3A_0, %dma_wait3A] : memref<10240x128xf32, #tpu.memory_space<hbm>> -> memref<640x128xf32, #tpu.memory_space<hbm>>
        %dma_wait3A_82 = arith.constant 0 : i32
        %dma_wait3A_83 = tpu.memref_slice %arg5[%mul3A_0, %dma_wait3A_82] : memref<10240x128xf32, #tpu.memory_space<vmem_shared>> -> memref<640x128xf32, #tpu.memory_space<vmem_shared>>
        tpu.wait_dma2 semaphore(%run_scoped3A : memref<!tpu.dma_semaphore, #tpu.memory_space<semaphore_mem>>) src(%dma_wait3A_83 : memref<640x128xf32, #tpu.memory_space<vmem_shared>>) dst(%dma_wait3A_81 : memref<640x128xf32, #tpu.memory_space<hbm>>)
        tpu.yield
      }) : () -> ()
    } else {
    }
    return
  }
}

module attributes {stable_mosaic.version = 14 : i64} {
  func.func @_mm1_body(%arg0: i32, %arg1: memref<2x512xf32, #tpu.memory_space<vmem>>, %arg2: memref<512x128xf32, #tpu.memory_space<vmem>>, %arg3: memref<128x128xf32, #tpu.memory_space<vmem>>, %arg4: memref<512x128xf32, #tpu.memory_space<vmem>>, %arg5: memref<512xf32, #tpu.memory_space<vmem>>) attributes {dimension_semantics = [#tpu.dimension_semantics<arbitrary>], iteration_bounds = array<i64: 20>, scalar_prefetch = 0 : i64, scratch_operands = 0 : i64, tpu.core_type = #tpu.core_type<tc>, window_params = [{transform_indices = @transform_0, window_bounds = array<i64: 2, 512>}, {transform_indices = @transform_1, window_bounds = array<i64: 512, 128>}, {pipeline_mode = #tpu.pipeline_mode<synchronous>, transform_indices = @transform_2, window_bounds = array<i64: 128, 128>}, {transform_indices = @transform_3, window_bounds = array<i64: 512, 128>}, {transform_indices = @transform_4, window_bounds = array<i64: 512>}]} {
    %get3A = arith.constant 0 : index
    %get3A_0 = arith.constant 0 : index
    %get3A_1 = vector.load %arg1[%get3A, %get3A_0] : memref<2x512xf32, #tpu.memory_space<vmem>>, vector<1x512xf32>
    %get3A_2 = vector.shape_cast %get3A_1 : vector<1x512xf32> to vector<512xf32>
    %get3A_3 = arith.constant 1 : index
    %get3A_4 = arith.constant 0 : index
    %get3A_5 = vector.load %arg1[%get3A_3, %get3A_4] : memref<2x512xf32, #tpu.memory_space<vmem>>, vector<1x512xf32>
    %get3A_6 = vector.shape_cast %get3A_5 : vector<1x512xf32> to vector<512xf32>
    %add3A = arith.addf %get3A_2, %get3A_6 : vector<512xf32>
    %add3A_7 = arith.constant 1.000000e+00 : f32
    %add3A_8 = vector.broadcast %add3A_7 : f32 to vector<512xf32>
    %add3A_9 = arith.addf %add3A, %add3A_8 : vector<512xf32>
    %rsqrt3A = math.rsqrt %add3A_9 : vector<512xf32>
    %get3A_10 = arith.constant 0 : index
    %get3A_11 = arith.constant 0 : index
    %get3A_12 = vector.load %arg2[%get3A_10, %get3A_11] : memref<512x128xf32, #tpu.memory_space<vmem>>, vector<512x128xf32>
    %get3A_13 = arith.constant 0 : index
    %get3A_14 = arith.constant 0 : index
    %get3A_15 = vector.load %arg3[%get3A_13, %get3A_14] : memref<128x128xf32, #tpu.memory_space<vmem>>, vector<128x128xf32>
    %dot_general3A = arith.constant dense<0.000000e+00> : vector<512x128xf32>
    %dot_general3A_16 = tpu.matmul %get3A_12, %get3A_15, %dot_general3A {dimension_numbers = #tpu.dot_dimension_numbers<[1], [0], [0], [1], [0, 0, 1, 1], [], []>, transpose_lhs_hint = false} : vector<512x128xf32>, vector<128x128xf32>, vector<512x128xf32> -> vector<512x128xf32>
    %broadcast_in_dim3A = vector.shape_cast %rsqrt3A : vector<512xf32> to vector<512x1xf32>
    %mul3A = vector.broadcast %broadcast_in_dim3A : vector<512x1xf32> to vector<512x128xf32>
    %mul3A_17 = arith.mulf %dot_general3A_16, %mul3A : vector<512x128xf32>
    %swap3A = arith.constant 0 : index
    %swap3A_18 = arith.constant 0 : index
    %swap3A_19 = vector.load %arg4[%swap3A, %swap3A_18] : memref<512x128xf32, #tpu.memory_space<vmem>>, vector<512x128xf32>
    tpu.vector_store %arg4[%swap3A, %swap3A_18], %mul3A_17 {strides = array<i32>} : memref<512x128xf32, #tpu.memory_space<vmem>>, vector<512x128xf32>,
    %swap3A_20 = arith.constant 0 : index
    %swap3A_21 = vector.load %arg5[%swap3A_20] : memref<512xf32, #tpu.memory_space<vmem>>, vector<512xf32>
    tpu.vector_store %arg5[%swap3A_20], %rsqrt3A {strides = array<i32>} : memref<512xf32, #tpu.memory_space<vmem>>, vector<512xf32>,
    return
  }
  func.func @transform_0(%arg0: i32) -> (i32, i32) {
    %c0_i32 = arith.constant 0 : i32
    %c0_i32_0 = arith.constant 0 : i32
    return %c0_i32, %arg0 : i32, i32
  }
  func.func @transform_1(%arg0: i32) -> (i32, i32) {
    %c0_i32 = arith.constant 0 : i32
    %c0_i32_0 = arith.constant 0 : i32
    return %arg0, %c0_i32 : i32, i32
  }
  func.func @transform_2(%arg0: i32) -> (i32, i32) {
    %c0_i32 = arith.constant 0 : i32
    %c0_i32_0 = arith.constant 0 : i32
    %c0_i32_1 = arith.constant 0 : i32
    return %c0_i32, %c0_i32_0 : i32, i32
  }
  func.func @transform_3(%arg0: i32) -> (i32, i32) {
    %c0_i32 = arith.constant 0 : i32
    %c0_i32_0 = arith.constant 0 : i32
    return %arg0, %c0_i32 : i32, i32
  }
  func.func @transform_4(%arg0: i32) -> i32 {
    %c0_i32 = arith.constant 0 : i32
    return %arg0 : i32
  }
}

module attributes {stable_mosaic.version = 14 : i64} {
  func.func @_mid_body(%arg0: i32, %arg1: memref<512x128xf32, #tpu.memory_space<vmem>>, %arg2: memref<512xf32, #tpu.memory_space<vmem>>, %arg3: memref<128xf32, #tpu.memory_space<vmem>>, %arg4: memref<128x128xf32, #tpu.memory_space<vmem>>, %arg5: memref<512x128xf32, #tpu.memory_space<vmem>>) attributes {dimension_semantics = [#tpu.dimension_semantics<arbitrary>], iteration_bounds = array<i64: 20>, scalar_prefetch = 0 : i64, scratch_operands = 0 : i64, tpu.core_type = #tpu.core_type<tc>, window_params = [{transform_indices = @transform_0, window_bounds = array<i64: 512, 128>}, {transform_indices = @transform_1, window_bounds = array<i64: 512>}, {pipeline_mode = #tpu.pipeline_mode<synchronous>, transform_indices = @transform_2, window_bounds = array<i64: 128>}, {pipeline_mode = #tpu.pipeline_mode<synchronous>, transform_indices = @transform_3, window_bounds = array<i64: 128, 128>}, {transform_indices = @transform_4, window_bounds = array<i64: 512, 128>}]} {
    %get3A = arith.constant 0 : index
    %get3A_0 = vector.load %arg2[%get3A] : memref<512xf32, #tpu.memory_space<vmem>>, vector<512xf32>
    %get3A_1 = arith.constant 0 : index
    %get3A_2 = arith.constant 0 : index
    %get3A_3 = vector.load %arg1[%get3A_1, %get3A_2] : memref<512x128xf32, #tpu.memory_space<vmem>>, vector<512x128xf32>
    %broadcast_in_dim3A = vector.shape_cast %get3A_0 : vector<512xf32> to vector<512x1xf32>
    %mul3A = vector.broadcast %broadcast_in_dim3A : vector<512x1xf32> to vector<512x128xf32>
    %mul3A_4 = arith.mulf %get3A_3, %mul3A : vector<512x128xf32>
    %get3A_5 = arith.constant 0 : index
    %get3A_6 = vector.load %arg3[%get3A_5] : memref<128xf32, #tpu.memory_space<vmem>>, vector<128xf32>
    %broadcast_in_dim3A_7 = vector.shape_cast %get3A_6 : vector<128xf32> to vector<1x128xf32>
    %add3A = vector.broadcast %broadcast_in_dim3A_7 : vector<1x128xf32> to vector<512x128xf32>
    %add3A_8 = arith.addf %mul3A_4, %add3A : vector<512x128xf32>
    %max3A = arith.constant 0.000000e+00 : f32
    %max3A_9 = vector.broadcast %max3A : f32 to vector<512x128xf32>
    %max3A_10 = arith.maximumf %add3A_8, %max3A_9 : vector<512x128xf32>
    %get3A_11 = arith.constant 0 : index
    %get3A_12 = arith.constant 0 : index
    %get3A_13 = vector.load %arg4[%get3A_11, %get3A_12] : memref<128x128xf32, #tpu.memory_space<vmem>>, vector<128x128xf32>
    %dot_general3A = arith.constant dense<0.000000e+00> : vector<512x128xf32>
    %dot_general3A_14 = tpu.matmul %max3A_10, %get3A_13, %dot_general3A {dimension_numbers = #tpu.dot_dimension_numbers<[1], [0], [0], [1], [0, 0, 1, 1], [], []>, transpose_lhs_hint = false} : vector<512x128xf32>, vector<128x128xf32>, vector<512x128xf32> -> vector<512x128xf32>
    %broadcast_in_dim3A_15 = vector.shape_cast %get3A_0 : vector<512xf32> to vector<512x1xf32>
    %mul3A_16 = vector.broadcast %broadcast_in_dim3A_15 : vector<512x1xf32> to vector<512x128xf32>
    %mul3A_17 = arith.mulf %dot_general3A_14, %mul3A_16 : vector<512x128xf32>
    %swap3A = arith.constant 0 : index
    %swap3A_18 = arith.constant 0 : index
    %swap3A_19 = vector.load %arg5[%swap3A, %swap3A_18] : memref<512x128xf32, #tpu.memory_space<vmem>>, vector<512x128xf32>
    tpu.vector_store %arg5[%swap3A, %swap3A_18], %mul3A_17 {strides = array<i32>} : memref<512x128xf32, #tpu.memory_space<vmem>>, vector<512x128xf32>,
    return
  }
  func.func @transform_0(%arg0: i32) -> (i32, i32) {
    %c0_i32 = arith.constant 0 : i32
    %c0_i32_0 = arith.constant 0 : i32
    return %arg0, %c0_i32 : i32, i32
  }
  func.func @transform_1(%arg0: i32) -> i32 {
    %c0_i32 = arith.constant 0 : i32
    return %arg0 : i32
  }
  func.func @transform_2(%arg0: i32) -> i32 {
    %c0_i32 = arith.constant 0 : i32
    %c0_i32_0 = arith.constant 0 : i32
    return %c0_i32 : i32
  }
  func.func @transform_3(%arg0: i32) -> (i32, i32) {
    %c0_i32 = arith.constant 0 : i32
    %c0_i32_0 = arith.constant 0 : i32
    %c0_i32_1 = arith.constant 0 : i32
    return %c0_i32, %c0_i32_0 : i32, i32
  }
  func.func @transform_4(%arg0: i32) -> (i32, i32) {
    %c0_i32 = arith.constant 0 : i32
    %c0_i32_0 = arith.constant 0 : i32
    return %arg0, %c0_i32 : i32, i32
  }
}

module attributes {stable_mosaic.version = 14 : i64} {
  func.func @_fin_body(%arg0: i32, %arg1: memref<512x128xf32, #tpu.memory_space<vmem>>, %arg2: memref<512xf32, #tpu.memory_space<vmem>>, %arg3: memref<128xf32, #tpu.memory_space<vmem>>, %arg4: memref<128x2xf32, #tpu.memory_space<vmem>>, %arg5: memref<2xf32, #tpu.memory_space<vmem>>, %arg6: memref<512x2xf32, #tpu.memory_space<vmem>>) attributes {dimension_semantics = [#tpu.dimension_semantics<arbitrary>], iteration_bounds = array<i64: 20>, scalar_prefetch = 0 : i64, scratch_operands = 0 : i64, tpu.core_type = #tpu.core_type<tc>, window_params = [{transform_indices = @transform_0, window_bounds = array<i64: 512, 128>}, {transform_indices = @transform_1, window_bounds = array<i64: 512>}, {pipeline_mode = #tpu.pipeline_mode<synchronous>, transform_indices = @transform_2, window_bounds = array<i64: 128>}, {pipeline_mode = #tpu.pipeline_mode<synchronous>, transform_indices = @transform_3, window_bounds = array<i64: 128, 2>}, {pipeline_mode = #tpu.pipeline_mode<synchronous>, transform_indices = @transform_4, window_bounds = array<i64: 2>}, {transform_indices = @transform_5, window_bounds = array<i64: 512, 2>}]} {
    %get3A = arith.constant 0 : index
    %get3A_0 = vector.load %arg2[%get3A] : memref<512xf32, #tpu.memory_space<vmem>>, vector<512xf32>
    %get3A_1 = arith.constant 0 : index
    %get3A_2 = arith.constant 0 : index
    %get3A_3 = vector.load %arg1[%get3A_1, %get3A_2] : memref<512x128xf32, #tpu.memory_space<vmem>>, vector<512x128xf32>
    %broadcast_in_dim3A = vector.shape_cast %get3A_0 : vector<512xf32> to vector<512x1xf32>
    %mul3A = vector.broadcast %broadcast_in_dim3A : vector<512x1xf32> to vector<512x128xf32>
    %mul3A_4 = arith.mulf %get3A_3, %mul3A : vector<512x128xf32>
    %get3A_5 = arith.constant 0 : index
    %get3A_6 = vector.load %arg3[%get3A_5] : memref<128xf32, #tpu.memory_space<vmem>>, vector<128xf32>
    %broadcast_in_dim3A_7 = vector.shape_cast %get3A_6 : vector<128xf32> to vector<1x128xf32>
    %add3A = vector.broadcast %broadcast_in_dim3A_7 : vector<1x128xf32> to vector<512x128xf32>
    %add3A_8 = arith.addf %mul3A_4, %add3A : vector<512x128xf32>
    %max3A = arith.constant 0.000000e+00 : f32
    %max3A_9 = vector.broadcast %max3A : f32 to vector<512x128xf32>
    %max3A_10 = arith.maximumf %add3A_8, %max3A_9 : vector<512x128xf32>
    %get3A_11 = arith.constant 0 : index
    %get3A_12 = arith.constant 0 : index
    %get3A_13 = vector.load %arg4[%get3A_11, %get3A_12] : memref<128x2xf32, #tpu.memory_space<vmem>>, vector<128x2xf32>
    %dot_general3A = arith.constant dense<0.000000e+00> : vector<512x2xf32>
    %dot_general3A_14 = tpu.matmul %max3A_10, %get3A_13, %dot_general3A {dimension_numbers = #tpu.dot_dimension_numbers<[1], [0], [0], [1], [0, 0, 1, 1], [], []>, transpose_lhs_hint = false} : vector<512x128xf32>, vector<128x2xf32>, vector<512x2xf32> -> vector<512x2xf32>
    %get3A_15 = arith.constant 0 : index
    %get3A_16 = vector.load %arg5[%get3A_15] : memref<2xf32, #tpu.memory_space<vmem>>, vector<2xf32>
    %broadcast_in_dim3A_17 = vector.shape_cast %get3A_16 : vector<2xf32> to vector<1x2xf32>
    %add3A_18 = vector.broadcast %broadcast_in_dim3A_17 : vector<1x2xf32> to vector<512x2xf32>
    %add3A_19 = arith.addf %dot_general3A_14, %add3A_18 : vector<512x2xf32>
    %swap3A = arith.constant 0 : index
    %swap3A_20 = arith.constant 0 : index
    %swap3A_21 = vector.load %arg6[%swap3A, %swap3A_20] : memref<512x2xf32, #tpu.memory_space<vmem>>, vector<512x2xf32>
    tpu.vector_store %arg6[%swap3A, %swap3A_20], %add3A_19 {strides = array<i32>} : memref<512x2xf32, #tpu.memory_space<vmem>>, vector<512x2xf32>,
    return
  }
  func.func @transform_0(%arg0: i32) -> (i32, i32) {
    %c0_i32 = arith.constant 0 : i32
    %c0_i32_0 = arith.constant 0 : i32
    return %arg0, %c0_i32 : i32, i32
  }
  func.func @transform_1(%arg0: i32) -> i32 {
    %c0_i32 = arith.constant 0 : i32
    return %arg0 : i32
  }
  func.func @transform_2(%arg0: i32) -> i32 {
    %c0_i32 = arith.constant 0 : i32
    %c0_i32_0 = arith.constant 0 : i32
    return %c0_i32 : i32
  }
  func.func @transform_3(%arg0: i32) -> (i32, i32) {
    %c0_i32 = arith.constant 0 : i32
    %c0_i32_0 = arith.constant 0 : i32
    %c0_i32_1 = arith.constant 0 : i32
    return %c0_i32, %c0_i32_0 : i32, i32
  }
  func.func @transform_4(%arg0: i32) -> i32 {
    %c0_i32 = arith.constant 0 : i32
    %c0_i32_0 = arith.constant 0 : i32
    return %c0_i32 : i32
  }
  func.func @transform_5(%arg0: i32) -> (i32, i32) {
    %c0_i32 = arith.constant 0 : i32
    %c0_i32_0 = arith.constant 0 : i32
    return %arg0, %c0_i32 : i32, i32
  }
}

</mosaic_0001>

<sc_bundles>
// kernel: kernel.11.cloned.1.call-start
scs
__scs_entry_jumppad:
0x0: {  	(pc) =	sbr.rel $0x88, $3  }
0x1: {  	(tag) =	ssettag $0x0;
	lr =	simm.s32 $0x1  }
0x2: {  	[smem:$0x3F99] =	sst lr;
	_ =	strace $0xD0000000  }
0x3: {  	_ = 	snop  }
0x4: {  	_ = 	snop  }
0x5: {  	_ = 	snop  }
0x6: {  	_ = 	snop  }
0x7: {  	_ = 	snop  }
__scs_overlays_trampoline_lowered:
0x8: {  	[smem:$0x3FA8] =	sst s0  }
0x9: {  	[smem:$0x3FA9] =	sst s1  }
0xa: {  	[smem:$0x3FAA] =	sst s2  }
0xb: {  	[smem:$0x3FAB] =	sst s3  }
0xc: {  	[smem:$0x3FAC] =	sst s4  }
0xd: {  	[smem:$0x3FAD] =	sst s5  }
0xe: {  	[smem:$0x3FAE] =	sst s6  }
0xf: {  	[smem:$0x3FAF] =	sst s7  }
0x10: {  	[smem:$0x3FB0] =	sst s8  }
0x11: {  	[smem:$0x3FB1] =	sst s9;
	s0 =	simm.s32 @!p0 $0x0  }
0x12: {  	s1 =	sld [smem:$0x3F97];
	s0 =	simm.s32 @p0 $0x1  }
0x13: {  	[smem:$0x3FB2] =	sst s0;
	s0 =	simm.s32 @!p1 $0x0  }
0x14: {  	s2 =	sld [smem:$0x3F96];
	s0 =	simm.s32 @p1 $0x1  }
0x15: {  	[smem:$0x3FB3] =	sst s0;
	s0 =	simm.s32 @!p2 $0x0  }
0x16: {  	s3 =	sld [smem:$0x3FDB];
	s0 =	simm.s32 @p2 $0x1  }
0x17: {  	s4 =	simm.s32 $0x1BF5;
	[smem:$0x3FB5] =	sst s0  }
0x18: {  	s0 =	sld [smem:$0x3F98];
	_ =	swait.ge [sflag:s4], $0x0  }
0x19: {  	s7 =	sld [smem:$0x3F99]  }
0x1a: {  	s8 =	sadd.s32 $0xFFFFE003, lr  }
0x1b: {  	s9 =	sadd.s32 $0xFFFFFEF7, lr;
	s5 =	simm.s32 $0xFFFFFFFF;
	p2 =	slt.u32 s8, $0xFFFFF086  }
0x1c: {  	p1 =	slt.u32 s9, $0xF7A;
	s5 =	simm.s32 @!p2 $0x0  }
0x1d: {  	s5 =	simm.s32 @p1 $0x1;
	p0 =	seq.s32 s7, s2  }
0x1e: {  	s7 =	smul.u32 @!p0 $0xF7A, s2;
	p2 =	seq.s32 @!p0 s5, $0x0  }
0x1f: {  	s9 =	smul.u32 $0xF7A, s1;
	s8 =	simm.s32 @!p0 $0x1BF5;
	p2 =	por !p2, p0  }
0x20: {  	[sflag:s8] =	ssyncset.s32 @!p0 $0xFFFFF086;
	s6 =	sadd.s32 @!p0 s3, s7;
	s7 =	simm.s32 @!p0 $0x108  }
0x21: {  	s3 =	sadd.s32 s3, s9;
	s6 =	sadd.s32 @!p0 $0x88, s6;
	s7 =	simm.s32 @p2 $0x1082  }
0x22: {  	[simem:s7], [sflag:s8] =	dma.local @!p0 [hbm:s6], $0xF7A  }
0x23: {  	s9 =	sor.u32 $0xD0000000, s2;
	s6 =	simm.s32 $0x108;
	_ =	swait.ge @!p0 [sflag:s8], $0x0  }
0x24: {  	s3 =	sadd.s32 $0x88, s3;
	s6 =	simm.s32 @!p1 $0x1082;
	[sflag:s4] =	ssyncset.s32 $0xFFFFF086  }
0x25: {  	[simem:s6], [sflag:s4] =	dma.local [hbm:s3], $0xF7A  }
0x26: {  	[smem:$0x3F99] =	sst s1;
	(tag) =	ssettag s2;
	_ =	strace s9  }
0x27: {  	s1 =	sld [smem:$0x3FA9]  }
0x28: {  	s2 =	sld [smem:$0x3FAA]  }
0x29: {  	s4 =	sld [smem:$0x3FAC]  }
0x2a: {  	p0 =	seq.s32 s5, $0x0;
	s5 =	sld [smem:$0x3FAD]  }
0x2b: {  	s6 =	sld [smem:$0x3FAE]  }
0x2c: {  	s7 =	sld [smem:$0x3FAF]  }
0x2d: {  	s3 =	simm.s32 $0x108;
	s8 =	sld [smem:$0x3FB0]  }
0x2e: {  	s3 =	simm.s32 @!p0 $0x1082;
	s9 =	sld [smem:$0x3FB1]  }
0x2f: {  	lr =	sadd.s32 s0, s3;
	s0 =	sld [smem:$0x3FA8]  }
0x30: {  	s3 =	sld [smem:$0x3FAB]  }
0x31: {  	[smem:$0x3FB4] =	sst s10  }
0x32: {  	s10 =	sld [smem:$0x3FB2];
	_ =	sdelay $0x3  }
0x33: {  	p0 =	seq.s32 s10, $0x1;
	s10 =	sld [smem:$0x3FB4];
	_ =	sdelay $0x3  }
0x34: {  	[smem:$0x3FB4] =	sst s10  }
0x35: {  	s10 =	sld [smem:$0x3FB3];
	_ =	sdelay $0x3  }
0x36: {  	p1 =	seq.s32 s10, $0x1;
	s10 =	sld [smem:$0x3FB4];
	_ =	sdelay $0x3  }
0x37: {  	[smem:$0x3FB4] =	sst s10  }
0x38: {  	s10 =	sld [smem:$0x3FB5]  }
0x39: {  	_ = 	snop;
	(pc) =	sbr.ind lr, $3  }
0x3a: {  	_ = 	snop  }
0x3b: {  	_ = 	snop  }
0x3c: {  	p2 =	seq.s32 s10, $0x1;
	s10 =	sld [smem:$0x3FB4]  }
0x3d: {  	_ =	shalt  }
0x3e: {  	_ =	shalt  }
0x3f: {  	_ =	shalt  }
0x40: {  	_ =	shalt  }
0x41: {  	_ =	shalt  }
0x42: {  	_ =	shalt  }
0x43: {  	_ =	shalt  }
0x44: {  	_ =	shalt  }
0x45: {  	_ =	shalt  }
0x46: {  	_ =	shalt  }
0x47: {  	_ =	shalt  }
0x48: {  	_ =	shalt  }
0x49: {  	_ =	shalt  }
0x4a: {  	_ =	shalt  }
0x4b: {  	_ =	shalt  }
0x4c: {  	_ =	shalt  }
0x4d: {  	_ =	shalt  }
0x4e: {  	_ =	shalt  }
0x4f: {  	_ =	shalt  }
0x50: {  	_ =	shalt  }
0x51: {  	_ =	shalt  }
0x52: {  	_ =	shalt  }
0x53: {  	_ =	shalt  }
0x54: {  	_ =	shalt  }
0x55: {  	_ =	shalt  }
0x56: {  	_ =	shalt  }
0x57: {  	_ =	shalt  }
0x58: {  	_ =	shalt  }
0x59: {  	_ =	shalt  }
0x5a: {  	_ =	shalt  }
0x5b: {  	_ =	shalt  }
0x5c: {  	_ =	shalt  }
0x5d: {  	_ =	shalt  }
0x5e: {  	_ =	shalt  }
0x5f: {  	_ =	shalt  }
0x60: {  	_ =	shalt  }
0x61: {  	_ =	shalt  }
0x62: {  	_ =	shalt  }
0x63: {  	_ =	shalt  }
0x64: {  	_ =	shalt  }
0x65: {  	_ =	shalt  }
0x66: {  	_ =	shalt  }
0x67: {  	_ =	shalt  }
0x68: {  	_ =	shalt  }
0x69: {  	_ =	shalt  }
0x6a: {  	_ =	shalt  }
0x6b: {  	_ =	shalt  }
0x6c: {  	_ =	shalt  }
0x6d: {  	_ =	shalt  }
0x6e: {  	_ =	shalt  }
0x6f: {  	_ =	shalt  }
0x70: {  	_ =	shalt  }
0x71: {  	_ =	shalt  }
0x72: {  	_ =	shalt  }
0x73: {  	_ =	shalt  }
0x74: {  	_ =	shalt  }
0x75: {  	_ =	shalt  }
0x76: {  	_ =	shalt  }
0x77: {  	_ =	shalt  }
0x78: {  	_ =	shalt  }
0x79: {  	_ =	shalt  }
0x7a: {  	_ =	shalt  }
0x7b: {  	_ =	shalt  }
0x7c: {  	_ =	shalt  }
0x7d: {  	_ =	shalt  }
0x7e: {  	_ =	shalt  }
0x7f: {  	_ =	shalt  }
0x80: {  	_ =	shalt  }
0x81: {  	_ =	shalt  }
0x82: {  	_ =	shalt  }
0x83: {  	_ =	shalt  }
0x84: {  	_ =	shalt  }
0x85: {  	_ =	shalt  }
0x86: {  	_ =	shalt  }
0x87: {  	_ =	shalt  }
.Lfunc_end0:
.L_simem_size_0:
called_computation.1_lowered:
.L_overlay_start_0:
0x88: {  	s2 =	sld [smem:$0x3FD9]  }
0x89: {  	s3 =	sld [smem:$0x3FFE];
	_ =	sdelay $0x1  }
0x8a: {  	s1 =	srdreg.scid  }
0x8b: {  	s0 =	sand.u32 $0x1, s1  }
0x8c: {  	s16 =	sshll.u32 s0, $0xA;
	s2 =	sadd.s32 s3, s2  }
0x8d: {  	s2 =	sadd.s32 s2, s16  }
0x8e: {  	[smem:$0x3FC0] =	sst s2  }
0x8f: {  	_ = 	snop  }
0x90: {  	(tm) =	ssettm $0x1  }
0x91: {  	s17 =	sld [smem:$0x3FFB];
	_ =	sdelay $0x3  }
0x92: {  	_ =	strace s17  }
0x93: {  	s2 =	sld [smem:$0x3FFC];
	_ =	sdelay $0x3  }
0x94: {  	_ =	strace s2  }
0x95: {  	s2 =	sld [smem:$0x3FFD];
	_ =	sdelay $0x3  }
0x96: {  	_ =	strace s2  }
0x97: {  	_ =	strace $0x8FFFFFFF  }
0x98: {  	s18 =	sld [smem:$0x3FDB];
	_ =	sdelay $0x1  }
0x99: {  	s19 =	simm.s32 $_scs_section_size  }
0x9a: {  	s4 =	simm.s32 $_size__tile_overlayer_lowered;
	s5 =	simm.s32 $_tile_overlayer_lowered  }
0x9b: {  	s22 =	simm.s32 $0x1BFF;
	s21 =	sshll.u32 s5, $0x1;
	s2 =	sadd.s32 s19, s18  }
0x9c: {  	s6 =	simm.s32 $0x0;
	s20 =	sshll.u32 s4, $0x1;
	s4 =	sadd.s32 s21, s2  }
0x9d: {  	[timem:s6], [sflag:s22] =	dma.local [hbm:s4], s20  }
0x9e: {  	_ =	swait.ge [sflag:s22], s20  }
0x9f: {  	s3 =	ssub.s32 $0x0, s20;
	[sflag:s22] =	ssyncset.done $0x0  }
0xa0: {  	[sflag:s22] =	ssyncadd.s32 s3;
	_ =	sdelay $0x1  }
0xa1: {  	s23 =	simm.s32 $0x1B8B  }
0xa2: {  	_ =	swait.ge [sflag:s23], $0x1  }
0xa3: {  	[sflag:s23] =	ssyncset.done $0x0  }
0xa4: {  	s25 =	simm.s32 $0x1B8E;
	s24 =	sld [smem:$0x3FFE];
	[sflag:s23] =	ssyncadd.s32 $0xFFFFFFFF  }
0xa5: {  	s26 =	simm.s32 $execute0_lowered;
	[smem:$0x3FD2] =	sst s25  }
0xa6: {  	s4 =	sshll.u32 s26, $0x1;
	_ =	strace $0x80000049;
	[dreg:$0x1] =	wrdreg $0xFFFFFFFF  }
0xa7: {  	s28 =	simm.s32 $_size_execute0_lowered;
	s2 =	sadd.s32 s2, s4;
	[dreg:$0x0] =	wrdreg $0x0  }
0xa8: {  	s4 =	sshll.u32 s28, $0x1;
	[dreg:$0x2] =	wrdreg s2  }
0xa9: {  	[dreg:$0x3] =	wrdreg s4  }
0xaa: {  	[dreg:$0x4] =	wrdreg $0xC0  }
0xab: {  	_ =	task [dreg:s6], $0x5FFFF  }
0xac: {  	[dreg:$0x1] =	wrdreg $0xFFFFFFFF  }
0xad: {  	[dreg:$0x0] =	wrdreg $0x60  }
0xae: {  	[dreg:$0x2] =	wrdreg s24  }
0xaf: {  	[dreg:$0x3] =	wrdreg $0x0  }
0xb0: {  	[dreg:$0x4] =	wrdreg $0x9  }
0xb1: {  	_ =	task.clear_ibuf [dreg:s6], $0x5FFFF;
	_ =	strace $0x90000049  }
0xb2: {  	s29 =	simm.s32 $0x9;
	_ =	strace $0x8000004B  }
0xb3: {  	_ =	swait.ge [sflag:s29], $0x1  }
0xb4: {  	[sflag:s29] =	ssyncadd.s32 $0xFFFFFFFF  }
0xb5: {  	_ =	strace $0x9000004B  }
0xb6: {  	_ =	sfence  }
0xb7: {  	s30 =	sld [smem:$0x0];
	_ =	sdelay $0x2  }
0xb8: {  	s31 =	sshll.u32 s1, $0xD;
	s1 =	sshrl.u32 s1, $0x2  }
0xb9: {  	s3 =	sand.u32 $0x4000, s31;
	s1 =	sadd.s32 s1, s30  }
0xba: {  	s0 =	sor.u32 s3, s0;
	s1 =	sshll.u32 s1, $0x11  }
0xbb: {  	s0 =	sor.u32 s1, s0  }
0xbc: {  	s0 =	sadd.s32 $0x8F2B, s0  }
0xbd: {  	[sflag:s0] =	ssyncadd.remote.s32 $0x1  }
0xbe: {  	_ =	sfence.sel $0xFFFF  }
0xbf: {  	[dreg:$0x0] =	wrdreg $0xFFFFFFFF;
	(pc) =	sbr.abs _section_cstart, $3  }
0xc0: {  	[dreg:$0x1] =	wrdreg $0xFFFFFFFF  }
0xc1: {  	_ =	task.clear_ibuf [dreg:s6], $0x2FFFF;
	_ =	strace $0x9FFFFFFF  }
0xc2: {  	(tm) =	ssettm $0x7FFFFFFF  }
0xc3: {  	_ =	shalt  }
tec
execute0_lowered:
.L_overlay_start_1:
0x0: {  	(tag) =	ssettag $0x1  }
0x1: {  	s1 =	srdreg.scid  }
0x2: {  	s1 =	sand.u32 $0x1, s1  }
0x3: {  	p0 =	seq.s32 s1, $0x1  }
.Ltmp0:
0x4: {  	_ = 	snop;
	(pc) =	sbr.rel @p0 .LBB2_10-.Ltmp0, $4  }
0x5: {  	s6 =	rddreg [dreg:$0x0]  }
0x6: {  	s2 =	rddreg [dreg:$0x1];
	s7 =	simm.s32 $0x0  }
0x7: {  	[smem:$0x7FF] =	sst s7  }
0x8: {  	s0 =	rddreg [dreg:$0x2];
	_ =	strace $0x8000004A;
	s1 =	stileid.u32  }
0x9: {  	s3 =	smul.u32 $0x50000, s1;
	_ =	sdelay $0x1  }
0xa: {  	s8 =	smul.u32 $0x2800, s1;
	s3 =	sshrl.u32 s3, $0x2  }
0xb: {  	s5 =	sadd.s32 $0x16400, s6;
	s26 =	sshll.u32 s1, $0x6;
	s4 =	sadd.s32 s3, s2  }
0xc: {  	s9 =	sadd.s32 s5, s8;
	s3 =	sor.u32 $0x1C03, s26;
	s4 =	sshrl.u32 s4, $0x3  }
0xd: {  	[spmem:s4], [sflag:s3] =	dma.local [hbm:s9], $0x2800  }
0xe: {  	s9 =	simm.s32 $0x3  }
0xf: {  	_ =	swait.ge [sflag:s9], $0x2800  }
0x10: {  	s10 =	smul.u32 $0x1400, s1;
	[sflag:s9] =	ssyncset.done $0x0  }
0x11: {  	s12 =	sadd.s32 $0x2400, s6;
	[sflag:s9] =	ssyncadd.s32 $0xFFFFD800  }
0x12: {  	s11 =	simm.s32 $0x14000;
	s10 =	sadd.s32 s12, s10;
	[bflag:$0x0] =	sbarrier.arrive $0xFFFF  }
0x13: {  	[tilespmem:s11], [sflag:$0x3] =	stream.linear.gather [hbm4b:s10+s7], $0x2800, $0x38;
	[tilespmem:$0x1E800] =	vst v63  }
0x14: {  	_ =	swait.ge [sflag:s9], $0x2800  }
0x15: {  	[sflag:s9] =	ssyncset.done $0x0  }
0x16: {  	s13 =	simm.s32 $0x16800;
	s10 =	simm.s32 $0x80;
	[sflag:s9] =	ssyncadd.s32 $0xFFFFD800  }
0x17: {  	[tilespmem:s13], [sflag:$0x1] =	stream.indirect.gather [hbm4b:s5+s10], $0x80, s11, s10, $0xb8;
	[tilespmem:$0x1E800] =	vst v63  }
0x18: {  	s14 =	simm.s32 $0x1;
	s28 =	simm.s32 $0x14100;
	s11 =	simm.s32 $0x1A800  }
0x19: {  	[tilespmem:s11], [sflag:$0x2] =	stream.indirect.gather [hbm4b:s5+s10], $0x80, s28, s10, $0xb8;
	[tilespmem:$0x1E800] =	vst v63  }
0x1a: {  	_ =	swait.ge [sflag:s14], $0x4000  }
0x1b: {  	[sflag:s14] =	ssyncset.done $0x0  }
0x1c: {  	s15 =	simm.s32 $0x14080;
	[sflag:s14] =	ssyncadd.s32 $0xFFFFC000  }
0x1d: {  	[spmem:s2] =	stream.indirect.scatter.add.f32 [tilespmem:s13], [sflag:$0x3], $0x80, s15, s10, $0xb8;
	[tilespmem:$0x1E800] =	vst v63  }
0x1e: {  	_ =	swait.ge [sflag:s9], $0x4000  }
0x1f: {  	s29 =	smul.u32 $0xA000, s1;
	[sflag:s9] =	ssyncset.done $0x0  }
0x20: {  	s16 =	simm.s32 $0x14200;
	s15 =	simm.s32 $0x2;
	[sflag:s9] =	ssyncadd.s32 $0xFFFFC000  }
0x21: {  	[tilespmem:s13], [sflag:$0x1] =	stream.indirect.gather [hbm4b:s5+s10], $0x80, s16, s10, $0xb8;
	[tilespmem:$0x1E800] =	vst v63  }
0x22: {  	s31 =	simm.s32 $0x14180;
	s17 =	simm.s32 $0xFFFF7800;
	_ =	swait.ge [sflag:s15], $0x4000  }
0x23: {  	s30 =	sadd.s32 s8, s6;
	s7 =	sshrl.u32 s29, $0x3;
	[sflag:s15] =	ssyncset.done $0x0  }
0x24: {  	s6 =	sadd.s32 $0x3E400, s30;
	s7 =	sadd.s32 s12, s7;
	[sflag:s15] =	ssyncadd.s32 $0xFFFFC000  }
0x25: {  	[spmem:s2] =	stream.indirect.scatter.add.f32 [tilespmem:s11], [sflag:$0x3], $0x80, s31, s10, $0xb8;
	[tilespmem:$0x1E800] =	vst v63  }
0x26: {  	s12 =	sadd.s32 $0x500, s7;
	s8 =	sadd.s32 $0xA00, s7;
	_ =	swait.ge [sflag:s9], $0x4000  }
0x27: {  	s7 =	sadd.s32 $0xF00, s7;
	s16 =	simm.s32 $0xFFFFDC00;
	[sflag:s9] =	ssyncset.done $0x0  }
.LBB2_2:
0x28: {  	s18 =	sadd.s32 $0x16700, s16  }
0x29: {  	[sflag:s9] =	ssyncadd.s32 $0xFFFFC000;
	s19 =	smov.u32 s17;
	s20 =	sadd.s32 $0x800, s17  }
0x2a: {  	[tilespmem:s11], [sflag:$0x2] =	stream.indirect.gather [hbm4b:s5+s10], $0x80, s18, s10, $0xb8;
	[tilespmem:$0x1E800] =	vst v63  }
0x2b: {  	p0 =	sne.s32 s17, $0xFFFFF800;
	_ =	swait.ge [sflag:s14], $0x4000  }
0x2c: {  	[sflag:s14] =	ssyncset.done $0x0  }
0x2d: {  	s17 =	sadd.s32 $0x16680, s16;
	[sflag:s14] =	ssyncadd.s32 $0xFFFFC000  }
0x2e: {  	[spmem:s2] =	stream.indirect.scatter.add.f32 [tilespmem:s13], [sflag:$0x3], $0x80, s17, s10, $0xb8;
	[tilespmem:$0x1E800] =	vst v63  }
0x2f: {  	_ =	swait.ge [sflag:s9], $0x4000  }
0x30: {  	[sflag:s9] =	ssyncset.done $0x0  }
0x31: {  	s17 =	sadd.s32 $0x16800, s16;
	[sflag:s9] =	ssyncadd.s32 $0xFFFFC000  }
0x32: {  	[tilespmem:s13], [sflag:$0x1] =	stream.indirect.gather [hbm4b:s5+s10], $0x80, s17, s10, $0xb8;
	[tilespmem:$0x1E800] =	vst v63  }
0x33: {  	_ =	swait.ge [sflag:s15], $0x4000  }
.Ltmp1:
0x34: {  	[sflag:s15] =	ssyncset.done $0x0;
	(pc) =	sbr.rel @p0 .LBB2_2-.Ltmp1, $4  }
0x35: {  	s16 =	sadd.s32 $0x16780, s16;
	[sflag:s15] =	ssyncadd.s32 $0xFFFFC000  }
0x36: {  	[spmem:s2] =	stream.indirect.scatter.add.f32 [tilespmem:s11], [sflag:$0x3], $0x80, s16, s10, $0xb8;
	[tilespmem:$0x1E800] =	vst v63  }
0x37: {  	_ =	swait.ge [sflag:s9], $0x4000  }
0x38: {  	s17 =	smov.u32 s20;
	s16 =	sshra.s32 s19, $0x2;
	[sflag:s9] =	ssyncset.done $0x0  }
0x39: {  	s17 =	sadd.s32 $0x16700, s16;
	[sflag:s9] =	ssyncadd.s32 $0xFFFFC000  }
0x3a: {  	[tilespmem:s11], [sflag:$0x2] =	stream.indirect.gather [hbm4b:s5+s10], $0x80, s17, s10, $0xb8;
	[tilespmem:$0x1E800] =	vst v63  }
0x3b: {  	_ =	swait.ge [sflag:s14], $0x4000  }
0x3c: {  	[sflag:s14] =	ssyncset.done $0x0  }
0x3d: {  	s19 =	sadd.s32 $0x16680, s16;
	[sflag:s14] =	ssyncadd.s32 $0xFFFFC000  }
0x3e: {  	[spmem:s2] =	stream.indirect.scatter.add.f32 [tilespmem:s13], [sflag:$0x3], $0x80, s19, s10, $0xb8;
	[tilespmem:$0x1E800] =	vst v63  }
0x3f: {  	_ =	swait.ge [sflag:s9], $0x4000  }
0x40: {  	[sflag:s9] =	ssyncset.done $0x0  }
0x41: {  	s20 =	sadd.s32 $0x16800, s16;
	[sflag:s9] =	ssyncadd.s32 $0xFFFFC000  }
0x42: {  	[tilespmem:s13], [sflag:$0x1] =	stream.indirect.gather [hbm4b:s5+s10], $0x80, s20, s10, $0xb8;
	[tilespmem:$0x1E800] =	vst v63  }
0x43: {  	_ =	swait.ge [sflag:s15], $0x4000  }
0x44: {  	[sflag:s15] =	ssyncset.done $0x0  }
0x45: {  	s21 =	sadd.s32 $0x16780, s16;
	[sflag:s15] =	ssyncadd.s32 $0xFFFFC000  }
0x46: {  	[spmem:s2] =	stream.indirect.scatter.add.f32 [tilespmem:s11], [sflag:$0x3], $0x80, s21, s10, $0xb8;
	[tilespmem:$0x1E800] =	vst v63  }
0x47: {  	_ =	swait.ge [sflag:s9], $0x4000  }
0x48: {  	s22 =	simm.s32 $0x16700;
	s14 =	simm.s32 $0x1;
	[sflag:s9] =	ssyncset.done $0x0  }
0x49: {  	s10 =	simm.s32 $0x1A800;
	[sflag:s9] =	ssyncadd.s32 $0xFFFFC000;
	s9 =	simm.s32 $0x80  }
0x4a: {  	[tilespmem:s10], [sflag:$0x2] =	stream.indirect.gather [hbm4b:s5+s9], $0x80, s22, s9, $0xb8;
	[tilespmem:$0x1E800] =	vst v63  }
0x4b: {  	_ =	swait.ge [sflag:s14], $0x4000  }
0x4c: {  	s23 =	simm.s32 $0x16680;
	[sflag:s14] =	ssyncset.done $0x0  }
0x4d: {  	s13 =	simm.s32 $0x16800;
	s11 =	simm.s32 $0x3;
	[sflag:s14] =	ssyncadd.s32 $0xFFFFC000  }
0x4e: {  	[spmem:s2] =	stream.indirect.scatter.add.f32 [tilespmem:s13], [sflag:$0x3], $0x80, s23, s9, $0xb8;
	[tilespmem:$0x1E800] =	vst v63  }
0x4f: {  	_ =	swait.ge [sflag:s11], $0x4000  }
0x50: {  	[sflag:s11] =	ssyncset.done $0x0  }
0x51: {  	s15 =	simm.s32 $0x2;
	[sflag:s11] =	ssyncadd.s32 $0xFFFFC000  }
0x52: {  	_ =	swait.ge [sflag:s15], $0x4000  }
0x53: {  	[sflag:s15] =	ssyncset.done $0x0  }
0x54: {  	s24 =	simm.s32 $0x16780;
	[sflag:s15] =	ssyncadd.s32 $0xFFFFC000  }
0x55: {  	[spmem:s2] =	stream.indirect.scatter.add.f32 [tilespmem:s10], [sflag:$0x3], $0x80, s24, s9, $0xb8;
	[tilespmem:$0x1E800] =	vst v63  }
0x56: {  	_ =	swait.ge [sflag:s11], $0x4000  }
0x57: {  	[sflag:s11] =	ssyncset.done $0x0  }
0x58: {  	s25 =	simm.s32 $0x0;
	s26 =	simm.s32 $0x14000;
	[sflag:s11] =	ssyncadd.s32 $0xFFFFC000  }
0x59: {  	[tilespmem:s26], [sflag:$0x3] =	stream.linear.gather [hbm4b:s12+s25], $0x2800, $0x38;
	[tilespmem:$0x1E800] =	vst v63  }
0x5a: {  	_ =	swait.ge [sflag:s11], $0x2800  }
0x5b: {  	[sflag:s11] =	ssyncset.done $0x0  }
0x5c: {  	[sflag:s11] =	ssyncadd.s32 $0xFFFFD800  }
0x5d: {  	[tilespmem:s13], [sflag:$0x1] =	stream.indirect.gather [hbm4b:s5+s9], $0x80, s26, s9, $0xb8;
	[tilespmem:$0x1E800] =	vst v63  }
0x5e: {  	s28 =	simm.s32 $0x14100  }
0x5f: {  	[tilespmem:s10], [sflag:$0x2] =	stream.indirect.gather [hbm4b:s5+s9], $0x80, s28, s9, $0xb8;
	[tilespmem:$0x1E800] =	vst v63  }
0x60: {  	_ =	swait.ge [sflag:s14], $0x4000  }
0x61: {  	[sflag:s14] =	ssyncset.done $0x0  }
0x62: {  	s29 =	simm.s32 $0x14080;
	[sflag:s14] =	ssyncadd.s32 $0xFFFFC000  }
0x63: {  	[spmem:s2] =	stream.indirect.scatter.add.f32 [tilespmem:s13], [sflag:$0x3], $0x80, s29, s9, $0xb8;
	[tilespmem:$0x1E800] =	vst v63  }
0x64: {  	_ =	swait.ge [sflag:s11], $0x4000  }
0x65: {  	[sflag:s11] =	ssyncset.done $0x0  }
0x66: {  	s30 =	simm.s32 $0x14200;
	[sflag:s11] =	ssyncadd.s32 $0xFFFFC000  }
0x67: {  	[tilespmem:s13], [sflag:$0x1] =	stream.indirect.gather [hbm4b:s5+s9], $0x80, s30, s9, $0xb8;
	[tilespmem:$0x1E800] =	vst v63  }
0x68: {  	_ =	swait.ge [sflag:s15], $0x4000  }
0x69: {  	[sflag:s15] =	ssyncset.done $0x0  }
0x6a: {  	s31 =	simm.s32 $0x14180;
	[sflag:s15] =	ssyncadd.s32 $0xFFFFC000  }
0x6b: {  	[spmem:s2] =	stream.indirect.scatter.add.f32 [tilespmem:s10], [sflag:$0x3], $0x80, s31, s9, $0xb8;
	[tilespmem:$0x1E800] =	vst v63  }
0x6c: {  	_ =	swait.ge [sflag:s11], $0x4000  }
0x6d: {  	s16 =	simm.s32 $0xFFFF7800;
	s12 =	simm.s32 $0xFFFFDC00;
	[sflag:s11] =	ssyncset.done $0x0  }
.LBB2_4:
0x6e: {  	s17 =	sadd.s32 $0x16700, s12  }
0x6f: {  	[sflag:s11] =	ssyncadd.s32 $0xFFFFC000;
	s18 =	smov.u32 s16;
	s19 =	sadd.s32 $0x800, s16  }
0x70: {  	[tilespmem:s10], [sflag:$0x2] =	stream.indirect.gather [hbm4b:s5+s9], $0x80, s17, s9, $0xb8;
	[tilespmem:$0x1E800] =	vst v63  }
0x71: {  	p0 =	sne.s32 s16, $0xFFFFF800;
	_ =	swait.ge [sflag:s14], $0x4000  }
0x72: {  	[sflag:s14] =	ssyncset.done $0x0  }
0x73: {  	s16 =	sadd.s32 $0x16680, s12;
	[sflag:s14] =	ssyncadd.s32 $0xFFFFC000  }
0x74: {  	[spmem:s2] =	stream.indirect.scatter.add.f32 [tilespmem:s13], [sflag:$0x3], $0x80, s16, s9, $0xb8;
	[tilespmem:$0x1E800] =	vst v63  }
0x75: {  	_ =	swait.ge [sflag:s11], $0x4000  }
0x76: {  	[sflag:s11] =	ssyncset.done $0x0  }
0x77: {  	s16 =	sadd.s32 $0x16800, s12;
	[sflag:s11] =	ssyncadd.s32 $0xFFFFC000  }
0x78: {  	[tilespmem:s13], [sflag:$0x1] =	stream.indirect.gather [hbm4b:s5+s9], $0x80, s16, s9, $0xb8;
	[tilespmem:$0x1E800] =	vst v63  }
0x79: {  	_ =	swait.ge [sflag:s15], $0x4000  }
.Ltmp2:
0x7a: {  	[sflag:s15] =	ssyncset.done $0x0;
	(pc) =	sbr.rel @p0 .LBB2_4-.Ltmp2, $4  }
0x7b: {  	s12 =	sadd.s32 $0x16780, s12;
	[sflag:s15] =	ssyncadd.s32 $0xFFFFC000  }
0x7c: {  	[spmem:s2] =	stream.indirect.scatter.add.f32 [tilespmem:s10], [sflag:$0x3], $0x80, s12, s9, $0xb8;
	[tilespmem:$0x1E800] =	vst v63  }
0x7d: {  	_ =	swait.ge [sflag:s11], $0x4000  }
0x7e: {  	s16 =	smov.u32 s19;
	s12 =	sshra.s32 s18, $0x2;
	[sflag:s11] =	ssyncset.done $0x0  }
0x7f: {  	s16 =	sadd.s32 $0x16700, s12;
	[sflag:s11] =	ssyncadd.s32 $0xFFFFC000  }
0x80: {  	[tilespmem:s10], [sflag:$0x2] =	stream.indirect.gather [hbm4b:s5+s9], $0x80, s16, s9, $0xb8;
	[tilespmem:$0x1E800] =	vst v63  }
0x81: {  	_ =	swait.ge [sflag:s14], $0x4000  }
0x82: {  	[sflag:s14] =	ssyncset.done $0x0  }
0x83: {  	s19 =	sadd.s32 $0x16680, s12;
	[sflag:s14] =	ssyncadd.s32 $0xFFFFC000  }
0x84: {  	[spmem:s2] =	stream.indirect.scatter.add.f32 [tilespmem:s13], [sflag:$0x3], $0x80, s19, s9, $0xb8;
	[tilespmem:$0x1E800] =	vst v63  }
0x85: {  	_ =	swait.ge [sflag:s11], $0x4000  }
0x86: {  	[sflag:s11] =	ssyncset.done $0x0  }
0x87: {  	s20 =	sadd.s32 $0x16800, s12;
	[sflag:s11] =	ssyncadd.s32 $0xFFFFC000  }
0x88: {  	[tilespmem:s13], [sflag:$0x1] =	stream.indirect.gather [hbm4b:s5+s9], $0x80, s20, s9, $0xb8;
	[tilespmem:$0x1E800] =	vst v63  }
0x89: {  	_ =	swait.ge [sflag:s15], $0x4000  }
0x8a: {  	[sflag:s15] =	ssyncset.done $0x0  }
0x8b: {  	s21 =	sadd.s32 $0x16780, s12;
	[sflag:s15] =	ssyncadd.s32 $0xFFFFC000  }
0x8c: {  	[spmem:s2] =	stream.indirect.scatter.add.f32 [tilespmem:s10], [sflag:$0x3], $0x80, s21, s9, $0xb8;
	[tilespmem:$0x1E800] =	vst v63  }
0x8d: {  	_ =	swait.ge [sflag:s11], $0x4000  }
0x8e: {  	s22 =	simm.s32 $0x16700;
	s13 =	simm.s32 $0x1;
	[sflag:s11] =	ssyncset.done $0x0  }
0x8f: {  	s9 =	simm.s32 $0x80;
	s10 =	simm.s32 $0x1A800;
	[sflag:s11] =	ssyncadd.s32 $0xFFFFC000  }
0x90: {  	[tilespmem:s10], [sflag:$0x2] =	stream.indirect.gather [hbm4b:s5+s9], $0x80, s22, s9, $0xb8;
	[tilespmem:$0x1E800] =	vst v63  }
0x91: {  	_ =	swait.ge [sflag:s13], $0x4000  }
0x92: {  	s23 =	simm.s32 $0x16680;
	[sflag:s13] =	ssyncset.done $0x0  }
0x93: {  	s12 =	simm.s32 $0x16800;
	s11 =	simm.s32 $0x3;
	[sflag:s13] =	ssyncadd.s32 $0xFFFFC000  }
0x94: {  	[spmem:s2] =	stream.indirect.scatter.add.f32 [tilespmem:s12], [sflag:$0x3], $0x80, s23, s9, $0xb8;
	[tilespmem:$0x1E800] =	vst v63  }
0x95: {  	_ =	swait.ge [sflag:s11], $0x4000  }
0x96: {  	[sflag:s11] =	ssyncset.done $0x0  }
0x97: {  	s14 =	simm.s32 $0x2;
	[sflag:s11] =	ssyncadd.s32 $0xFFFFC000  }
0x98: {  	_ =	swait.ge [sflag:s14], $0x4000  }
0x99: {  	[sflag:s14] =	ssyncset.done $0x0  }
0x9a: {  	s24 =	simm.s32 $0x16780;
	[sflag:s14] =	ssyncadd.s32 $0xFFFFC000  }
0x9b: {  	[spmem:s2] =	stream.indirect.scatter.add.f32 [tilespmem:s10], [sflag:$0x3], $0x80, s24, s9, $0xb8;
	[tilespmem:$0x1E800] =	vst v63  }
0x9c: {  	_ =	swait.ge [sflag:s11], $0x4000  }
0x9d: {  	[sflag:s11] =	ssyncset.done $0x0  }
0x9e: {  	s25 =	simm.s32 $0x0;
	s26 =	simm.s32 $0x14000;
	[sflag:s11] =	ssyncadd.s32 $0xFFFFC000  }
0x9f: {  	[tilespmem:s26], [sflag:$0x3] =	stream.linear.gather [hbm4b:s8+s25], $0x2800, $0x38;
	[tilespmem:$0x1E800] =	vst v63  }
0xa0: {  	_ =	swait.ge [sflag:s11], $0x2800  }
0xa1: {  	[sflag:s11] =	ssyncset.done $0x0  }
0xa2: {  	[sflag:s11] =	ssyncadd.s32 $0xFFFFD800  }
0xa3: {  	[tilespmem:s12], [sflag:$0x1] =	stream.indirect.gather [hbm4b:s5+s9], $0x80, s26, s9, $0xb8;
	[tilespmem:$0x1E800] =	vst v63  }
0xa4: {  	s28 =	simm.s32 $0x14100  }
0xa5: {  	[tilespmem:s10], [sflag:$0x2] =	stream.indirect.gather [hbm4b:s5+s9], $0x80, s28, s9, $0xb8;
	[tilespmem:$0x1E800] =	vst v63  }
0xa6: {  	_ =	swait.ge [sflag:s13], $0x4000  }
0xa7: {  	[sflag:s13] =	ssyncset.done $0x0  }
0xa8: {  	s29 =	simm.s32 $0x14080;
	[sflag:s13] =	ssyncadd.s32 $0xFFFFC000  }
0xa9: {  	[spmem:s2] =	stream.indirect.scatter.add.f32 [tilespmem:s12], [sflag:$0x3], $0x80, s29, s9, $0xb8;
	[tilespmem:$0x1E800] =	vst v63  }
0xaa: {  	_ =	swait.ge [sflag:s11], $0x4000  }
0xab: {  	[sflag:s11] =	ssyncset.done $0x0  }
0xac: {  	s30 =	simm.s32 $0x14200;
	[sflag:s11] =	ssyncadd.s32 $0xFFFFC000  }
0xad: {  	[tilespmem:s12], [sflag:$0x1] =	stream.indirect.gather [hbm4b:s5+s9], $0x80, s30, s9, $0xb8;
	[tilespmem:$0x1E800] =	vst v63  }
0xae: {  	_ =	swait.ge [sflag:s14], $0x4000  }
0xaf: {  	[sflag:s14] =	ssyncset.done $0x0  }
0xb0: {  	s31 =	simm.s32 $0x14180;
	[sflag:s14] =	ssyncadd.s32 $0xFFFFC000  }
0xb1: {  	[spmem:s2] =	stream.indirect.scatter.add.f32 [tilespmem:s10], [sflag:$0x3], $0x80, s31, s9, $0xb8;
	[tilespmem:$0x1E800] =	vst v63  }
0xb2: {  	_ =	swait.ge [sflag:s11], $0x4000  }
0xb3: {  	s15 =	simm.s32 $0xFFFF7800;
	s8 =	simm.s32 $0xFFFFDC00;
	[sflag:s11] =	ssyncset.done $0x0  }
.LBB2_6:
0xb4: {  	s16 =	sadd.s32 $0x16700, s8  }
0xb5: {  	[sflag:s11] =	ssyncadd.s32 $0xFFFFC000;
	s17 =	smov.u32 s15;
	s18 =	sadd.s32 $0x800, s15  }
0xb6: {  	[tilespmem:s10], [sflag:$0x2] =	stream.indirect.gather [hbm4b:s5+s9], $0x80, s16, s9, $0xb8;
	[tilespmem:$0x1E800] =	vst v63  }
0xb7: {  	p0 =	sne.s32 s15, $0xFFFFF800;
	_ =	swait.ge [sflag:s13], $0x4000  }
0xb8: {  	[sflag:s13] =	ssyncset.done $0x0  }
0xb9: {  	s15 =	sadd.s32 $0x16680, s8;
	[sflag:s13] =	ssyncadd.s32 $0xFFFFC000  }
0xba: {  	[spmem:s2] =	stream.indirect.scatter.add.f32 [tilespmem:s12], [sflag:$0x3], $0x80, s15, s9, $0xb8;
	[tilespmem:$0x1E800] =	vst v63  }
0xbb: {  	_ =	swait.ge [sflag:s11], $0x4000  }
0xbc: {  	[sflag:s11] =	ssyncset.done $0x0  }
0xbd: {  	s15 =	sadd.s32 $0x16800, s8;
	[sflag:s11] =	ssyncadd.s32 $0xFFFFC000  }
0xbe: {  	[tilespmem:s12], [sflag:$0x1] =	stream.indirect.gather [hbm4b:s5+s9], $0x80, s15, s9, $0xb8;
	[tilespmem:$0x1E800] =	vst v63  }
0xbf: {  	_ =	swait.ge [sflag:s14], $0x4000  }
.Ltmp3:
0xc0: {  	[sflag:s14] =	ssyncset.done $0x0;
	(pc) =	sbr.rel @p0 .LBB2_6-.Ltmp3, $4  }
0xc1: {  	s8 =	sadd.s32 $0x16780, s8;
	[sflag:s14] =	ssyncadd.s32 $0xFFFFC000  }
0xc2: {  	[spmem:s2] =	stream.indirect.scatter.add.f32 [tilespmem:s10], [sflag:$0x3], $0x80, s8, s9, $0xb8;
	[tilespmem:$0x1E800] =	vst v63  }
0xc3: {  	_ =	swait.ge [sflag:s11], $0x4000  }
0xc4: {  	s15 =	smov.u32 s18;
	s8 =	sshra.s32 s17, $0x2;
	[sflag:s11] =	ssyncset.done $0x0  }
0xc5: {  	s15 =	sadd.s32 $0x16700, s8;
	[sflag:s11] =	ssyncadd.s32 $0xFFFFC000  }
0xc6: {  	[tilespmem:s10], [sflag:$0x2] =	stream.indirect.gather [hbm4b:s5+s9], $0x80, s15, s9, $0xb8;
	[tilespmem:$0x1E800] =	vst v63  }
0xc7: {  	_ =	swait.ge [sflag:s13], $0x4000  }
0xc8: {  	[sflag:s13] =	ssyncset.done $0x0  }
0xc9: {  	s19 =	sadd.s32 $0x16680, s8;
	[sflag:s13] =	ssyncadd.s32 $0xFFFFC000  }
0xca: {  	[spmem:s2] =	stream.indirect.scatter.add.f32 [tilespmem:s12], [sflag:$0x3], $0x80, s19, s9, $0xb8;
	[tilespmem:$0x1E800] =	vst v63  }
0xcb: {  	_ =	swait.ge [sflag:s11], $0x4000  }
0xcc: {  	[sflag:s11] =	ssyncset.done $0x0  }
0xcd: {  	s20 =	sadd.s32 $0x16800, s8;
	[sflag:s11] =	ssyncadd.s32 $0xFFFFC000  }
0xce: {  	[tilespmem:s12], [sflag:$0x1] =	stream.indirect.gather [hbm4b:s5+s9], $0x80, s20, s9, $0xb8;
	[tilespmem:$0x1E800] =	vst v63  }
0xcf: {  	_ =	swait.ge [sflag:s14], $0x4000  }
0xd0: {  	[sflag:s14] =	ssyncset.done $0x0  }
0xd1: {  	s21 =	sadd.s32 $0x16780, s8;
	[sflag:s14] =	ssyncadd.s32 $0xFFFFC000  }
0xd2: {  	[spmem:s2] =	stream.indirect.scatter.add.f32 [tilespmem:s10], [sflag:$0x3], $0x80, s21, s9, $0xb8;
	[tilespmem:$0x1E800] =	vst v63  }
0xd3: {  	_ =	swait.ge [sflag:s11], $0x4000  }
0xd4: {  	s8 =	simm.s32 $0x80;
	s22 =	simm.s32 $0x16700;
	[sflag:s11] =	ssyncset.done $0x0  }
0xd5: {  	s12 =	simm.s32 $0x1;
	s9 =	simm.s32 $0x1A800;
	[sflag:s11] =	ssyncadd.s32 $0xFFFFC000  }
0xd6: {  	[tilespmem:s9], [sflag:$0x2] =	stream.indirect.gather [hbm4b:s5+s8], $0x80, s22, s8, $0xb8;
	[tilespmem:$0x1E800] =	vst v63  }
0xd7: {  	_ =	swait.ge [sflag:s12], $0x4000  }
0xd8: {  	s23 =	simm.s32 $0x16680;
	[sflag:s12] =	ssyncset.done $0x0  }
0xd9: {  	s10 =	simm.s32 $0x3;
	s11 =	simm.s32 $0x16800;
	[sflag:s12] =	ssyncadd.s32 $0xFFFFC000  }
0xda: {  	[spmem:s2] =	stream.indirect.scatter.add.f32 [tilespmem:s11], [sflag:$0x3], $0x80, s23, s8, $0xb8;
	[tilespmem:$0x1E800] =	vst v63  }
0xdb: {  	_ =	swait.ge [sflag:s10], $0x4000  }
0xdc: {  	[sflag:s10] =	ssyncset.done $0x0  }
0xdd: {  	s13 =	simm.s32 $0x2;
	[sflag:s10] =	ssyncadd.s32 $0xFFFFC000  }
0xde: {  	_ =	swait.ge [sflag:s13], $0x4000  }
0xdf: {  	[sflag:s13] =	ssyncset.done $0x0  }
0xe0: {  	s24 =	simm.s32 $0x16780;
	[sflag:s13] =	ssyncadd.s32 $0xFFFFC000  }
0xe1: {  	[spmem:s2] =	stream.indirect.scatter.add.f32 [tilespmem:s9], [sflag:$0x3], $0x80, s24, s8, $0xb8;
	[tilespmem:$0x1E800] =	vst v63  }
0xe2: {  	_ =	swait.ge [sflag:s10], $0x4000  }
0xe3: {  	[sflag:s10] =	ssyncset.done $0x0  }
0xe4: {  	s25 =	simm.s32 $0x0;
	s26 =	simm.s32 $0x14000;
	[sflag:s10] =	ssyncadd.s32 $0xFFFFC000  }
0xe5: {  	[tilespmem:s26], [sflag:$0x3] =	stream.linear.gather [hbm4b:s7+s25], $0x2800, $0x38;
	[tilespmem:$0x1E800] =	vst v63  }
0xe6: {  	_ =	swait.ge [sflag:s10], $0x2800  }
0xe7: {  	[sflag:s10] =	ssyncset.done $0x0  }
0xe8: {  	[sflag:s10] =	ssyncadd.s32 $0xFFFFD800  }
0xe9: {  	[tilespmem:s11], [sflag:$0x1] =	stream.indirect.gather [hbm4b:s5+s8], $0x80, s26, s8, $0xb8;
	[tilespmem:$0x1E800] =	vst v63  }
0xea: {  	s28 =	simm.s32 $0x14100  }
0xeb: {  	[tilespmem:s9], [sflag:$0x2] =	stream.indirect.gather [hbm4b:s5+s8], $0x80, s28, s8, $0xb8;
	[tilespmem:$0x1E800] =	vst v63  }
0xec: {  	_ =	swait.ge [sflag:s12], $0x4000  }
0xed: {  	[sflag:s12] =	ssyncset.done $0x0  }
0xee: {  	s29 =	simm.s32 $0x14080;
	[sflag:s12] =	ssyncadd.s32 $0xFFFFC000  }
0xef: {  	[spmem:s2] =	stream.indirect.scatter.add.f32 [tilespmem:s11], [sflag:$0x3], $0x80, s29, s8, $0xb8;
	[tilespmem:$0x1E800] =	vst v63  }
0xf0: {  	_ =	swait.ge [sflag:s10], $0x4000  }
0xf1: {  	[sflag:s10] =	ssyncset.done $0x0  }
0xf2: {  	s30 =	simm.s32 $0x14200;
	[sflag:s10] =	ssyncadd.s32 $0xFFFFC000  }
0xf3: {  	[tilespmem:s11], [sflag:$0x1] =	stream.indirect.gather [hbm4b:s5+s8], $0x80, s30, s8, $0xb8;
	[tilespmem:$0x1E800] =	vst v63  }
0xf4: {  	_ =	swait.ge [sflag:s13], $0x4000  }
0xf5: {  	[sflag:s13] =	ssyncset.done $0x0  }
0xf6: {  	s31 =	simm.s32 $0x14180;
	[sflag:s13] =	ssyncadd.s32 $0xFFFFC000  }
0xf7: {  	[spmem:s2] =	stream.indirect.scatter.add.f32 [tilespmem:s9], [sflag:$0x3], $0x80, s31, s8, $0xb8;
	[tilespmem:$0x1E800] =	vst v63  }
0xf8: {  	_ =	swait.ge [sflag:s10], $0x4000  }
0xf9: {  	s14 =	simm.s32 $0xFFFF7800;
	s7 =	simm.s32 $0xFFFFDC00;
	[sflag:s10] =	ssyncset.done $0x0  }
.LBB2_8:
0xfa: {  	s15 =	sadd.s32 $0x16700, s7  }
0xfb: {  	[sflag:s10] =	ssyncadd.s32 $0xFFFFC000;
	s16 =	smov.u32 s14;
	s17 =	sadd.s32 $0x800, s14  }
0xfc: {  	[tilespmem:s9], [sflag:$0x2] =	stream.indirect.gather [hbm4b:s5+s8], $0x80, s15, s8, $0xb8;
	[tilespmem:$0x1E800] =	vst v63  }
0xfd: {  	p0 =	sne.s32 s14, $0xFFFFF800;
	_ =	swait.ge [sflag:s12], $0x4000  }
0xfe: {  	[sflag:s12] =	ssyncset.done $0x0  }
0xff: {  	s14 =	sadd.s32 $0x16680, s7;
	[sflag:s12] =	ssyncadd.s32 $0xFFFFC000  }
0x100: {  	[spmem:s2] =	stream.indirect.scatter.add.f32 [tilespmem:s11], [sflag:$0x3], $0x80, s14, s8, $0xb8;
	[tilespmem:$0x1E800] =	vst v63  }
0x101: {  	_ =	swait.ge [sflag:s10], $0x4000  }
0x102: {  	[sflag:s10] =	ssyncset.done $0x0  }
0x103: {  	s14 =	sadd.s32 $0x16800, s7;
	[sflag:s10] =	ssyncadd.s32 $0xFFFFC000  }
0x104: {  	[tilespmem:s11], [sflag:$0x1] =	stream.indirect.gather [hbm4b:s5+s8], $0x80, s14, s8, $0xb8;
	[tilespmem:$0x1E800] =	vst v63  }
0x105: {  	_ =	swait.ge [sflag:s13], $0x4000  }
.Ltmp4:
0x106: {  	[sflag:s13] =	ssyncset.done $0x0;
	(pc) =	sbr.rel @p0 .LBB2_8-.Ltmp4, $4  }
0x107: {  	s7 =	sadd.s32 $0x16780, s7;
	[sflag:s13] =	ssyncadd.s32 $0xFFFFC000  }
0x108: {  	[spmem:s2] =	stream.indirect.scatter.add.f32 [tilespmem:s9], [sflag:$0x3], $0x80, s7, s8, $0xb8;
	[tilespmem:$0x1E800] =	vst v63  }
0x109: {  	_ =	swait.ge [sflag:s10], $0x4000  }
0x10a: {  	s14 =	smov.u32 s17;
	s7 =	sshra.s32 s16, $0x2;
	[sflag:s10] =	ssyncset.done $0x0  }
0x10b: {  	s14 =	sadd.s32 $0x16700, s7;
	[sflag:s10] =	ssyncadd.s32 $0xFFFFC000  }
0x10c: {  	[tilespmem:s9], [sflag:$0x2] =	stream.indirect.gather [hbm4b:s5+s8], $0x80, s14, s8, $0xb8;
	[tilespmem:$0x1E800] =	vst v63  }
0x10d: {  	_ =	swait.ge [sflag:s12], $0x4000  }
0x10e: {  	[sflag:s12] =	ssyncset.done $0x0  }
0x10f: {  	s19 =	sadd.s32 $0x16680, s7;
	[sflag:s12] =	ssyncadd.s32 $0xFFFFC000  }
0x110: {  	[spmem:s2] =	stream.indirect.scatter.add.f32 [tilespmem:s11], [sflag:$0x3], $0x80, s19, s8, $0xb8;
	[tilespmem:$0x1E800] =	vst v63  }
0x111: {  	_ =	swait.ge [sflag:s10], $0x4000  }
0x112: {  	[sflag:s10] =	ssyncset.done $0x0  }
0x113: {  	s20 =	sadd.s32 $0x16800, s7;
	[sflag:s10] =	ssyncadd.s32 $0xFFFFC000  }
0x114: {  	[tilespmem:s11], [sflag:$0x1] =	stream.indirect.gather [hbm4b:s5+s8], $0x80, s20, s8, $0xb8;
	[tilespmem:$0x1E800] =	vst v63  }
0x115: {  	_ =	swait.ge [sflag:s13], $0x4000  }
0x116: {  	[sflag:s13] =	ssyncset.done $0x0  }
0x117: {  	s21 =	sadd.s32 $0x16780, s7;
	[sflag:s13] =	ssyncadd.s32 $0xFFFFC000  }
0x118: {  	[spmem:s2] =	stream.indirect.scatter.add.f32 [tilespmem:s9], [sflag:$0x3], $0x80, s21, s8, $0xb8;
	[tilespmem:$0x1E800] =	vst v63  }
0x119: {  	_ =	swait.ge [sflag:s10], $0x4000  }
0x11a: {  	s22 =	simm.s32 $0x80;
	s23 =	simm.s32 $0x16700;
	[sflag:s10] =	ssyncset.done $0x0  }
0x11b: {  	s24 =	simm.s32 $0x1A800;
	s25 =	simm.s32 $0x1;
	[sflag:s10] =	ssyncadd.s32 $0xFFFFC000  }
0x11c: {  	[tilespmem:s24], [sflag:$0x2] =	stream.indirect.gather [hbm4b:s5+s22], $0x80, s23, s22, $0xb8;
	[tilespmem:$0x1E800] =	vst v63  }
0x11d: {  	_ =	swait.ge [sflag:s25], $0x4000  }
0x11e: {  	s26 =	simm.s32 $0x16680;
	[sflag:s25] =	ssyncset.done $0x0  }
0x11f: {  	s28 =	simm.s32 $0x16800;
	s29 =	simm.s32 $0x3;
	[sflag:s25] =	ssyncadd.s32 $0xFFFFC000  }
0x120: {  	[spmem:s2] =	stream.indirect.scatter.add.f32 [tilespmem:s28], [sflag:$0x3], $0x80, s26, s22, $0xb8;
	[tilespmem:$0x1E800] =	vst v63  }
0x121: {  	_ =	swait.ge [sflag:s29], $0x4000  }
0x122: {  	[sflag:s29] =	ssyncset.done $0x0  }
0x123: {  	s30 =	simm.s32 $0x2;
	[sflag:s29] =	ssyncadd.s32 $0xFFFFC000  }
0x124: {  	_ =	swait.ge [sflag:s30], $0x4000  }
0x125: {  	[sflag:s30] =	ssyncset.done $0x0  }
0x126: {  	s31 =	simm.s32 $0x16780;
	[sflag:s30] =	ssyncadd.s32 $0xFFFFC000  }
0x127: {  	[spmem:s2] =	stream.indirect.scatter.add.f32 [tilespmem:s24], [sflag:$0x3], $0x80, s31, s22, $0xb8;
	[tilespmem:$0x1E800] =	vst v63  }
0x128: {  	_ =	swait.ge [sflag:s29], $0x4000  }
0x129: {  	[sflag:s29] =	ssyncset.done $0x0  }
0x12a: {  	[sflag:s29] =	ssyncadd.s32 $0xFFFFC000  }
0x12b: {  	[bflag:$0x0] =	sbarrier.arrive $0xFFFF  }
0x12c: {  	[hbm:s6], [sflag:s3] =	dma.local [spmem:s4], $0x2800  }
0x12d: {  	_ =	swait.ge [sflag:s29], $0x2800  }
0x12e: {  	[sflag:s29] =	ssyncset.done $0x0  }
0x12f: {  	[sflag:s29] =	ssyncadd.s32 $0xFFFFD800  }
.LBB2_10:
0x130: {  	_ =	sfence.sel $0x180000  }
0x131: {  	[bflag:$0x0] =	sbarrier.arrive $0xFFFF  }
0x132: {  	p0 =	sne.s32 s1, $0x0;
	_ =	strace $0x9000004A  }
0x133: {  	s0 =	sadd.s32 @!p0 $0x100000, s0;
	[bflag:$0x2] =	sbarrier.arrive $0xFFFF  }
0x134: {  	[sflag:s0] =	ssyncadd.tile.s32 @!p0 $0x1;
	_ =	shalt  }
.Lfunc_end2:
_tile_overlayer_lowered:
.L_overlay_start_2:
0x135: {  	(tag) =	ssettag $0x2  }
0x136: {  	s0 =	rddreg [dreg:$0x0];
	s2 =	stileid.u32  }
0x137: {  	s1 =	rddreg [dreg:$0x1];
	p0 =	sne.s32 s2, $0x0  }
0x138: {  	s3 =	rddreg [dreg:$0x2];
	[bflag:$0x3] =	sbarrier.arrive $0xFFFF;
	s2 =	simm.s32 @!p0 $0x1C03  }
0x139: {  	[timem:s3], [sflag:s2] =	dma.local @!p0 [hbm:s0], s1  }
0x13a: {  	s0 =	simm.s32 @!p0 $0x3  }
0x13b: {  	_ =	swait.ge @!p0 [sflag:s0], s1  }
0x13c: {  	s1 =	ssub.s32 @!p0 $0x0, s1;
	[sflag:s0] =	ssyncset.done @!p0 $0x0  }
0x13d: {  	[sflag:s0] =	ssyncadd.s32 @!p0 s1  }
0x13e: {  	[bflag:$0x3] =	sbarrier.arrive $0xFFFF  }
0x13f: {  	_ =	shalt  }

// kernel: kernel.14.cloned.1.call-start
scs
__scs_entry_jumppad:
0x0: {  	(pc) =	sbr.rel $0x88, $3  }
0x1: {  	(tag) =	ssettag $0x0;
	lr =	simm.s32 $0x1  }
0x2: {  	[smem:$0x3F99] =	sst lr;
	_ =	strace $0xD0000000  }
0x3: {  	_ = 	snop  }
0x4: {  	_ = 	snop  }
0x5: {  	_ = 	snop  }
0x6: {  	_ = 	snop  }
0x7: {  	_ = 	snop  }
__scs_overlays_trampoline_lowered:
0x8: {  	[smem:$0x3FA8] =	sst s0  }
0x9: {  	[smem:$0x3FA9] =	sst s1  }
0xa: {  	[smem:$0x3FAA] =	sst s2  }
0xb: {  	[smem:$0x3FAB] =	sst s3  }
0xc: {  	[smem:$0x3FAC] =	sst s4  }
0xd: {  	[smem:$0x3FAD] =	sst s5  }
0xe: {  	[smem:$0x3FAE] =	sst s6  }
0xf: {  	[smem:$0x3FAF] =	sst s7  }
0x10: {  	[smem:$0x3FB0] =	sst s8  }
0x11: {  	[smem:$0x3FB1] =	sst s9;
	s0 =	simm.s32 @!p0 $0x0  }
0x12: {  	s1 =	sld [smem:$0x3F97];
	s0 =	simm.s32 @p0 $0x1  }
0x13: {  	[smem:$0x3FB2] =	sst s0;
	s0 =	simm.s32 @!p1 $0x0  }
0x14: {  	s2 =	sld [smem:$0x3F96];
	s0 =	simm.s32 @p1 $0x1  }
0x15: {  	[smem:$0x3FB3] =	sst s0;
	s0 =	simm.s32 @!p2 $0x0  }
0x16: {  	s3 =	sld [smem:$0x3FDB];
	s0 =	simm.s32 @p2 $0x1  }
0x17: {  	s4 =	simm.s32 $0x1BF5;
	[smem:$0x3FB5] =	sst s0  }
0x18: {  	s0 =	sld [smem:$0x3F98];
	_ =	swait.ge [sflag:s4], $0x0  }
0x19: {  	s7 =	sld [smem:$0x3F99]  }
0x1a: {  	s8 =	sadd.s32 $0xFFFFE003, lr  }
0x1b: {  	s9 =	sadd.s32 $0xFFFFFEF7, lr;
	s5 =	simm.s32 $0xFFFFFFFF;
	p2 =	slt.u32 s8, $0xFFFFF086  }
0x1c: {  	p1 =	slt.u32 s9, $0xF7A;
	s5 =	simm.s32 @!p2 $0x0  }
0x1d: {  	s5 =	simm.s32 @p1 $0x1;
	p0 =	seq.s32 s7, s2  }
0x1e: {  	s7 =	smul.u32 @!p0 $0xF7A, s2;
	p2 =	seq.s32 @!p0 s5, $0x0  }
0x1f: {  	s9 =	smul.u32 $0xF7A, s1;
	s8 =	simm.s32 @!p0 $0x1BF5;
	p2 =	por !p2, p0  }
0x20: {  	[sflag:s8] =	ssyncset.s32 @!p0 $0xFFFFF086;
	s6 =	sadd.s32 @!p0 s3, s7;
	s7 =	simm.s32 @!p0 $0x108  }
0x21: {  	s3 =	sadd.s32 s3, s9;
	s6 =	sadd.s32 @!p0 $0x88, s6;
	s7 =	simm.s32 @p2 $0x1082  }
0x22: {  	[simem:s7], [sflag:s8] =	dma.local @!p0 [hbm:s6], $0xF7A  }
0x23: {  	s9 =	sor.u32 $0xD0000000, s2;
	s6 =	simm.s32 $0x108;
	_ =	swait.ge @!p0 [sflag:s8], $0x0  }
0x24: {  	s3 =	sadd.s32 $0x88, s3;
	s6 =	simm.s32 @!p1 $0x1082;
	[sflag:s4] =	ssyncset.s32 $0xFFFFF086  }
0x25: {  	[simem:s6], [sflag:s4] =	dma.local [hbm:s3], $0xF7A  }
0x26: {  	[smem:$0x3F99] =	sst s1;
	(tag) =	ssettag s2;
	_ =	strace s9  }
0x27: {  	s1 =	sld [smem:$0x3FA9]  }
0x28: {  	s2 =	sld [smem:$0x3FAA]  }
0x29: {  	s4 =	sld [smem:$0x3FAC]  }
0x2a: {  	p0 =	seq.s32 s5, $0x0;
	s5 =	sld [smem:$0x3FAD]  }
0x2b: {  	s6 =	sld [smem:$0x3FAE]  }
0x2c: {  	s7 =	sld [smem:$0x3FAF]  }
0x2d: {  	s3 =	simm.s32 $0x108;
	s8 =	sld [smem:$0x3FB0]  }
0x2e: {  	s3 =	simm.s32 @!p0 $0x1082;
	s9 =	sld [smem:$0x3FB1]  }
0x2f: {  	lr =	sadd.s32 s0, s3;
	s0 =	sld [smem:$0x3FA8]  }
0x30: {  	s3 =	sld [smem:$0x3FAB]  }
0x31: {  	[smem:$0x3FB4] =	sst s10  }
0x32: {  	s10 =	sld [smem:$0x3FB2];
	_ =	sdelay $0x3  }
0x33: {  	p0 =	seq.s32 s10, $0x1;
	s10 =	sld [smem:$0x3FB4];
	_ =	sdelay $0x3  }
0x34: {  	[smem:$0x3FB4] =	sst s10  }
0x35: {  	s10 =	sld [smem:$0x3FB3];
	_ =	sdelay $0x3  }
0x36: {  	p1 =	seq.s32 s10, $0x1;
	s10 =	sld [smem:$0x3FB4];
	_ =	sdelay $0x3  }
0x37: {  	[smem:$0x3FB4] =	sst s10  }
0x38: {  	s10 =	sld [smem:$0x3FB5]  }
0x39: {  	_ = 	snop;
	(pc) =	sbr.ind lr, $3  }
0x3a: {  	_ = 	snop  }
0x3b: {  	_ = 	snop  }
0x3c: {  	p2 =	seq.s32 s10, $0x1;
	s10 =	sld [smem:$0x3FB4]  }
0x3d: {  	_ =	shalt  }
0x3e: {  	_ =	shalt  }
0x3f: {  	_ =	shalt  }
0x40: {  	_ =	shalt  }
0x41: {  	_ =	shalt  }
0x42: {  	_ =	shalt  }
0x43: {  	_ =	shalt  }
0x44: {  	_ =	shalt  }
0x45: {  	_ =	shalt  }
0x46: {  	_ =	shalt  }
0x47: {  	_ =	shalt  }
0x48: {  	_ =	shalt  }
0x49: {  	_ =	shalt  }
0x4a: {  	_ =	shalt  }
0x4b: {  	_ =	shalt  }
0x4c: {  	_ =	shalt  }
0x4d: {  	_ =	shalt  }
0x4e: {  	_ =	shalt  }
0x4f: {  	_ =	shalt  }
0x50: {  	_ =	shalt  }
0x51: {  	_ =	shalt  }
0x52: {  	_ =	shalt  }
0x53: {  	_ =	shalt  }
0x54: {  	_ =	shalt  }
0x55: {  	_ =	shalt  }
0x56: {  	_ =	shalt  }
0x57: {  	_ =	shalt  }
0x58: {  	_ =	shalt  }
0x59: {  	_ =	shalt  }
0x5a: {  	_ =	shalt  }
0x5b: {  	_ =	shalt  }
0x5c: {  	_ =	shalt  }
0x5d: {  	_ =	shalt  }
0x5e: {  	_ =	shalt  }
0x5f: {  	_ =	shalt  }
0x60: {  	_ =	shalt  }
0x61: {  	_ =	shalt  }
0x62: {  	_ =	shalt  }
0x63: {  	_ =	shalt  }
0x64: {  	_ =	shalt  }
0x65: {  	_ =	shalt  }
0x66: {  	_ =	shalt  }
0x67: {  	_ =	shalt  }
0x68: {  	_ =	shalt  }
0x69: {  	_ =	shalt  }
0x6a: {  	_ =	shalt  }
0x6b: {  	_ =	shalt  }
0x6c: {  	_ =	shalt  }
0x6d: {  	_ =	shalt  }
0x6e: {  	_ =	shalt  }
0x6f: {  	_ =	shalt  }
0x70: {  	_ =	shalt  }
0x71: {  	_ =	shalt  }
0x72: {  	_ =	shalt  }
0x73: {  	_ =	shalt  }
0x74: {  	_ =	shalt  }
0x75: {  	_ =	shalt  }
0x76: {  	_ =	shalt  }
0x77: {  	_ =	shalt  }
0x78: {  	_ =	shalt  }
0x79: {  	_ =	shalt  }
0x7a: {  	_ =	shalt  }
0x7b: {  	_ =	shalt  }
0x7c: {  	_ =	shalt  }
0x7d: {  	_ =	shalt  }
0x7e: {  	_ =	shalt  }
0x7f: {  	_ =	shalt  }
0x80: {  	_ =	shalt  }
0x81: {  	_ =	shalt  }
0x82: {  	_ =	shalt  }
0x83: {  	_ =	shalt  }
0x84: {  	_ =	shalt  }
0x85: {  	_ =	shalt  }
0x86: {  	_ =	shalt  }
0x87: {  	_ =	shalt  }
.Lfunc_end0:
.L_simem_size_0:
called_computation.2_lowered:
.L_overlay_start_0:
0x88: {  	s2 =	sld [smem:$0x3FD9]  }
0x89: {  	s3 =	sld [smem:$0x3FFE];
	_ =	sdelay $0x1  }
0x8a: {  	s1 =	srdreg.scid  }
0x8b: {  	s0 =	sand.u32 $0x1, s1  }
0x8c: {  	s16 =	sshll.u32 s0, $0xA;
	s2 =	sadd.s32 s3, s2  }
0x8d: {  	s2 =	sadd.s32 s2, s16  }
0x8e: {  	[smem:$0x3FC0] =	sst s2  }
0x8f: {  	_ = 	snop  }
0x90: {  	(tm) =	ssettm $0x1  }
0x91: {  	s17 =	sld [smem:$0x3FFB];
	_ =	sdelay $0x3  }
0x92: {  	_ =	strace s17  }
0x93: {  	s2 =	sld [smem:$0x3FFC];
	_ =	sdelay $0x3  }
0x94: {  	_ =	strace s2  }
0x95: {  	s2 =	sld [smem:$0x3FFD];
	_ =	sdelay $0x3  }
0x96: {  	_ =	strace s2  }
0x97: {  	_ =	strace $0x8FFFFFFF  }
0x98: {  	s18 =	sld [smem:$0x3FDB];
	_ =	sdelay $0x1  }
0x99: {  	s19 =	simm.s32 $_scs_section_size  }
0x9a: {  	s4 =	simm.s32 $_size__tile_overlayer_lowered;
	s5 =	simm.s32 $_tile_overlayer_lowered  }
0x9b: {  	s22 =	simm.s32 $0x1BFF;
	s21 =	sshll.u32 s5, $0x1;
	s2 =	sadd.s32 s19, s18  }
0x9c: {  	s6 =	simm.s32 $0x0;
	s20 =	sshll.u32 s4, $0x1;
	s4 =	sadd.s32 s21, s2  }
0x9d: {  	[timem:s6], [sflag:s22] =	dma.local [hbm:s4], s20  }
0x9e: {  	_ =	swait.ge [sflag:s22], s20  }
0x9f: {  	s3 =	ssub.s32 $0x0, s20;
	[sflag:s22] =	ssyncset.done $0x0  }
0xa0: {  	[sflag:s22] =	ssyncadd.s32 s3;
	_ =	sdelay $0x1  }
0xa1: {  	s23 =	simm.s32 $0x1B8B  }
0xa2: {  	_ =	swait.ge [sflag:s23], $0x1  }
0xa3: {  	[sflag:s23] =	ssyncset.done $0x0  }
0xa4: {  	s25 =	simm.s32 $0x1B8E;
	s24 =	sld [smem:$0x3FFE];
	[sflag:s23] =	ssyncadd.s32 $0xFFFFFFFF  }
0xa5: {  	s26 =	simm.s32 $execute0_lowered;
	[smem:$0x3FD2] =	sst s25  }
0xa6: {  	s4 =	sshll.u32 s26, $0x1;
	_ =	strace $0x8000004C;
	[dreg:$0x1] =	wrdreg $0xFFFFFFFF  }
0xa7: {  	s28 =	simm.s32 $_size_execute0_lowered;
	s2 =	sadd.s32 s2, s4;
	[dreg:$0x0] =	wrdreg $0x0  }
0xa8: {  	s4 =	sshll.u32 s28, $0x1;
	[dreg:$0x2] =	wrdreg s2  }
0xa9: {  	[dreg:$0x3] =	wrdreg s4  }
0xaa: {  	[dreg:$0x4] =	wrdreg $0xC0  }
0xab: {  	_ =	task [dreg:s6], $0x5FFFF  }
0xac: {  	[dreg:$0x1] =	wrdreg $0xFFFFFFFF  }
0xad: {  	[dreg:$0x0] =	wrdreg $0x60  }
0xae: {  	[dreg:$0x2] =	wrdreg s24  }
0xaf: {  	[dreg:$0x3] =	wrdreg $0x0  }
0xb0: {  	[dreg:$0x4] =	wrdreg $0x9  }
0xb1: {  	_ =	task.clear_ibuf [dreg:s6], $0x5FFFF;
	_ =	strace $0x9000004C  }
0xb2: {  	s29 =	simm.s32 $0x9;
	_ =	strace $0x8000004E  }
0xb3: {  	_ =	swait.ge [sflag:s29], $0x1  }
0xb4: {  	[sflag:s29] =	ssyncadd.s32 $0xFFFFFFFF  }
0xb5: {  	_ =	strace $0x9000004E  }
0xb6: {  	_ =	sfence  }
0xb7: {  	s30 =	sld [smem:$0x0];
	_ =	sdelay $0x2  }
0xb8: {  	s31 =	sshll.u32 s1, $0xD;
	s1 =	sshrl.u32 s1, $0x2  }
0xb9: {  	s3 =	sand.u32 $0x4000, s31;
	s1 =	sadd.s32 s1, s30  }
0xba: {  	s0 =	sor.u32 s3, s0;
	s1 =	sshll.u32 s1, $0x11  }
0xbb: {  	s0 =	sor.u32 s1, s0  }
0xbc: {  	s0 =	sadd.s32 $0x8F2B, s0  }
0xbd: {  	[sflag:s0] =	ssyncadd.remote.s32 $0x1  }
0xbe: {  	_ =	sfence.sel $0xFFFF  }
0xbf: {  	[dreg:$0x0] =	wrdreg $0xFFFFFFFF;
	(pc) =	sbr.abs _section_cstart, $3  }
0xc0: {  	[dreg:$0x1] =	wrdreg $0xFFFFFFFF  }
0xc1: {  	_ =	task.clear_ibuf [dreg:s6], $0x2FFFF;
	_ =	strace $0x9FFFFFFF  }
0xc2: {  	(tm) =	ssettm $0x7FFFFFFF  }
0xc3: {  	_ =	shalt  }
tec
execute0_lowered:
.L_overlay_start_1:
0x0: {  	(tag) =	ssettag $0x1  }
0x1: {  	s1 =	srdreg.scid  }
0x2: {  	s1 =	sand.u32 $0x1, s1  }
0x3: {  	p0 =	seq.s32 s1, $0x1  }
.Ltmp0:
0x4: {  	_ = 	snop;
	(pc) =	sbr.rel @p0 .LBB2_10-.Ltmp0, $4  }
0x5: {  	s6 =	rddreg [dreg:$0x0]  }
0x6: {  	s2 =	rddreg [dreg:$0x1];
	s7 =	simm.s32 $0x0  }
0x7: {  	[smem:$0x7FF] =	sst s7  }
0x8: {  	s0 =	rddreg [dreg:$0x2];
	_ =	strace $0x8000004D;
	s1 =	stileid.u32  }
0x9: {  	s3 =	smul.u32 $0x50000, s1;
	_ =	sdelay $0x1  }
0xa: {  	s8 =	smul.u32 $0x2800, s1;
	s3 =	sshrl.u32 s3, $0x2  }
0xb: {  	s5 =	sadd.s32 $0x16400, s6;
	s26 =	sshll.u32 s1, $0x6;
	s4 =	sadd.s32 s3, s2  }
0xc: {  	s9 =	sadd.s32 s5, s8;
	s3 =	sor.u32 $0x1C03, s26;
	s4 =	sshrl.u32 s4, $0x3  }
0xd: {  	[spmem:s4], [sflag:s3] =	dma.local [hbm:s9], $0x2800  }
0xe: {  	s9 =	simm.s32 $0x3  }
0xf: {  	_ =	swait.ge [sflag:s9], $0x2800  }
0x10: {  	s10 =	smul.u32 $0x1400, s1;
	[sflag:s9] =	ssyncset.done $0x0  }
0x11: {  	s12 =	sadd.s32 $0x2400, s6;
	[sflag:s9] =	ssyncadd.s32 $0xFFFFD800  }
0x12: {  	s11 =	simm.s32 $0x14000;
	s10 =	sadd.s32 s12, s10;
	[bflag:$0x0] =	sbarrier.arrive $0xFFFF  }
0x13: {  	[tilespmem:s11], [sflag:$0x3] =	stream.linear.gather [hbm4b:s10+s7], $0x2800, $0x38;
	[tilespmem:$0x1E800] =	vst v63  }
0x14: {  	_ =	swait.ge [sflag:s9], $0x2800  }
0x15: {  	[sflag:s9] =	ssyncset.done $0x0  }
0x16: {  	s13 =	simm.s32 $0x16800;
	s10 =	simm.s32 $0x80;
	[sflag:s9] =	ssyncadd.s32 $0xFFFFD800  }
0x17: {  	[tilespmem:s13], [sflag:$0x1] =	stream.indirect.gather [hbm4b:s5+s10], $0x80, s11, s10, $0xb8;
	[tilespmem:$0x1E800] =	vst v63  }
0x18: {  	s14 =	simm.s32 $0x1;
	s28 =	simm.s32 $0x14100;
	s11 =	simm.s32 $0x1A800  }
0x19: {  	[tilespmem:s11], [sflag:$0x2] =	stream.indirect.gather [hbm4b:s5+s10], $0x80, s28, s10, $0xb8;
	[tilespmem:$0x1E800] =	vst v63  }
0x1a: {  	_ =	swait.ge [sflag:s14], $0x4000  }
0x1b: {  	[sflag:s14] =	ssyncset.done $0x0  }
0x1c: {  	s15 =	simm.s32 $0x14080;
	[sflag:s14] =	ssyncadd.s32 $0xFFFFC000  }
0x1d: {  	[spmem:s2] =	stream.indirect.scatter.add.f32 [tilespmem:s13], [sflag:$0x3], $0x80, s15, s10, $0xb8;
	[tilespmem:$0x1E800] =	vst v63  }
0x1e: {  	_ =	swait.ge [sflag:s9], $0x4000  }
0x1f: {  	s29 =	smul.u32 $0xA000, s1;
	[sflag:s9] =	ssyncset.done $0x0  }
0x20: {  	s16 =	simm.s32 $0x14200;
	s15 =	simm.s32 $0x2;
	[sflag:s9] =	ssyncadd.s32 $0xFFFFC000  }
0x21: {  	[tilespmem:s13], [sflag:$0x1] =	stream.indirect.gather [hbm4b:s5+s10], $0x80, s16, s10, $0xb8;
	[tilespmem:$0x1E800] =	vst v63  }
0x22: {  	s31 =	simm.s32 $0x14180;
	s17 =	simm.s32 $0xFFFF7800;
	_ =	swait.ge [sflag:s15], $0x4000  }
0x23: {  	s30 =	sadd.s32 s8, s6;
	s7 =	sshrl.u32 s29, $0x3;
	[sflag:s15] =	ssyncset.done $0x0  }
0x24: {  	s6 =	sadd.s32 $0x3E400, s30;
	s7 =	sadd.s32 s12, s7;
	[sflag:s15] =	ssyncadd.s32 $0xFFFFC000  }
0x25: {  	[spmem:s2] =	stream.indirect.scatter.add.f32 [tilespmem:s11], [sflag:$0x3], $0x80, s31, s10, $0xb8;
	[tilespmem:$0x1E800] =	vst v63  }
0x26: {  	s12 =	sadd.s32 $0x500, s7;
	s8 =	sadd.s32 $0xA00, s7;
	_ =	swait.ge [sflag:s9], $0x4000  }
0x27: {  	s7 =	sadd.s32 $0xF00, s7;
	s16 =	simm.s32 $0xFFFFDC00;
	[sflag:s9] =	ssyncset.done $0x0  }
.LBB2_2:
0x28: {  	s18 =	sadd.s32 $0x16700, s16  }
0x29: {  	[sflag:s9] =	ssyncadd.s32 $0xFFFFC000;
	s19 =	smov.u32 s17;
	s20 =	sadd.s32 $0x800, s17  }
0x2a: {  	[tilespmem:s11], [sflag:$0x2] =	stream.indirect.gather [hbm4b:s5+s10], $0x80, s18, s10, $0xb8;
	[tilespmem:$0x1E800] =	vst v63  }
0x2b: {  	p0 =	sne.s32 s17, $0xFFFFF800;
	_ =	swait.ge [sflag:s14], $0x4000  }
0x2c: {  	[sflag:s14] =	ssyncset.done $0x0  }
0x2d: {  	s17 =	sadd.s32 $0x16680, s16;
	[sflag:s14] =	ssyncadd.s32 $0xFFFFC000  }
0x2e: {  	[spmem:s2] =	stream.indirect.scatter.add.f32 [tilespmem:s13], [sflag:$0x3], $0x80, s17, s10, $0xb8;
	[tilespmem:$0x1E800] =	vst v63  }
0x2f: {  	_ =	swait.ge [sflag:s9], $0x4000  }
0x30: {  	[sflag:s9] =	ssyncset.done $0x0  }
0x31: {  	s17 =	sadd.s32 $0x16800, s16;
	[sflag:s9] =	ssyncadd.s32 $0xFFFFC000  }
0x32: {  	[tilespmem:s13], [sflag:$0x1] =	stream.indirect.gather [hbm4b:s5+s10], $0x80, s17, s10, $0xb8;
	[tilespmem:$0x1E800] =	vst v63  }
0x33: {  	_ =	swait.ge [sflag:s15], $0x4000  }
.Ltmp1:
0x34: {  	[sflag:s15] =	ssyncset.done $0x0;
	(pc) =	sbr.rel @p0 .LBB2_2-.Ltmp1, $4  }
0x35: {  	s16 =	sadd.s32 $0x16780, s16;
	[sflag:s15] =	ssyncadd.s32 $0xFFFFC000  }
0x36: {  	[spmem:s2] =	stream.indirect.scatter.add.f32 [tilespmem:s11], [sflag:$0x3], $0x80, s16, s10, $0xb8;
	[tilespmem:$0x1E800] =	vst v63  }
0x37: {  	_ =	swait.ge [sflag:s9], $0x4000  }
0x38: {  	s17 =	smov.u32 s20;
	s16 =	sshra.s32 s19, $0x2;
	[sflag:s9] =	ssyncset.done $0x0  }
0x39: {  	s17 =	sadd.s32 $0x16700, s16;
	[sflag:s9] =	ssyncadd.s32 $0xFFFFC000  }
0x3a: {  	[tilespmem:s11], [sflag:$0x2] =	stream.indirect.gather [hbm4b:s5+s10], $0x80, s17, s10, $0xb8;
	[tilespmem:$0x1E800] =	vst v63  }
0x3b: {  	_ =	swait.ge [sflag:s14], $0x4000  }
0x3c: {  	[sflag:s14] =	ssyncset.done $0x0  }
0x3d: {  	s19 =	sadd.s32 $0x16680, s16;
	[sflag:s14] =	ssyncadd.s32 $0xFFFFC000  }
0x3e: {  	[spmem:s2] =	stream.indirect.scatter.add.f32 [tilespmem:s13], [sflag:$0x3], $0x80, s19, s10, $0xb8;
	[tilespmem:$0x1E800] =	vst v63  }
0x3f: {  	_ =	swait.ge [sflag:s9], $0x4000  }
0x40: {  	[sflag:s9] =	ssyncset.done $0x0  }
0x41: {  	s20 =	sadd.s32 $0x16800, s16;
	[sflag:s9] =	ssyncadd.s32 $0xFFFFC000  }
0x42: {  	[tilespmem:s13], [sflag:$0x1] =	stream.indirect.gather [hbm4b:s5+s10], $0x80, s20, s10, $0xb8;
	[tilespmem:$0x1E800] =	vst v63  }
0x43: {  	_ =	swait.ge [sflag:s15], $0x4000  }
0x44: {  	[sflag:s15] =	ssyncset.done $0x0  }
0x45: {  	s21 =	sadd.s32 $0x16780, s16;
	[sflag:s15] =	ssyncadd.s32 $0xFFFFC000  }
0x46: {  	[spmem:s2] =	stream.indirect.scatter.add.f32 [tilespmem:s11], [sflag:$0x3], $0x80, s21, s10, $0xb8;
	[tilespmem:$0x1E800] =	vst v63  }
0x47: {  	_ =	swait.ge [sflag:s9], $0x4000  }
0x48: {  	s22 =	simm.s32 $0x16700;
	s14 =	simm.s32 $0x1;
	[sflag:s9] =	ssyncset.done $0x0  }
0x49: {  	s10 =	simm.s32 $0x1A800;
	[sflag:s9] =	ssyncadd.s32 $0xFFFFC000;
	s9 =	simm.s32 $0x80  }
0x4a: {  	[tilespmem:s10], [sflag:$0x2] =	stream.indirect.gather [hbm4b:s5+s9], $0x80, s22, s9, $0xb8;
	[tilespmem:$0x1E800] =	vst v63  }
0x4b: {  	_ =	swait.ge [sflag:s14], $0x4000  }
0x4c: {  	s23 =	simm.s32 $0x16680;
	[sflag:s14] =	ssyncset.done $0x0  }
0x4d: {  	s13 =	simm.s32 $0x16800;
	s11 =	simm.s32 $0x3;
	[sflag:s14] =	ssyncadd.s32 $0xFFFFC000  }
0x4e: {  	[spmem:s2] =	stream.indirect.scatter.add.f32 [tilespmem:s13], [sflag:$0x3], $0x80, s23, s9, $0xb8;
	[tilespmem:$0x1E800] =	vst v63  }
0x4f: {  	_ =	swait.ge [sflag:s11], $0x4000  }
0x50: {  	[sflag:s11] =	ssyncset.done $0x0  }
0x51: {  	s15 =	simm.s32 $0x2;
	[sflag:s11] =	ssyncadd.s32 $0xFFFFC000  }
0x52: {  	_ =	swait.ge [sflag:s15], $0x4000  }
0x53: {  	[sflag:s15] =	ssyncset.done $0x0  }
0x54: {  	s24 =	simm.s32 $0x16780;
	[sflag:s15] =	ssyncadd.s32 $0xFFFFC000  }
0x55: {  	[spmem:s2] =	stream.indirect.scatter.add.f32 [tilespmem:s10], [sflag:$0x3], $0x80, s24, s9, $0xb8;
	[tilespmem:$0x1E800] =	vst v63  }
0x56: {  	_ =	swait.ge [sflag:s11], $0x4000  }
0x57: {  	[sflag:s11] =	ssyncset.done $0x0  }
0x58: {  	s25 =	simm.s32 $0x0;
	s26 =	simm.s32 $0x14000;
	[sflag:s11] =	ssyncadd.s32 $0xFFFFC000  }
0x59: {  	[tilespmem:s26], [sflag:$0x3] =	stream.linear.gather [hbm4b:s12+s25], $0x2800, $0x38;
	[tilespmem:$0x1E800] =	vst v63  }
0x5a: {  	_ =	swait.ge [sflag:s11], $0x2800  }
0x5b: {  	[sflag:s11] =	ssyncset.done $0x0  }
0x5c: {  	[sflag:s11] =	ssyncadd.s32 $0xFFFFD800  }
0x5d: {  	[tilespmem:s13], [sflag:$0x1] =	stream.indirect.gather [hbm4b:s5+s9], $0x80, s26, s9, $0xb8;
	[tilespmem:$0x1E800] =	vst v63  }
0x5e: {  	s28 =	simm.s32 $0x14100  }
0x5f: {  	[tilespmem:s10], [sflag:$0x2] =	stream.indirect.gather [hbm4b:s5+s9], $0x80, s28, s9, $0xb8;
	[tilespmem:$0x1E800] =	vst v63  }
0x60: {  	_ =	swait.ge [sflag:s14], $0x4000  }
0x61: {  	[sflag:s14] =	ssyncset.done $0x0  }
0x62: {  	s29 =	simm.s32 $0x14080;
	[sflag:s14] =	ssyncadd.s32 $0xFFFFC000  }
0x63: {  	[spmem:s2] =	stream.indirect.scatter.add.f32 [tilespmem:s13], [sflag:$0x3], $0x80, s29, s9, $0xb8;
	[tilespmem:$0x1E800] =	vst v63  }
0x64: {  	_ =	swait.ge [sflag:s11], $0x4000  }
0x65: {  	[sflag:s11] =	ssyncset.done $0x0  }
0x66: {  	s30 =	simm.s32 $0x14200;
	[sflag:s11] =	ssyncadd.s32 $0xFFFFC000  }
0x67: {  	[tilespmem:s13], [sflag:$0x1] =	stream.indirect.gather [hbm4b:s5+s9], $0x80, s30, s9, $0xb8;
	[tilespmem:$0x1E800] =	vst v63  }
0x68: {  	_ =	swait.ge [sflag:s15], $0x4000  }
0x69: {  	[sflag:s15] =	ssyncset.done $0x0  }
0x6a: {  	s31 =	simm.s32 $0x14180;
	[sflag:s15] =	ssyncadd.s32 $0xFFFFC000  }
0x6b: {  	[spmem:s2] =	stream.indirect.scatter.add.f32 [tilespmem:s10], [sflag:$0x3], $0x80, s31, s9, $0xb8;
	[tilespmem:$0x1E800] =	vst v63  }
0x6c: {  	_ =	swait.ge [sflag:s11], $0x4000  }
0x6d: {  	s16 =	simm.s32 $0xFFFF7800;
	s12 =	simm.s32 $0xFFFFDC00;
	[sflag:s11] =	ssyncset.done $0x0  }
.LBB2_4:
0x6e: {  	s17 =	sadd.s32 $0x16700, s12  }
0x6f: {  	[sflag:s11] =	ssyncadd.s32 $0xFFFFC000;
	s18 =	smov.u32 s16;
	s19 =	sadd.s32 $0x800, s16  }
0x70: {  	[tilespmem:s10], [sflag:$0x2] =	stream.indirect.gather [hbm4b:s5+s9], $0x80, s17, s9, $0xb8;
	[tilespmem:$0x1E800] =	vst v63  }
0x71: {  	p0 =	sne.s32 s16, $0xFFFFF800;
	_ =	swait.ge [sflag:s14], $0x4000  }
0x72: {  	[sflag:s14] =	ssyncset.done $0x0  }
0x73: {  	s16 =	sadd.s32 $0x16680, s12;
	[sflag:s14] =	ssyncadd.s32 $0xFFFFC000  }
0x74: {  	[spmem:s2] =	stream.indirect.scatter.add.f32 [tilespmem:s13], [sflag:$0x3], $0x80, s16, s9, $0xb8;
	[tilespmem:$0x1E800] =	vst v63  }
0x75: {  	_ =	swait.ge [sflag:s11], $0x4000  }
0x76: {  	[sflag:s11] =	ssyncset.done $0x0  }
0x77: {  	s16 =	sadd.s32 $0x16800, s12;
	[sflag:s11] =	ssyncadd.s32 $0xFFFFC000  }
0x78: {  	[tilespmem:s13], [sflag:$0x1] =	stream.indirect.gather [hbm4b:s5+s9], $0x80, s16, s9, $0xb8;
	[tilespmem:$0x1E800] =	vst v63  }
0x79: {  	_ =	swait.ge [sflag:s15], $0x4000  }
.Ltmp2:
0x7a: {  	[sflag:s15] =	ssyncset.done $0x0;
	(pc) =	sbr.rel @p0 .LBB2_4-.Ltmp2, $4  }
0x7b: {  	s12 =	sadd.s32 $0x16780, s12;
	[sflag:s15] =	ssyncadd.s32 $0xFFFFC000  }
0x7c: {  	[spmem:s2] =	stream.indirect.scatter.add.f32 [tilespmem:s10], [sflag:$0x3], $0x80, s12, s9, $0xb8;
	[tilespmem:$0x1E800] =	vst v63  }
0x7d: {  	_ =	swait.ge [sflag:s11], $0x4000  }
0x7e: {  	s16 =	smov.u32 s19;
	s12 =	sshra.s32 s18, $0x2;
	[sflag:s11] =	ssyncset.done $0x0  }
0x7f: {  	s16 =	sadd.s32 $0x16700, s12;
	[sflag:s11] =	ssyncadd.s32 $0xFFFFC000  }
0x80: {  	[tilespmem:s10], [sflag:$0x2] =	stream.indirect.gather [hbm4b:s5+s9], $0x80, s16, s9, $0xb8;
	[tilespmem:$0x1E800] =	vst v63  }
0x81: {  	_ =	swait.ge [sflag:s14], $0x4000  }
0x82: {  	[sflag:s14] =	ssyncset.done $0x0  }
0x83: {  	s19 =	sadd.s32 $0x16680, s12;
	[sflag:s14] =	ssyncadd.s32 $0xFFFFC000  }
0x84: {  	[spmem:s2] =	stream.indirect.scatter.add.f32 [tilespmem:s13], [sflag:$0x3], $0x80, s19, s9, $0xb8;
	[tilespmem:$0x1E800] =	vst v63  }
0x85: {  	_ =	swait.ge [sflag:s11], $0x4000  }
0x86: {  	[sflag:s11] =	ssyncset.done $0x0  }
0x87: {  	s20 =	sadd.s32 $0x16800, s12;
	[sflag:s11] =	ssyncadd.s32 $0xFFFFC000  }
0x88: {  	[tilespmem:s13], [sflag:$0x1] =	stream.indirect.gather [hbm4b:s5+s9], $0x80, s20, s9, $0xb8;
	[tilespmem:$0x1E800] =	vst v63  }
0x89: {  	_ =	swait.ge [sflag:s15], $0x4000  }
0x8a: {  	[sflag:s15] =	ssyncset.done $0x0  }
0x8b: {  	s21 =	sadd.s32 $0x16780, s12;
	[sflag:s15] =	ssyncadd.s32 $0xFFFFC000  }
0x8c: {  	[spmem:s2] =	stream.indirect.scatter.add.f32 [tilespmem:s10], [sflag:$0x3], $0x80, s21, s9, $0xb8;
	[tilespmem:$0x1E800] =	vst v63  }
0x8d: {  	_ =	swait.ge [sflag:s11], $0x4000  }
0x8e: {  	s22 =	simm.s32 $0x16700;
	s13 =	simm.s32 $0x1;
	[sflag:s11] =	ssyncset.done $0x0  }
0x8f: {  	s9 =	simm.s32 $0x80;
	s10 =	simm.s32 $0x1A800;
	[sflag:s11] =	ssyncadd.s32 $0xFFFFC000  }
0x90: {  	[tilespmem:s10], [sflag:$0x2] =	stream.indirect.gather [hbm4b:s5+s9], $0x80, s22, s9, $0xb8;
	[tilespmem:$0x1E800] =	vst v63  }
0x91: {  	_ =	swait.ge [sflag:s13], $0x4000  }
0x92: {  	s23 =	simm.s32 $0x16680;
	[sflag:s13] =	ssyncset.done $0x0  }
0x93: {  	s12 =	simm.s32 $0x16800;
	s11 =	simm.s32 $0x3;
	[sflag:s13] =	ssyncadd.s32 $0xFFFFC000  }
0x94: {  	[spmem:s2] =	stream.indirect.scatter.add.f32 [tilespmem:s12], [sflag:$0x3], $0x80, s23, s9, $0xb8;
	[tilespmem:$0x1E800] =	vst v63  }
0x95: {  	_ =	swait.ge [sflag:s11], $0x4000  }
0x96: {  	[sflag:s11] =	ssyncset.done $0x0  }
0x97: {  	s14 =	simm.s32 $0x2;
	[sflag:s11] =	ssyncadd.s32 $0xFFFFC000  }
0x98: {  	_ =	swait.ge [sflag:s14], $0x4000  }
0x99: {  	[sflag:s14] =	ssyncset.done $0x0  }
0x9a: {  	s24 =	simm.s32 $0x16780;
	[sflag:s14] =	ssyncadd.s32 $0xFFFFC000  }
0x9b: {  	[spmem:s2] =	stream.indirect.scatter.add.f32 [tilespmem:s10], [sflag:$0x3], $0x80, s24, s9, $0xb8;
	[tilespmem:$0x1E800] =	vst v63  }
0x9c: {  	_ =	swait.ge [sflag:s11], $0x4000  }
0x9d: {  	[sflag:s11] =	ssyncset.done $0x0  }
0x9e: {  	s25 =	simm.s32 $0x0;
	s26 =	simm.s32 $0x14000;
	[sflag:s11] =	ssyncadd.s32 $0xFFFFC000  }
0x9f: {  	[tilespmem:s26], [sflag:$0x3] =	stream.linear.gather [hbm4b:s8+s25], $0x2800, $0x38;
	[tilespmem:$0x1E800] =	vst v63  }
0xa0: {  	_ =	swait.ge [sflag:s11], $0x2800  }
0xa1: {  	[sflag:s11] =	ssyncset.done $0x0  }
0xa2: {  	[sflag:s11] =	ssyncadd.s32 $0xFFFFD800  }
0xa3: {  	[tilespmem:s12], [sflag:$0x1] =	stream.indirect.gather [hbm4b:s5+s9], $0x80, s26, s9, $0xb8;
	[tilespmem:$0x1E800] =	vst v63  }
0xa4: {  	s28 =	simm.s32 $0x14100  }
0xa5: {  	[tilespmem:s10], [sflag:$0x2] =	stream.indirect.gather [hbm4b:s5+s9], $0x80, s28, s9, $0xb8;
	[tilespmem:$0x1E800] =	vst v63  }
0xa6: {  	_ =	swait.ge [sflag:s13], $0x4000  }
0xa7: {  	[sflag:s13] =	ssyncset.done $0x0  }
0xa8: {  	s29 =	simm.s32 $0x14080;
	[sflag:s13] =	ssyncadd.s32 $0xFFFFC000  }
0xa9: {  	[spmem:s2] =	stream.indirect.scatter.add.f32 [tilespmem:s12], [sflag:$0x3], $0x80, s29, s9, $0xb8;
	[tilespmem:$0x1E800] =	vst v63  }
0xaa: {  	_ =	swait.ge [sflag:s11], $0x4000  }
0xab: {  	[sflag:s11] =	ssyncset.done $0x0  }
0xac: {  	s30 =	simm.s32 $0x14200;
	[sflag:s11] =	ssyncadd.s32 $0xFFFFC000  }
0xad: {  	[tilespmem:s12], [sflag:$0x1] =	stream.indirect.gather [hbm4b:s5+s9], $0x80, s30, s9, $0xb8;
	[tilespmem:$0x1E800] =	vst v63  }
0xae: {  	_ =	swait.ge [sflag:s14], $0x4000  }
0xaf: {  	[sflag:s14] =	ssyncset.done $0x0  }
0xb0: {  	s31 =	simm.s32 $0x14180;
	[sflag:s14] =	ssyncadd.s32 $0xFFFFC000  }
0xb1: {  	[spmem:s2] =	stream.indirect.scatter.add.f32 [tilespmem:s10], [sflag:$0x3], $0x80, s31, s9, $0xb8;
	[tilespmem:$0x1E800] =	vst v63  }
0xb2: {  	_ =	swait.ge [sflag:s11], $0x4000  }
0xb3: {  	s15 =	simm.s32 $0xFFFF7800;
	s8 =	simm.s32 $0xFFFFDC00;
	[sflag:s11] =	ssyncset.done $0x0  }
.LBB2_6:
0xb4: {  	s16 =	sadd.s32 $0x16700, s8  }
0xb5: {  	[sflag:s11] =	ssyncadd.s32 $0xFFFFC000;
	s17 =	smov.u32 s15;
	s18 =	sadd.s32 $0x800, s15  }
0xb6: {  	[tilespmem:s10], [sflag:$0x2] =	stream.indirect.gather [hbm4b:s5+s9], $0x80, s16, s9, $0xb8;
	[tilespmem:$0x1E800] =	vst v63  }
0xb7: {  	p0 =	sne.s32 s15, $0xFFFFF800;
	_ =	swait.ge [sflag:s13], $0x4000  }
0xb8: {  	[sflag:s13] =	ssyncset.done $0x0  }
0xb9: {  	s15 =	sadd.s32 $0x16680, s8;
	[sflag:s13] =	ssyncadd.s32 $0xFFFFC000  }
0xba: {  	[spmem:s2] =	stream.indirect.scatter.add.f32 [tilespmem:s12], [sflag:$0x3], $0x80, s15, s9, $0xb8;
	[tilespmem:$0x1E800] =	vst v63  }
0xbb: {  	_ =	swait.ge [sflag:s11], $0x4000  }
0xbc: {  	[sflag:s11] =	ssyncset.done $0x0  }
0xbd: {  	s15 =	sadd.s32 $0x16800, s8;
	[sflag:s11] =	ssyncadd.s32 $0xFFFFC000  }
0xbe: {  	[tilespmem:s12], [sflag:$0x1] =	stream.indirect.gather [hbm4b:s5+s9], $0x80, s15, s9, $0xb8;
	[tilespmem:$0x1E800] =	vst v63  }
0xbf: {  	_ =	swait.ge [sflag:s14], $0x4000  }
.Ltmp3:
0xc0: {  	[sflag:s14] =	ssyncset.done $0x0;
	(pc) =	sbr.rel @p0 .LBB2_6-.Ltmp3, $4  }
0xc1: {  	s8 =	sadd.s32 $0x16780, s8;
	[sflag:s14] =	ssyncadd.s32 $0xFFFFC000  }
0xc2: {  	[spmem:s2] =	stream.indirect.scatter.add.f32 [tilespmem:s10], [sflag:$0x3], $0x80, s8, s9, $0xb8;
	[tilespmem:$0x1E800] =	vst v63  }
0xc3: {  	_ =	swait.ge [sflag:s11], $0x4000  }
0xc4: {  	s15 =	smov.u32 s18;
	s8 =	sshra.s32 s17, $0x2;
	[sflag:s11] =	ssyncset.done $0x0  }
0xc5: {  	s15 =	sadd.s32 $0x16700, s8;
	[sflag:s11] =	ssyncadd.s32 $0xFFFFC000  }
0xc6: {  	[tilespmem:s10], [sflag:$0x2] =	stream.indirect.gather [hbm4b:s5+s9], $0x80, s15, s9, $0xb8;
	[tilespmem:$0x1E800] =	vst v63  }
0xc7: {  	_ =	swait.ge [sflag:s13], $0x4000  }
0xc8: {  	[sflag:s13] =	ssyncset.done $0x0  }
0xc9: {  	s19 =	sadd.s32 $0x16680, s8;
	[sflag:s13] =	ssyncadd.s32 $0xFFFFC000  }
0xca: {  	[spmem:s2] =	stream.indirect.scatter.add.f32 [tilespmem:s12], [sflag:$0x3], $0x80, s19, s9, $0xb8;
	[tilespmem:$0x1E800] =	vst v63  }
0xcb: {  	_ =	swait.ge [sflag:s11], $0x4000  }
0xcc: {  	[sflag:s11] =	ssyncset.done $0x0  }
0xcd: {  	s20 =	sadd.s32 $0x16800, s8;
	[sflag:s11] =	ssyncadd.s32 $0xFFFFC000  }
0xce: {  	[tilespmem:s12], [sflag:$0x1] =	stream.indirect.gather [hbm4b:s5+s9], $0x80, s20, s9, $0xb8;
	[tilespmem:$0x1E800] =	vst v63  }
0xcf: {  	_ =	swait.ge [sflag:s14], $0x4000  }
0xd0: {  	[sflag:s14] =	ssyncset.done $0x0  }
0xd1: {  	s21 =	sadd.s32 $0x16780, s8;
	[sflag:s14] =	ssyncadd.s32 $0xFFFFC000  }
0xd2: {  	[spmem:s2] =	stream.indirect.scatter.add.f32 [tilespmem:s10], [sflag:$0x3], $0x80, s21, s9, $0xb8;
	[tilespmem:$0x1E800] =	vst v63  }
0xd3: {  	_ =	swait.ge [sflag:s11], $0x4000  }
0xd4: {  	s8 =	simm.s32 $0x80;
	s22 =	simm.s32 $0x16700;
	[sflag:s11] =	ssyncset.done $0x0  }
0xd5: {  	s12 =	simm.s32 $0x1;
	s9 =	simm.s32 $0x1A800;
	[sflag:s11] =	ssyncadd.s32 $0xFFFFC000  }
0xd6: {  	[tilespmem:s9], [sflag:$0x2] =	stream.indirect.gather [hbm4b:s5+s8], $0x80, s22, s8, $0xb8;
	[tilespmem:$0x1E800] =	vst v63  }
0xd7: {  	_ =	swait.ge [sflag:s12], $0x4000  }
0xd8: {  	s23 =	simm.s32 $0x16680;
	[sflag:s12] =	ssyncset.done $0x0  }
0xd9: {  	s10 =	simm.s32 $0x3;
	s11 =	simm.s32 $0x16800;
	[sflag:s12] =	ssyncadd.s32 $0xFFFFC000  }
0xda: {  	[spmem:s2] =	stream.indirect.scatter.add.f32 [tilespmem:s11], [sflag:$0x3], $0x80, s23, s8, $0xb8;
	[tilespmem:$0x1E800] =	vst v63  }
0xdb: {  	_ =	swait.ge [sflag:s10], $0x4000  }
0xdc: {  	[sflag:s10] =	ssyncset.done $0x0  }
0xdd: {  	s13 =	simm.s32 $0x2;
	[sflag:s10] =	ssyncadd.s32 $0xFFFFC000  }
0xde: {  	_ =	swait.ge [sflag:s13], $0x4000  }
0xdf: {  	[sflag:s13] =	ssyncset.done $0x0  }
0xe0: {  	s24 =	simm.s32 $0x16780;
	[sflag:s13] =	ssyncadd.s32 $0xFFFFC000  }
0xe1: {  	[spmem:s2] =	stream.indirect.scatter.add.f32 [tilespmem:s9], [sflag:$0x3], $0x80, s24, s8, $0xb8;
	[tilespmem:$0x1E800] =	vst v63  }
0xe2: {  	_ =	swait.ge [sflag:s10], $0x4000  }
0xe3: {  	[sflag:s10] =	ssyncset.done $0x0  }
0xe4: {  	s25 =	simm.s32 $0x0;
	s26 =	simm.s32 $0x14000;
	[sflag:s10] =	ssyncadd.s32 $0xFFFFC000  }
0xe5: {  	[tilespmem:s26], [sflag:$0x3] =	stream.linear.gather [hbm4b:s7+s25], $0x2800, $0x38;
	[tilespmem:$0x1E800] =	vst v63  }
0xe6: {  	_ =	swait.ge [sflag:s10], $0x2800  }
0xe7: {  	[sflag:s10] =	ssyncset.done $0x0  }
0xe8: {  	[sflag:s10] =	ssyncadd.s32 $0xFFFFD800  }
0xe9: {  	[tilespmem:s11], [sflag:$0x1] =	stream.indirect.gather [hbm4b:s5+s8], $0x80, s26, s8, $0xb8;
	[tilespmem:$0x1E800] =	vst v63  }
0xea: {  	s28 =	simm.s32 $0x14100  }
0xeb: {  	[tilespmem:s9], [sflag:$0x2] =	stream.indirect.gather [hbm4b:s5+s8], $0x80, s28, s8, $0xb8;
	[tilespmem:$0x1E800] =	vst v63  }
0xec: {  	_ =	swait.ge [sflag:s12], $0x4000  }
0xed: {  	[sflag:s12] =	ssyncset.done $0x0  }
0xee: {  	s29 =	simm.s32 $0x14080;
	[sflag:s12] =	ssyncadd.s32 $0xFFFFC000  }
0xef: {  	[spmem:s2] =	stream.indirect.scatter.add.f32 [tilespmem:s11], [sflag:$0x3], $0x80, s29, s8, $0xb8;
	[tilespmem:$0x1E800] =	vst v63  }
0xf0: {  	_ =	swait.ge [sflag:s10], $0x4000  }
0xf1: {  	[sflag:s10] =	ssyncset.done $0x0  }
0xf2: {  	s30 =	simm.s32 $0x14200;
	[sflag:s10] =	ssyncadd.s32 $0xFFFFC000  }
0xf3: {  	[tilespmem:s11], [sflag:$0x1] =	stream.indirect.gather [hbm4b:s5+s8], $0x80, s30, s8, $0xb8;
	[tilespmem:$0x1E800] =	vst v63  }
0xf4: {  	_ =	swait.ge [sflag:s13], $0x4000  }
0xf5: {  	[sflag:s13] =	ssyncset.done $0x0  }
0xf6: {  	s31 =	simm.s32 $0x14180;
	[sflag:s13] =	ssyncadd.s32 $0xFFFFC000  }
0xf7: {  	[spmem:s2] =	stream.indirect.scatter.add.f32 [tilespmem:s9], [sflag:$0x3], $0x80, s31, s8, $0xb8;
	[tilespmem:$0x1E800] =	vst v63  }
0xf8: {  	_ =	swait.ge [sflag:s10], $0x4000  }
0xf9: {  	s14 =	simm.s32 $0xFFFF7800;
	s7 =	simm.s32 $0xFFFFDC00;
	[sflag:s10] =	ssyncset.done $0x0  }
.LBB2_8:
0xfa: {  	s15 =	sadd.s32 $0x16700, s7  }
0xfb: {  	[sflag:s10] =	ssyncadd.s32 $0xFFFFC000;
	s16 =	smov.u32 s14;
	s17 =	sadd.s32 $0x800, s14  }
0xfc: {  	[tilespmem:s9], [sflag:$0x2] =	stream.indirect.gather [hbm4b:s5+s8], $0x80, s15, s8, $0xb8;
	[tilespmem:$0x1E800] =	vst v63  }
0xfd: {  	p0 =	sne.s32 s14, $0xFFFFF800;
	_ =	swait.ge [sflag:s12], $0x4000  }
0xfe: {  	[sflag:s12] =	ssyncset.done $0x0  }
0xff: {  	s14 =	sadd.s32 $0x16680, s7;
	[sflag:s12] =	ssyncadd.s32 $0xFFFFC000  }
0x100: {  	[spmem:s2] =	stream.indirect.scatter.add.f32 [tilespmem:s11], [sflag:$0x3], $0x80, s14, s8, $0xb8;
	[tilespmem:$0x1E800] =	vst v63  }
0x101: {  	_ =	swait.ge [sflag:s10], $0x4000  }
0x102: {  	[sflag:s10] =	ssyncset.done $0x0  }
0x103: {  	s14 =	sadd.s32 $0x16800, s7;
	[sflag:s10] =	ssyncadd.s32 $0xFFFFC000  }
0x104: {  	[tilespmem:s11], [sflag:$0x1] =	stream.indirect.gather [hbm4b:s5+s8], $0x80, s14, s8, $0xb8;
	[tilespmem:$0x1E800] =	vst v63  }
0x105: {  	_ =	swait.ge [sflag:s13], $0x4000  }
.Ltmp4:
0x106: {  	[sflag:s13] =	ssyncset.done $0x0;
	(pc) =	sbr.rel @p0 .LBB2_8-.Ltmp4, $4  }
0x107: {  	s7 =	sadd.s32 $0x16780, s7;
	[sflag:s13] =	ssyncadd.s32 $0xFFFFC000  }
0x108: {  	[spmem:s2] =	stream.indirect.scatter.add.f32 [tilespmem:s9], [sflag:$0x3], $0x80, s7, s8, $0xb8;
	[tilespmem:$0x1E800] =	vst v63  }
0x109: {  	_ =	swait.ge [sflag:s10], $0x4000  }
0x10a: {  	s14 =	smov.u32 s17;
	s7 =	sshra.s32 s16, $0x2;
	[sflag:s10] =	ssyncset.done $0x0  }
0x10b: {  	s14 =	sadd.s32 $0x16700, s7;
	[sflag:s10] =	ssyncadd.s32 $0xFFFFC000  }
0x10c: {  	[tilespmem:s9], [sflag:$0x2] =	stream.indirect.gather [hbm4b:s5+s8], $0x80, s14, s8, $0xb8;
	[tilespmem:$0x1E800] =	vst v63  }
0x10d: {  	_ =	swait.ge [sflag:s12], $0x4000  }
0x10e: {  	[sflag:s12] =	ssyncset.done $0x0  }
0x10f: {  	s19 =	sadd.s32 $0x16680, s7;
	[sflag:s12] =	ssyncadd.s32 $0xFFFFC000  }
0x110: {  	[spmem:s2] =	stream.indirect.scatter.add.f32 [tilespmem:s11], [sflag:$0x3], $0x80, s19, s8, $0xb8;
	[tilespmem:$0x1E800] =	vst v63  }
0x111: {  	_ =	swait.ge [sflag:s10], $0x4000  }
0x112: {  	[sflag:s10] =	ssyncset.done $0x0  }
0x113: {  	s20 =	sadd.s32 $0x16800, s7;
	[sflag:s10] =	ssyncadd.s32 $0xFFFFC000  }
0x114: {  	[tilespmem:s11], [sflag:$0x1] =	stream.indirect.gather [hbm4b:s5+s8], $0x80, s20, s8, $0xb8;
	[tilespmem:$0x1E800] =	vst v63  }
0x115: {  	_ =	swait.ge [sflag:s13], $0x4000  }
0x116: {  	[sflag:s13] =	ssyncset.done $0x0  }
0x117: {  	s21 =	sadd.s32 $0x16780, s7;
	[sflag:s13] =	ssyncadd.s32 $0xFFFFC000  }
0x118: {  	[spmem:s2] =	stream.indirect.scatter.add.f32 [tilespmem:s9], [sflag:$0x3], $0x80, s21, s8, $0xb8;
	[tilespmem:$0x1E800] =	vst v63  }
0x119: {  	_ =	swait.ge [sflag:s10], $0x4000  }
0x11a: {  	s22 =	simm.s32 $0x80;
	s23 =	simm.s32 $0x16700;
	[sflag:s10] =	ssyncset.done $0x0  }
0x11b: {  	s24 =	simm.s32 $0x1A800;
	s25 =	simm.s32 $0x1;
	[sflag:s10] =	ssyncadd.s32 $0xFFFFC000  }
0x11c: {  	[tilespmem:s24], [sflag:$0x2] =	stream.indirect.gather [hbm4b:s5+s22], $0x80, s23, s22, $0xb8;
	[tilespmem:$0x1E800] =	vst v63  }
0x11d: {  	_ =	swait.ge [sflag:s25], $0x4000  }
0x11e: {  	s26 =	simm.s32 $0x16680;
	[sflag:s25] =	ssyncset.done $0x0  }
0x11f: {  	s28 =	simm.s32 $0x16800;
	s29 =	simm.s32 $0x3;
	[sflag:s25] =	ssyncadd.s32 $0xFFFFC000  }
0x120: {  	[spmem:s2] =	stream.indirect.scatter.add.f32 [tilespmem:s28], [sflag:$0x3], $0x80, s26, s22, $0xb8;
	[tilespmem:$0x1E800] =	vst v63  }
0x121: {  	_ =	swait.ge [sflag:s29], $0x4000  }
0x122: {  	[sflag:s29] =	ssyncset.done $0x0  }
0x123: {  	s30 =	simm.s32 $0x2;
	[sflag:s29] =	ssyncadd.s32 $0xFFFFC000  }
0x124: {  	_ =	swait.ge [sflag:s30], $0x4000  }
0x125: {  	[sflag:s30] =	ssyncset.done $0x0  }
0x126: {  	s31 =	simm.s32 $0x16780;
	[sflag:s30] =	ssyncadd.s32 $0xFFFFC000  }
0x127: {  	[spmem:s2] =	stream.indirect.scatter.add.f32 [tilespmem:s24], [sflag:$0x3], $0x80, s31, s22, $0xb8;
	[tilespmem:$0x1E800] =	vst v63  }
0x128: {  	_ =	swait.ge [sflag:s29], $0x4000  }
0x129: {  	[sflag:s29] =	ssyncset.done $0x0  }
0x12a: {  	[sflag:s29] =	ssyncadd.s32 $0xFFFFC000  }
0x12b: {  	[bflag:$0x0] =	sbarrier.arrive $0xFFFF  }
0x12c: {  	[hbm:s6], [sflag:s3] =	dma.local [spmem:s4], $0x2800  }
0x12d: {  	_ =	swait.ge [sflag:s29], $0x2800  }
0x12e: {  	[sflag:s29] =	ssyncset.done $0x0  }
0x12f: {  	[sflag:s29] =	ssyncadd.s32 $0xFFFFD800  }
.LBB2_10:
0x130: {  	_ =	sfence.sel $0x180000  }
0x131: {  	[bflag:$0x0] =	sbarrier.arrive $0xFFFF  }
0x132: {  	p0 =	sne.s32 s1, $0x0;
	_ =	strace $0x9000004D  }
0x133: {  	s0 =	sadd.s32 @!p0 $0x100000, s0;
	[bflag:$0x2] =	sbarrier.arrive $0xFFFF  }
0x134: {  	[sflag:s0] =	ssyncadd.tile.s32 @!p0 $0x1;
	_ =	shalt  }
.Lfunc_end2:
_tile_overlayer_lowered:
.L_overlay_start_2:
0x135: {  	(tag) =	ssettag $0x2  }
0x136: {  	s0 =	rddreg [dreg:$0x0];
	s2 =	stileid.u32  }
0x137: {  	s1 =	rddreg [dreg:$0x1];
	p0 =	sne.s32 s2, $0x0  }
0x138: {  	s3 =	rddreg [dreg:$0x2];
	[bflag:$0x3] =	sbarrier.arrive $0xFFFF;
	s2 =	simm.s32 @!p0 $0x1C03  }
0x139: {  	[timem:s3], [sflag:s2] =	dma.local @!p0 [hbm:s0], s1  }
0x13a: {  	s0 =	simm.s32 @!p0 $0x3  }
0x13b: {  	_ =	swait.ge @!p0 [sflag:s0], s1  }
0x13c: {  	s1 =	ssub.s32 @!p0 $0x0, s1;
	[sflag:s0] =	ssyncset.done @!p0 $0x0  }
0x13d: {  	[sflag:s0] =	ssyncadd.s32 @!p0 s1  }
0x13e: {  	[bflag:$0x3] =	sbarrier.arrive $0xFFFF  }
0x13f: {  	_ =	shalt  }

// kernel: kernel.8.cloned.1.call-start
scs
__scs_entry_jumppad:
0x0: {  	(pc) =	sbr.rel $0x88, $3  }
0x1: {  	(tag) =	ssettag $0x0;
	lr =	simm.s32 $0x1  }
0x2: {  	[smem:$0x3F99] =	sst lr;
	_ =	strace $0xD0000000  }
0x3: {  	_ = 	snop  }
0x4: {  	_ = 	snop  }
0x5: {  	_ = 	snop  }
0x6: {  	_ = 	snop  }
0x7: {  	_ = 	snop  }
__scs_overlays_trampoline_lowered:
0x8: {  	[smem:$0x3FA8] =	sst s0  }
0x9: {  	[smem:$0x3FA9] =	sst s1  }
0xa: {  	[smem:$0x3FAA] =	sst s2  }
0xb: {  	[smem:$0x3FAB] =	sst s3  }
0xc: {  	[smem:$0x3FAC] =	sst s4  }
0xd: {  	[smem:$0x3FAD] =	sst s5  }
0xe: {  	[smem:$0x3FAE] =	sst s6  }
0xf: {  	[smem:$0x3FAF] =	sst s7  }
0x10: {  	[smem:$0x3FB0] =	sst s8  }
0x11: {  	[smem:$0x3FB1] =	sst s9;
	s0 =	simm.s32 @!p0 $0x0  }
0x12: {  	s1 =	sld [smem:$0x3F97];
	s0 =	simm.s32 @p0 $0x1  }
0x13: {  	[smem:$0x3FB2] =	sst s0;
	s0 =	simm.s32 @!p1 $0x0  }
0x14: {  	s2 =	sld [smem:$0x3F96];
	s0 =	simm.s32 @p1 $0x1  }
0x15: {  	[smem:$0x3FB3] =	sst s0;
	s0 =	simm.s32 @!p2 $0x0  }
0x16: {  	s3 =	sld [smem:$0x3FDB];
	s0 =	simm.s32 @p2 $0x1  }
0x17: {  	s4 =	simm.s32 $0x1BF5;
	[smem:$0x3FB5] =	sst s0  }
0x18: {  	s0 =	sld [smem:$0x3F98];
	_ =	swait.ge [sflag:s4], $0x0  }
0x19: {  	s7 =	sld [smem:$0x3F99]  }
0x1a: {  	s8 =	sadd.s32 $0xFFFFE003, lr  }
0x1b: {  	s9 =	sadd.s32 $0xFFFFFEF7, lr;
	s5 =	simm.s32 $0xFFFFFFFF;
	p2 =	slt.u32 s8, $0xFFFFF086  }
0x1c: {  	p1 =	slt.u32 s9, $0xF7A;
	s5 =	simm.s32 @!p2 $0x0  }
0x1d: {  	s5 =	simm.s32 @p1 $0x1;
	p0 =	seq.s32 s7, s2  }
0x1e: {  	s7 =	smul.u32 @!p0 $0xF7A, s2;
	p2 =	seq.s32 @!p0 s5, $0x0  }
0x1f: {  	s9 =	smul.u32 $0xF7A, s1;
	s8 =	simm.s32 @!p0 $0x1BF5;
	p2 =	por !p2, p0  }
0x20: {  	[sflag:s8] =	ssyncset.s32 @!p0 $0xFFFFF086;
	s6 =	sadd.s32 @!p0 s3, s7;
	s7 =	simm.s32 @!p0 $0x108  }
0x21: {  	s3 =	sadd.s32 s3, s9;
	s6 =	sadd.s32 @!p0 $0x88, s6;
	s7 =	simm.s32 @p2 $0x1082  }
0x22: {  	[simem:s7], [sflag:s8] =	dma.local @!p0 [hbm:s6], $0xF7A  }
0x23: {  	s9 =	sor.u32 $0xD0000000, s2;
	s6 =	simm.s32 $0x108;
	_ =	swait.ge @!p0 [sflag:s8], $0x0  }
0x24: {  	s3 =	sadd.s32 $0x88, s3;
	s6 =	simm.s32 @!p1 $0x1082;
	[sflag:s4] =	ssyncset.s32 $0xFFFFF086  }
0x25: {  	[simem:s6], [sflag:s4] =	dma.local [hbm:s3], $0xF7A  }
0x26: {  	[smem:$0x3F99] =	sst s1;
	(tag) =	ssettag s2;
	_ =	strace s9  }
0x27: {  	s1 =	sld [smem:$0x3FA9]  }
0x28: {  	s2 =	sld [smem:$0x3FAA]  }
0x29: {  	s4 =	sld [smem:$0x3FAC]  }
0x2a: {  	p0 =	seq.s32 s5, $0x0;
	s5 =	sld [smem:$0x3FAD]  }
0x2b: {  	s6 =	sld [smem:$0x3FAE]  }
0x2c: {  	s7 =	sld [smem:$0x3FAF]  }
0x2d: {  	s3 =	simm.s32 $0x108;
	s8 =	sld [smem:$0x3FB0]  }
0x2e: {  	s3 =	simm.s32 @!p0 $0x1082;
	s9 =	sld [smem:$0x3FB1]  }
0x2f: {  	lr =	sadd.s32 s0, s3;
	s0 =	sld [smem:$0x3FA8]  }
0x30: {  	s3 =	sld [smem:$0x3FAB]  }
0x31: {  	[smem:$0x3FB4] =	sst s10  }
0x32: {  	s10 =	sld [smem:$0x3FB2];
	_ =	sdelay $0x3  }
0x33: {  	p0 =	seq.s32 s10, $0x1;
	s10 =	sld [smem:$0x3FB4];
	_ =	sdelay $0x3  }
0x34: {  	[smem:$0x3FB4] =	sst s10  }
0x35: {  	s10 =	sld [smem:$0x3FB3];
	_ =	sdelay $0x3  }
0x36: {  	p1 =	seq.s32 s10, $0x1;
	s10 =	sld [smem:$0x3FB4];
	_ =	sdelay $0x3  }
0x37: {  	[smem:$0x3FB4] =	sst s10  }
0x38: {  	s10 =	sld [smem:$0x3FB5]  }
0x39: {  	_ = 	snop;
	(pc) =	sbr.ind lr, $3  }
0x3a: {  	_ = 	snop  }
0x3b: {  	_ = 	snop  }
0x3c: {  	p2 =	seq.s32 s10, $0x1;
	s10 =	sld [smem:$0x3FB4]  }
0x3d: {  	_ =	shalt  }
0x3e: {  	_ =	shalt  }
0x3f: {  	_ =	shalt  }
0x40: {  	_ =	shalt  }
0x41: {  	_ =	shalt  }
0x42: {  	_ =	shalt  }
0x43: {  	_ =	shalt  }
0x44: {  	_ =	shalt  }
0x45: {  	_ =	shalt  }
0x46: {  	_ =	shalt  }
0x47: {  	_ =	shalt  }
0x48: {  	_ =	shalt  }
0x49: {  	_ =	shalt  }
0x4a: {  	_ =	shalt  }
0x4b: {  	_ =	shalt  }
0x4c: {  	_ =	shalt  }
0x4d: {  	_ =	shalt  }
0x4e: {  	_ =	shalt  }
0x4f: {  	_ =	shalt  }
0x50: {  	_ =	shalt  }
0x51: {  	_ =	shalt  }
0x52: {  	_ =	shalt  }
0x53: {  	_ =	shalt  }
0x54: {  	_ =	shalt  }
0x55: {  	_ =	shalt  }
0x56: {  	_ =	shalt  }
0x57: {  	_ =	shalt  }
0x58: {  	_ =	shalt  }
0x59: {  	_ =	shalt  }
0x5a: {  	_ =	shalt  }
0x5b: {  	_ =	shalt  }
0x5c: {  	_ =	shalt  }
0x5d: {  	_ =	shalt  }
0x5e: {  	_ =	shalt  }
0x5f: {  	_ =	shalt  }
0x60: {  	_ =	shalt  }
0x61: {  	_ =	shalt  }
0x62: {  	_ =	shalt  }
0x63: {  	_ =	shalt  }
0x64: {  	_ =	shalt  }
0x65: {  	_ =	shalt  }
0x66: {  	_ =	shalt  }
0x67: {  	_ =	shalt  }
0x68: {  	_ =	shalt  }
0x69: {  	_ =	shalt  }
0x6a: {  	_ =	shalt  }
0x6b: {  	_ =	shalt  }
0x6c: {  	_ =	shalt  }
0x6d: {  	_ =	shalt  }
0x6e: {  	_ =	shalt  }
0x6f: {  	_ =	shalt  }
0x70: {  	_ =	shalt  }
0x71: {  	_ =	shalt  }
0x72: {  	_ =	shalt  }
0x73: {  	_ =	shalt  }
0x74: {  	_ =	shalt  }
0x75: {  	_ =	shalt  }
0x76: {  	_ =	shalt  }
0x77: {  	_ =	shalt  }
0x78: {  	_ =	shalt  }
0x79: {  	_ =	shalt  }
0x7a: {  	_ =	shalt  }
0x7b: {  	_ =	shalt  }
0x7c: {  	_ =	shalt  }
0x7d: {  	_ =	shalt  }
0x7e: {  	_ =	shalt  }
0x7f: {  	_ =	shalt  }
0x80: {  	_ =	shalt  }
0x81: {  	_ =	shalt  }
0x82: {  	_ =	shalt  }
0x83: {  	_ =	shalt  }
0x84: {  	_ =	shalt  }
0x85: {  	_ =	shalt  }
0x86: {  	_ =	shalt  }
0x87: {  	_ =	shalt  }
.Lfunc_end0:
.L_simem_size_0:
called_computation_lowered:
.L_overlay_start_0:
0x88: {  	s2 =	sld [smem:$0x3FD9]  }
0x89: {  	s3 =	sld [smem:$0x3FFE];
	_ =	sdelay $0x1  }
0x8a: {  	s1 =	srdreg.scid  }
0x8b: {  	s0 =	sand.u32 $0x1, s1  }
0x8c: {  	s16 =	sshll.u32 s0, $0xA;
	s2 =	sadd.s32 s3, s2  }
0x8d: {  	s2 =	sadd.s32 s2, s16  }
0x8e: {  	[smem:$0x3FC0] =	sst s2  }
0x8f: {  	_ = 	snop  }
0x90: {  	(tm) =	ssettm $0x1  }
0x91: {  	s17 =	sld [smem:$0x3FFB];
	_ =	sdelay $0x3  }
0x92: {  	_ =	strace s17  }
0x93: {  	s2 =	sld [smem:$0x3FFC];
	_ =	sdelay $0x3  }
0x94: {  	_ =	strace s2  }
0x95: {  	s2 =	sld [smem:$0x3FFD];
	_ =	sdelay $0x3  }
0x96: {  	_ =	strace s2  }
0x97: {  	_ =	strace $0x8FFFFFFF  }
0x98: {  	s18 =	sld [smem:$0x3FDB];
	_ =	sdelay $0x1  }
0x99: {  	s19 =	simm.s32 $_scs_section_size  }
0x9a: {  	s4 =	simm.s32 $_size__tile_overlayer_lowered;
	s5 =	simm.s32 $_tile_overlayer_lowered  }
0x9b: {  	s22 =	simm.s32 $0x1BFF;
	s21 =	sshll.u32 s5, $0x1;
	s2 =	sadd.s32 s19, s18  }
0x9c: {  	s6 =	simm.s32 $0x0;
	s20 =	sshll.u32 s4, $0x1;
	s4 =	sadd.s32 s21, s2  }
0x9d: {  	[timem:s6], [sflag:s22] =	dma.local [hbm:s4], s20  }
0x9e: {  	_ =	swait.ge [sflag:s22], s20  }
0x9f: {  	s3 =	ssub.s32 $0x0, s20;
	[sflag:s22] =	ssyncset.done $0x0  }
0xa0: {  	[sflag:s22] =	ssyncadd.s32 s3;
	_ =	sdelay $0x1  }
0xa1: {  	s23 =	simm.s32 $0x1B8B  }
0xa2: {  	_ =	swait.ge [sflag:s23], $0x1  }
0xa3: {  	[sflag:s23] =	ssyncset.done $0x0  }
0xa4: {  	s25 =	simm.s32 $0x1B8E;
	s24 =	sld [smem:$0x3FFE];
	[sflag:s23] =	ssyncadd.s32 $0xFFFFFFFF  }
0xa5: {  	s26 =	simm.s32 $execute0_lowered;
	[smem:$0x3FD2] =	sst s25  }
0xa6: {  	s4 =	sshll.u32 s26, $0x1;
	_ =	strace $0x80000046;
	[dreg:$0x1] =	wrdreg $0xFFFFFFFF  }
0xa7: {  	s28 =	simm.s32 $_size_execute0_lowered;
	s2 =	sadd.s32 s2, s4;
	[dreg:$0x0] =	wrdreg $0x0  }
0xa8: {  	s4 =	sshll.u32 s28, $0x1;
	[dreg:$0x2] =	wrdreg s2  }
0xa9: {  	[dreg:$0x3] =	wrdreg s4  }
0xaa: {  	[dreg:$0x4] =	wrdreg $0xC0  }
0xab: {  	_ =	task [dreg:s6], $0x5FFFF  }
0xac: {  	[dreg:$0x1] =	wrdreg $0xFFFFFFFF  }
0xad: {  	[dreg:$0x0] =	wrdreg $0x60  }
0xae: {  	[dreg:$0x2] =	wrdreg s24  }
0xaf: {  	[dreg:$0x3] =	wrdreg $0x0  }
0xb0: {  	[dreg:$0x4] =	wrdreg $0x9  }
0xb1: {  	_ =	task.clear_ibuf [dreg:s6], $0x5FFFF;
	_ =	strace $0x90000046  }
0xb2: {  	s29 =	simm.s32 $0x9;
	_ =	strace $0x80000048  }
0xb3: {  	_ =	swait.ge [sflag:s29], $0x1  }
0xb4: {  	[sflag:s29] =	ssyncadd.s32 $0xFFFFFFFF  }
0xb5: {  	_ =	strace $0x90000048  }
0xb6: {  	_ =	sfence  }
0xb7: {  	s30 =	sld [smem:$0x0];
	_ =	sdelay $0x2  }
0xb8: {  	s31 =	sshll.u32 s1, $0xD;
	s1 =	sshrl.u32 s1, $0x2  }
0xb9: {  	s3 =	sand.u32 $0x4000, s31;
	s1 =	sadd.s32 s1, s30  }
0xba: {  	s0 =	sor.u32 s3, s0;
	s1 =	sshll.u32 s1, $0x11  }
0xbb: {  	s0 =	sor.u32 s1, s0  }
0xbc: {  	s0 =	sadd.s32 $0x8F2B, s0  }
0xbd: {  	[sflag:s0] =	ssyncadd.remote.s32 $0x1  }
0xbe: {  	_ =	sfence.sel $0xFFFF  }
0xbf: {  	[dreg:$0x0] =	wrdreg $0xFFFFFFFF;
	(pc) =	sbr.abs _section_cstart, $3  }
0xc0: {  	[dreg:$0x1] =	wrdreg $0xFFFFFFFF  }
0xc1: {  	_ =	task.clear_ibuf [dreg:s6], $0x2FFFF;
	_ =	strace $0x9FFFFFFF  }
0xc2: {  	(tm) =	ssettm $0x7FFFFFFF  }
0xc3: {  	_ =	shalt  }
tec
execute0_lowered:
.L_overlay_start_1:
0x0: {  	(tag) =	ssettag $0x1  }
0x1: {  	s4 =	rddreg [dreg:$0x0]  }
0x2: {  	s2 =	rddreg [dreg:$0x1]  }
0x3: {  	s0 =	rddreg [dreg:$0x2]  }
0x4: {  	s5 =	srdreg.scid;
	s1 =	stileid.u32  }
0x5: {  	s3 =	simm.s32 $0x0;
	s10 =	simm.s32 $0x280;
	s11 =	simm.s32 $0x80  }
0x6: {  	s12 =	simm.s32 $0x5280;
	s15 =	simm.s32 $0x20;
	s16 =	simm.s32 $0x10  }
0x7: {  	s17 =	simm.s32 $0x0;
	s5 =	sand.u32 $0x1, s5;
	s7 =	smul.u32 $0x500, s1  }
0x8: {  	s6 =	sshll.u32 s1, $0x1;
	[smem:$0x7FF] =	sst s3;
	s30 =	smul.u32 $0xA00, s1  }
0x9: {  	s13 =	sshll.u32 s1, $0x6;
	s6 =	sor.u32 s5, s6;
	_ =	strace $0x80000047  }
0xa: {  	s8 =	sshll.u32 s5, $0x7;
	s5 =	ssub.s32 $0x2, s5;
	s13 =	sor.u32 $0x1C01, s13  }
0xb: {  	s6 =	smul.u32 $0xA00, s6;
	s7 =	sor.u32 s8, s7;
	s9 =	sshrl.u32 s5, $0x1  }
0xc: {  	s31 =	sshrl.u32 s30, $0x2;
	s8 =	simm.s32 $0x5300;
	s7 =	sshrl.u32 s7, $0x3  }
0xd: {  	s9 =	ssub.s32 s5, s9;
	s6 =	sadd.s32 s6, s4;
	s7 =	sadd.s32 s7, s4  }
0xe: {  	s4 =	sadd.s32 s31, s2;
	s5 =	sadd.s32 $0x2400, s6;
	s6 =	sadd.s32 $0x16400, s7  }
0xf: {  	v0 =	vimm.f32 $0.0e+00;
	v1 =	vimm.f32 $1.000000000e+00;
	s7 =	smax.u32 s9, $0x1;
	s9 =	simm.s32 $0x1;
	s14 =	sshrl.u32 s4, $0x3  }
.LBB2_1:
0x10: {  	[tilespmem:$0x5300] =	vst v0  }
0x11: {  	[tilespmem:$0x5310] =	vst v0  }
0x12: {  	[tilespmem:$0x5320] =	vst v0  }
0x13: {  	[tilespmem:$0x5330] =	vst v0  }
0x14: {  	[tilespmem:$0x5340] =	vst v0  }
0x15: {  	[tilespmem:$0x5350] =	vst v0  }
0x16: {  	[tilespmem:$0x5360] =	vst v0  }
0x17: {  	[tilespmem:$0x5370] =	vst v0  }
0x18: {  	[tilespmem:$0x5380] =	vst v0  }
0x19: {  	[tilespmem:$0x5390] =	vst v0  }
0x1a: {  	[tilespmem:$0x53A0] =	vst v0  }
0x1b: {  	[tilespmem:$0x53B0] =	vst v0  }
0x1c: {  	[tilespmem:$0x53C0] =	vst v0  }
0x1d: {  	[tilespmem:$0x53D0] =	vst v0  }
0x1e: {  	[tilespmem:$0x53E0] =	vst v0  }
0x1f: {  	[tilespmem:$0x53F0] =	vst v0  }
0x20: {  	[tilespmem:$0x5400] =	vst v0  }
0x21: {  	[tilespmem:$0x5410] =	vst v0  }
0x22: {  	[tilespmem:$0x5420] =	vst v0  }
0x23: {  	[tilespmem:$0x5430] =	vst v0  }
0x24: {  	[tilespmem:$0x5440] =	vst v0  }
0x25: {  	[tilespmem:$0x5450] =	vst v0  }
0x26: {  	[tilespmem:$0x5460] =	vst v0  }
0x27: {  	[tilespmem:$0x5470] =	vst v0  }
0x28: {  	[tilespmem:$0x5480] =	vst v0  }
0x29: {  	[tilespmem:$0x5490] =	vst v0  }
0x2a: {  	[tilespmem:$0x54A0] =	vst v0  }
0x2b: {  	[tilespmem:$0x54B0] =	vst v0  }
0x2c: {  	[tilespmem:$0x54C0] =	vst v0  }
0x2d: {  	[tilespmem:$0x54D0] =	vst v0  }
0x2e: {  	[tilespmem:$0x54E0] =	vst v0  }
0x2f: {  	[tilespmem:$0x54F0] =	vst v0  }
0x30: {  	[tilespmem:$0x5500] =	vst v0  }
0x31: {  	[tilespmem:$0x5510] =	vst v0  }
0x32: {  	[tilespmem:$0x5520] =	vst v0  }
0x33: {  	[tilespmem:$0x5530] =	vst v0  }
0x34: {  	[tilespmem:$0x5540] =	vst v0  }
0x35: {  	[tilespmem:$0x5550] =	vst v0  }
0x36: {  	[tilespmem:$0x5560] =	vst v0  }
0x37: {  	[tilespmem:$0x5570] =	vst v0  }
0x38: {  	[tilespmem:$0x5280] =	vst v1  }
0x39: {  	[tilespmem:$0x5290] =	vst v1  }
0x3a: {  	[tilespmem:$0x52A0] =	vst v1  }
0x3b: {  	[tilespmem:$0x52B0] =	vst v1  }
0x3c: {  	[tilespmem:$0x52C0] =	vst v1  }
0x3d: {  	[tilespmem:$0x52D0] =	vst v1  }
0x3e: {  	[tilespmem:$0x52E0] =	vst v1  }
0x3f: {  	[tilespmem:$0x52F0] =	vst v1  }
0x40: {  	[spmem:s4] =	stream.linear.scatter [tilespmem:s8], [sflag:$0x1], $0x280, $0x38;
	[tilespmem:$0x5580] =	vst v63  }
0x41: {  	_ =	swait.ge [sflag:s9], $0x280  }
0x42: {  	[sflag:s9] =	ssyncset.done $0x0  }
0x43: {  	[sflag:s9] =	ssyncadd.s32 $0xFFFFFD80  }
0x44: {  	[bflag:$0x0] =	sbarrier.arrive $0xFFFF  }
0x45: {  	[tilespmem:s10], [sflag:$0x1] =	stream.linear.gather [hbm4b:s5+s3], $0x5000, $0x38;
	[tilespmem:$0x5580] =	vst v63  }
0x46: {  	_ =	swait.ge [sflag:s9], $0x5000  }
0x47: {  	[sflag:s9] =	ssyncset.done $0x0  }
0x48: {  	s18 =	simm.s32 $0x300;
	[sflag:s9] =	ssyncadd.s32 $0xFFFFB000  }
0x49: {  	[spmem:s2] =	stream.indirect.scatter.add.f32 [tilespmem:s12], [sflag:$0x1], $0x1, s18, s11, $0xb8;
	[tilespmem:$0x5580] =	vst v63  }
0x4a: {  	s18 =	simm.s32 $0x600;
	_ =	swait.ge [sflag:s9], $0x80  }
.LBB2_2:
0x4b: {  	s19 =	sshra.s32 s18, $0x2;
	[sflag:s9] =	ssyncset.done $0x0;
	p0 =	sne.s32 s18, $0x13E00  }
.Ltmp0:
0x4c: {  	s19 =	sadd.s32 $0x280, s19;
	[sflag:s9] =	ssyncadd.s32 $0xFFFFFF80;
	(pc) =	sbr.rel @p0 .LBB2_2-.Ltmp0, $3  }
0x4d: {  	[spmem:s2] =	stream.indirect.scatter.add.f32 [tilespmem:s12], [sflag:$0x1], $0x1, s19, s11, $0xb8;
	[tilespmem:$0x5580] =	vst v63  }
0x4e: {  	s18 =	sadd.s32 $0x400, s18;
	_ =	sdelay $0x1  }
0x4f: {  	_ =	swait.ge [sflag:s9], $0x80  }
0x50: {  	[sflag:s9] =	ssyncset.done $0x0;
	s17 =	sadd.s32 $0x1, s17  }
0x51: {  	[sflag:s9] =	ssyncadd.s32 $0xFFFFFF80;
	p0 =	sne.s32 s17, s7  }
.Ltmp1:
0x52: {  	[bflag:$0x0] =	sbarrier.arrive $0xFFFF;
	(pc) =	sbr.rel @p0 .LBB2_1-.Ltmp1, $4  }
0x53: {  	[hbm:s6@s15], [sflag:s13] =	dma.strided [spmem:s14@s16], $0x50, s9, $0x10   }
0x54: {  	_ =	swait.ge [sflag:s9], $0x50  }
0x55: {  	[sflag:s9] =	ssyncset.done $0x0  }
0x56: {  	[sflag:s9] =	ssyncadd.s32 $0xFFFFFFB0  }
0x57: {  	_ =	sfence.sel $0x180000  }
0x58: {  	[bflag:$0x0] =	sbarrier.arrive $0xFFFF  }
0x59: {  	p0 =	sne.s32 s1, $0x0;
	_ =	strace $0x90000047  }
0x5a: {  	s0 =	sadd.s32 @!p0 $0x100000, s0;
	[bflag:$0x2] =	sbarrier.arrive $0xFFFF  }
0x5b: {  	[sflag:s0] =	ssyncadd.tile.s32 @!p0 $0x1;
	_ =	shalt  }
.Lfunc_end2:
_tile_overlayer_lowered:
.L_overlay_start_2:
0x5c: {  	(tag) =	ssettag $0x2  }
0x5d: {  	s0 =	rddreg [dreg:$0x0];
	s2 =	stileid.u32  }
0x5e: {  	s1 =	rddreg [dreg:$0x1];
	p0 =	sne.s32 s2, $0x0  }
0x5f: {  	s3 =	rddreg [dreg:$0x2];
	[bflag:$0x3] =	sbarrier.arrive $0xFFFF;
	s2 =	simm.s32 @!p0 $0x1C01  }
0x60: {  	[timem:s3], [sflag:s2] =	dma.local @!p0 [hbm:s0], s1  }
0x61: {  	s0 =	simm.s32 @!p0 $0x1  }
0x62: {  	_ =	swait.ge @!p0 [sflag:s0], s1  }
0x63: {  	s1 =	ssub.s32 @!p0 $0x0, s1;
	[sflag:s0] =	ssyncset.done @!p0 $0x0  }
0x64: {  	[sflag:s0] =	ssyncadd.s32 @!p0 s1  }
0x65: {  	[bflag:$0x3] =	sbarrier.arrive $0xFFFF  }
0x66: {  	_ =	shalt  }

</sc_bundles>
